<compile_context>
chip_gen: v7x
topology: tpu7x:2x2x1
jax: 0.10.2.dev20260603
libtpu: 0.0.44.dev20260713+nightly
codegen_flags: <defaults>
</compile_context>

<pallas_src>
import numpy as np

import jax
import jax.numpy as jnp
from jax import lax
from jax.experimental import pallas as pl
from jax.experimental.pallas import tpu as pltpu
from jax.experimental.pallas import tpu_sc as plsc

N = 10000
H = 128
NF = 9
NG = 64
NC = 2
NS = 16
NW = NC * NS
NPAD = 10240
NCPC = 40
NPC = NCPC * 128
TPC = NPAD // NS
E2 = 327680
EPT = E2 // NW
KE = E2 // NW // 128
NBLK = 20


def _lchunk(sid):
    return jnp.where(sid < 8, 3 * sid, 8 + 2 * sid)



def _zero_tile_buf(buf):
    def body(r, c):
        for t in range(H // 16):
            buf[r, pl.ds(t * 16, 16)] = jnp.zeros((16,), jnp.float32)
        return c
    lax.fori_loop(0, buf.shape[0], body, 0)


def _sc_enc_body(emb_hbm, gidx_hbm, tgt_hbm, dste_hbm, h0_hbm, degp_hbm,
                 h0_sh, gidxb, tgtb, t0, t1, t2, t3, dstb_v, degl_v,
                 g0, g1, g2, g3, s0, s1, s2, s3):
    cid = lax.axis_index("c")
    sid = lax.axis_index("s")
    w = cid * NS + sid
    nit = jnp.where(sid < 8, 23, 22)
    lbase = _lchunk(sid) * 128
    tmp = (t0, t1, t2, t3)
    gs = (g0, g1, g2, g3)
    ss = (s0, s1, s2, s3)

    pltpu.sync_copy(gidx_hbm.at[w], gidxb)
    pltpu.sync_copy(tgt_hbm.at[w], tgtb)
    _zero_tile_buf(t0)

    for q in range(2):
        pltpu.async_copy(t0, h0_sh.at[pl.ds(lbase + q * 128, 128)], ss[q])

    @pl.when(sid < 8)
    def _():
        pltpu.async_copy(t0, h0_sh.at[pl.ds(lbase + 2 * 128, 128)], ss[2])
    for q in range(2):
        pltpu.make_async_copy(t0, h0_sh.at[pl.ds(0, 128)], ss[q]).wait()

    @pl.when(sid < 8)
    def _():
        pltpu.make_async_copy(t0, h0_sh.at[pl.ds(0, 128)], ss[2]).wait()
    plsc.subcore_barrier()

    def ebody(p, c):
        ks = [4 * p + b for b in range(4)]
        for b in range(4):
            @pl.when(ks[b] < nit)
            def _():
                @pl.when(p > 0)
                def _():
                    pltpu.make_async_copy(
                        tmp[b], h0_sh.at[pl.ds(0, 128)], ss[b]).wait()
                pltpu.async_copy(emb_hbm.at[gidxb.at[ks[b]]], tmp[b], gs[b])
        for b in range(4):
            @pl.when(ks[b] < nit)
            def _():
                pltpu.make_async_copy(
                    emb_hbm.at[pl.ds(0, 128)], tmp[b], gs[b]).wait()
                pltpu.async_copy(tmp[b], h0_sh.at[tgtb.at[ks[b]]],
                                 ss[b], add=True)
        return c
    lax.fori_loop(0, 6, ebody, 0)

    def zdeg(i, c):
        degl_v[pl.ds(i * 16, 16)] = jnp.zeros((16,), jnp.float32)
        return c
    lax.fori_loop(0, NPAD // 16, zdeg, 0)
    ones16 = jnp.ones((16,), jnp.float32)
    for hh in range(2):
        pltpu.sync_copy(dste_hbm.at[pl.ds(w * EPT + hh * (EPT // 2),
                                          EPT // 2)], dstb_v)

        def dbody(j, c):
            idx = dstb_v[pl.ds(j * 16, 16)]
            plsc.addupdate_scatter(degl_v, [idx], ones16)
            return c
        lax.fori_loop(0, EPT // 2 // 16, dbody, 0)
    pltpu.sync_copy(degl_v, degp_hbm.at[pl.ds(w * NPAD, NPAD)])

    for b in range(4):
        pltpu.make_async_copy(tmp[b], h0_sh.at[pl.ds(0, 128)], ss[b]).wait()
    plsc.subcore_barrier()

    @pl.when(sid < 8)
    def _():
        pltpu.sync_copy(h0_sh.at[pl.ds(lbase, 384)],
                        h0_hbm.at[pl.ds(cid * NPC + lbase, 384)])

    @pl.when(sid >= 8)
    def _():
        pltpu.sync_copy(h0_sh.at[pl.ds(lbase, 256)],
                        h0_hbm.at[pl.ds(cid * NPC + lbase, 256)])


def _sc_conv_body(hw_hbm, srce_hbm, dste_hbm, aggp_hbm,
                  agg_sh, srcb_v, dstb_v, t0, t1, t2, t3,
                  g0, g1, g2, g3, s0, s1, s2, s3):
    cid = lax.axis_index("c")
    sid = lax.axis_index("s")
    w = cid * NS + sid
    nbase = sid * TPC
    tmp = (t0, t1, t2, t3)
    gs = (g0, g1, g2, g3)
    ss = (s0, s1, s2, s3)

    _zero_tile_buf(t0)
    for q in range(TPC // 64):
        pltpu.async_copy(t0, agg_sh.at[pl.ds(nbase + q * 64, 64)],
                         ss[q % 4])
    for q in range(TPC // 64):
        pltpu.make_async_copy(t0, agg_sh.at[pl.ds(0, 64)],
                              ss[q % 4]).wait()
    plsc.subcore_barrier()

    def blk_body(blk, c):
        @pl.when(blk > 0)
        def _():
            for u in range(4):
                pltpu.make_async_copy(
                    tmp[u], agg_sh.at[pl.ds(0, 64)], ss[u]).wait()
        pltpu.sync_copy(srce_hbm.at[w, pl.ds(blk * 2 * NBLK, 2 * NBLK)],
                        srcb_v)
        pltpu.sync_copy(dste_hbm.at[w, pl.ds(blk * 2 * NBLK, 2 * NBLK)],
                        dstb_v)

        def quad_body(pi, c2):
            for u in range(4):
                @pl.when(pi > 0)
                def _():
                    pltpu.make_async_copy(
                        tmp[u], agg_sh.at[pl.ds(0, 64)], ss[u]).wait()
                pltpu.async_copy(hw_hbm.at[srcb_v.at[4 * pi + u]],
                                 tmp[u], gs[u])
            for u in range(4):
                pltpu.make_async_copy(
                    hw_hbm.at[pl.ds(0, 64)], tmp[u], gs[u]).wait()
                pltpu.async_copy(tmp[u], agg_sh.at[dstb_v.at[4 * pi + u]],
                                 ss[u], add=True)
            return c2
        lax.fori_loop(0, 2 * NBLK // 4, quad_body, 0)
        return c
    lax.fori_loop(0, KE // NBLK, blk_body, 0)
    for u in range(4):
        pltpu.make_async_copy(tmp[u], agg_sh.at[pl.ds(0, 64)], ss[u]).wait()
    plsc.subcore_barrier()

    pltpu.sync_copy(agg_sh.at[pl.ds(nbase, TPC)],
                    aggp_hbm.at[pl.ds(cid * NPAD + nbase, TPC)])


_MESH = plsc.VectorSubcoreMesh(core_axis_name="c", subcore_axis_name="s",
                               num_cores=NC, num_subcores=NS)

_ENC_SCRATCH = [
    pltpu.VMEM_SHARED((NPC, H), jnp.float32),
    pltpu.VMEM((23, 128), jnp.int32),
    pltpu.VMEM((23, 128), jnp.int32),
    pltpu.VMEM((128, H), jnp.float32),
    pltpu.VMEM((128, H), jnp.float32),
    pltpu.VMEM((128, H), jnp.float32),
    pltpu.VMEM((128, H), jnp.float32),
    pltpu.VMEM((EPT // 2,), jnp.int32),
    pltpu.VMEM((NPAD,), jnp.float32),
] + [pltpu.SemaphoreType.DMA] * 8

_CONV_SCRATCH = [
    pltpu.VMEM_SHARED((NPAD, H), jnp.float32),
    pltpu.VMEM((2 * NBLK, 64), jnp.int32),
    pltpu.VMEM((2 * NBLK, 64), jnp.int32),
    pltpu.VMEM((64, H), jnp.float32),
    pltpu.VMEM((64, H), jnp.float32),
    pltpu.VMEM((64, H), jnp.float32),
    pltpu.VMEM((64, H), jnp.float32),
] + [pltpu.SemaphoreType.DMA] * 8

_enc_call = pl.kernel(
    _sc_enc_body,
    out_type=[jax.ShapeDtypeStruct((NPAD, H), jnp.float32),
              jax.ShapeDtypeStruct((NW * NPAD,), jnp.float32)],
    mesh=_MESH, scratch_types=_ENC_SCRATCH,
    compiler_params=pltpu.CompilerParams(needs_layout_passes=False))

_conv_call = pl.kernel(
    _sc_conv_body,
    out_type=[jax.ShapeDtypeStruct((2 * NPAD, H), jnp.float32)],
    mesh=_MESH, scratch_types=_CONV_SCRATCH)



def _mask_rows(nrows):
    ri = lax.broadcasted_iota(jnp.int32, (nrows, 1), 0)
    return (ri < N).astype(jnp.float32)


def _dinv(degc_ref):
    return lax.rsqrt(degc_ref[...] + 1.0)


def _tc1_body(h0_ref, degpt_ref, w1_ref, out_ref, degc_ref):
    deg = jnp.sum(degpt_ref[...], axis=1, keepdims=True)
    degc_ref[...] = deg
    out_ref[...] = jnp.dot(h0_ref[...], w1_ref[...],
                           preferred_element_type=jnp.float32) \
        * lax.rsqrt(deg + 1.0)


def _bn_relu(z, g_ref, bt_ref, zero_pad):
    m = _mask_rows(z.shape[0])
    mu = jnp.sum(z * m, axis=0, keepdims=True) / N
    d = (z - mu) * m
    var = jnp.sum(d * d, axis=0, keepdims=True) / N
    h = jnp.maximum((z - mu) * lax.rsqrt(var + 1e-5) * g_ref[...]
                    + bt_ref[...], 0.0)
    return h * m if zero_pad else h


def _combine(aggp_ref, hw_ref):
    a = aggp_ref[...].reshape(2, NPAD, H)
    return a[0] + a[1] + hw_ref[...]


def _tc2_body(aggp_ref, hw_ref, degc_ref, b_ref, g_ref, bt_ref,
              w2_ref, out_ref):
    dinv = _dinv(degc_ref)
    z = _combine(aggp_ref, hw_ref) * dinv + b_ref[...]
    h = _bn_relu(z, g_ref, bt_ref, True)
    out_ref[...] = jnp.dot(h, w2_ref[...],
                           preferred_element_type=jnp.float32) * dinv


def _tc3_body(aggp_ref, hw_ref, degc_ref, b_ref, g_ref, bt_ref,
              batchp_ref, wl_ref, bl_ref, out_ref):
    z = _combine(aggp_ref, hw_ref) * _dinv(degc_ref) + b_ref[...]
    h = _bn_relu(z, g_ref, bt_ref, False)
    gi = lax.broadcasted_iota(jnp.int32, (NPAD, NG), 1)
    onehot = (batchp_ref[...] == gi).astype(jnp.float32)
    sums = lax.dot_general(onehot, h, (((0,), (0,)), ((), ())),
                           preferred_element_type=jnp.float32)
    cnt = lax.dot_general(onehot, jnp.ones((NPAD, 1), jnp.float32),
                          (((0,), (0,)), ((), ())),
                          preferred_element_type=jnp.float32)
    pooled = sums / jnp.maximum(cnt, 1.0)
    out_ref[...] = (jnp.dot(pooled, wl_ref[...],
                            preferred_element_type=jnp.float32) + bl_ref[...])


def _tc_call(body, out_shapes, *args):
    return pl.pallas_call(
        body,
        out_shape=[jax.ShapeDtypeStruct(s, jnp.float32) for s in out_shapes],
    )(*args)



def _item_maps():
    fm = np.zeros((NW, 23), np.int32)
    gm = np.zeros((NW, 23), np.int32)
    tgt = np.zeros((NW, 23, 128), np.int32)
    for w in range(NW):
        c, s = divmod(w, NS)
        lo = 23 * s if s < 8 else 184 + 22 * (s - 8)
        ns = 23 if s < 8 else 22
        for j in range(23):
            i = lo + min(j, ns - 1)
            f, q = divmod(i, NCPC)
            fm[w, j] = f
            gm[w, j] = c * NCPC + q
            tgt[w, j] = q * 128 + np.arange(128)
    return fm, gm, tgt


def kernel(x, edge_index, batch, atom_emb, W1, b1, g1, bt1, W2, b2, g2, bt2,
           Wl, bl):
    x = x.astype(jnp.int32)
    src = edge_index[0].astype(jnp.int32)
    dst = edge_index[1].astype(jnp.int32)
    batch = batch.astype(jnp.int32)
    voc = atom_emb.shape[1]

    emb = atom_emb.reshape(NF * voc, H)

    xidx = (x + (jnp.arange(NF, dtype=jnp.int32) * voc)[None, :]).T
    xidx = jnp.pad(xidx, ((0, 0), (0, NPAD - N)))
    fm, gm, tgtT = _item_maps()
    gidxT = xidx.reshape(NF, NPAD // 128, 128)[fm, gm]

    padn = E2 - src.shape[0]
    ar = jnp.arange(padn, dtype=jnp.int32)
    src_p = jnp.concatenate([src, ar % N])
    dst_p = jnp.concatenate([dst, N + ar % (NPAD - N)])
    srce = src_p.reshape(NW, 2 * KE, 64)
    dste = dst_p.reshape(NW, 2 * KE, 64)

    batchp = jnp.pad(batch, (0, NPAD - N), constant_values=NG)[:, None]

    (h0, degp) = _enc_call(emb, gidxT, jnp.asarray(tgtT), dst_p)
    degpT = degp.reshape(NW, NPAD).T

    (hw1, degc) = _tc_call(
        _tc1_body, [(NPAD, H), (NPAD, 1)], h0, degpT, W1)
    (agg1p,) = _conv_call(hw1, srce, dste)
    (hw2,) = _tc_call(
        _tc2_body, [(NPAD, H)], agg1p, hw1, degc,
        b1[None, :], g1[None, :], bt1[None, :], W2)
    (agg2p,) = _conv_call(hw2, srce, dste)
    (out,) = _tc_call(_tc3_body, [(NG, H)], agg2p, hw2, degc,
                      b2[None, :], g2[None, :], bt2[None, :],
                      batchp, Wl, bl[None, :])
    return out

# --- scband reference (transcript-rebuilt; emitter-appended) ---
"""Pipeline reference for scband-gcn-graph-81973745811884 (READ-ONLY COPY).

The authoritative reference and input builder live on the scoring server;
editing this copy changes nothing except your own understanding.
"""

import jax, jax.numpy as jnp
import numpy as np

N_NODES = 10000
N_EDGES = 320000
HIDDEN = 128
OUT_DIM = 128
N_FEATS = 9
ATOM_VOCAB = 119
N_GRAPHS = 64


def setup_inputs(seed: int = 0) -> dict:
    key = jax.random.key(seed)
    ks = jax.random.split(key, 16)
    x = jax.random.randint(ks[0], (N_NODES, N_FEATS), 0, ATOM_VOCAB, dtype=jnp.int64 if jax.config.jax_enable_x64 else jnp.int32)
    edge_index = jax.random.randint(ks[1], (2, N_EDGES), 0, N_NODES, dtype=jnp.int64 if jax.config.jax_enable_x64 else jnp.int32)
    batch = jnp.sort(jax.random.randint(ks[2], (N_NODES,), 0, N_GRAPHS, dtype=jnp.int64 if jax.config.jax_enable_x64 else jnp.int32))
    s = 1.0 / np.sqrt(HIDDEN)
    atom_emb = jax.random.normal(ks[3], (N_FEATS, ATOM_VOCAB + 9, HIDDEN), dtype=jnp.float32) * 0.1
    W1 = jax.random.normal(ks[4], (HIDDEN, HIDDEN), dtype=jnp.float32) * s
    b1 = jnp.zeros((HIDDEN,), jnp.float32)
    g1 = jnp.ones((HIDDEN,), jnp.float32)
    bt1 = jnp.zeros((HIDDEN,), jnp.float32)
    W2 = jax.random.normal(ks[5], (HIDDEN, HIDDEN), dtype=jnp.float32) * s
    b2 = jnp.zeros((HIDDEN,), jnp.float32)
    g2 = jnp.ones((HIDDEN,), jnp.float32)
    bt2 = jnp.zeros((HIDDEN,), jnp.float32)
    Wl = jax.random.normal(ks[6], (HIDDEN, OUT_DIM), dtype=jnp.float32) * s
    bl = jnp.zeros((OUT_DIM,), jnp.float32)
    return {"x": x, "edge_index": edge_index, "batch": batch, "atom_emb": atom_emb,
            "W1": W1, "b1": b1, "g1": g1, "bt1": bt1,
            "W2": W2, "b2": b2, "g2": g2, "bt2": bt2,
            "Wl": Wl, "bl": bl}


def reference(x, edge_index, batch, atom_emb, W1, b1, g1, bt1, W2, b2, g2, bt2, Wl, bl):
    N = x.shape[0]
    # AtomEncoder: sum of per-feature embeddings
    h = jnp.zeros((N, atom_emb.shape[2]), atom_emb.dtype)
    for f in range(x.shape[1]):
        h = h + jnp.take(atom_emb[f], x[:, f], axis=0)
    # GCN normalization with self-loops (symmetric)
    src = edge_index[0]
    dst = edge_index[1]
    loop = jnp.arange(N, dtype=src.dtype)
    s_idx = jnp.concatenate([src, loop])
    d_idx = jnp.concatenate([dst, loop])
    deg = jnp.zeros((N,), h.dtype).at[d_idx].add(1.0)
    dinv = 1.0 / jnp.sqrt(jnp.clip(deg, 1.0))
    norm = dinv[s_idx] * dinv[d_idx]

    def gcn_conv(h, W, b):
        hw = h @ W
        msg = jnp.take(hw, s_idx, axis=0) * norm[:, None]
        agg = jnp.zeros_like(hw).at[d_idx].add(msg)
        return agg + b

    def bn(h, g, bt):
        mu = jnp.mean(h, axis=0)
        var = jnp.var(h, axis=0)
        return (h - mu) / jnp.sqrt(var + 1e-5) * g + bt

    # layer 1 (conv + BN + relu; dropout omitted / identity for determinism)
    h = jax.nn.relu(bn(gcn_conv(h, W1, b1), g1, bt1))
    # layer 2
    h = jax.nn.relu(bn(gcn_conv(h, W2, b2), g2, bt2))
    # global mean pool over graphs
    sums = jax.ops.segment_sum(h, batch, num_segments=N_GRAPHS)
    cnt = jax.ops.segment_sum(jnp.ones((N,), h.dtype), batch, num_segments=N_GRAPHS)
    pooled = sums / jnp.clip(cnt, 1.0)[:, None]
    # final linear
    return pooled @ Wl + bl

if __name__ == "__main__":
    import jax
    _d = setup_inputs()
    print(jax.jit(kernel)(*tuple(_d.values())))

</pallas_src>

<mosaic_0001>
#map = affine_map<(d0, d1) -> (0, 0)>
#map1 = affine_map<(d0, d1) -> (0, 0, 0)>
module attributes {stable_mosaic.version = 14 : i64} {
  func.func @_sc_conv_body(%arg0: i32, %arg1: i32, %arg2: memref<10240x128xf32, #tpu.memory_space<hbm>>, %arg3: memref<32x160x64xi32, #tpu.memory_space<hbm>>, %arg4: memref<32x160x64xi32, #tpu.memory_space<hbm>>, %arg5: memref<20480x128xf32, #tpu.memory_space<hbm>>, %arg6: memref<10240x128xf32, #tpu.memory_space<vmem_shared>>, %arg7: memref<40x64xi32, #tpu.memory_space<vmem>>, %arg8: memref<40x64xi32, #tpu.memory_space<vmem>>, %arg9: memref<64x128xf32, #tpu.memory_space<vmem>>, %arg10: memref<64x128xf32, #tpu.memory_space<vmem>>, %arg11: memref<64x128xf32, #tpu.memory_space<vmem>>, %arg12: memref<64x128xf32, #tpu.memory_space<vmem>>, %arg13: memref<!tpu.dma_semaphore, #tpu.memory_space<semaphore_mem>>, %arg14: memref<!tpu.dma_semaphore, #tpu.memory_space<semaphore_mem>>, %arg15: memref<!tpu.dma_semaphore, #tpu.memory_space<semaphore_mem>>, %arg16: memref<!tpu.dma_semaphore, #tpu.memory_space<semaphore_mem>>, %arg17: memref<!tpu.dma_semaphore, #tpu.memory_space<semaphore_mem>>, %arg18: memref<!tpu.dma_semaphore, #tpu.memory_space<semaphore_mem>>, %arg19: memref<!tpu.dma_semaphore, #tpu.memory_space<semaphore_mem>>, %arg20: memref<!tpu.dma_semaphore, #tpu.memory_space<semaphore_mem>>) attributes {dimension_semantics = [#tpu.dimension_semantics<core_parallel>, #tpu.dimension_semantics<subcore_parallel>], iteration_bounds = array<i64: 2, 16>, scalar_prefetch = 0 : i64, scratch_operands = 15 : i64, tpu.core_type = #tpu.core_type<sc_vector_subcore>, window_params = [{transform_indices = #map}, {transform_indices = #map1}, {transform_indices = #map1}, {transform_indices = #map}]} {
    %mul3A = arith.constant 16 : i32
    %mul3A_0 = arith.muli %arg0, %mul3A : i32
    %add3A = arith.addi %mul3A_0, %arg1 : i32
    %mul3A_1 = arith.constant 640 : i32
    %mul3A_2 = arith.muli %arg1, %mul3A_1 : i32
    %scan3A = arith.constant 0 : i32
    %scan3A_3 = arith.constant 0 : i32
    %scan3A_4 = arith.constant 64 : i32
    %scan3A_5 = arith.addi %scan3A_3, %scan3A_4 : i32
    %scan3A_6 = arith.constant 1 : i32
    scf.for %scan3A_160 = %scan3A_3 to %scan3A_5 step %scan3A_6  : i32 {
      %broadcast_in_dim3A = arith.constant 0.000000e+00 : f32
      %broadcast_in_dim3A_161 = vector.broadcast %broadcast_in_dim3A : f32 to vector<16xf32>
      %swap3A = arith.index_cast %scan3A_160 : i32 to index
      %swap3A_162 = arith.constant 0 : index
      %swap3A_163 = tpu.vector_load %arg9[%swap3A, %swap3A_162] {strides = array<i32>} : memref<64x128xf32, #tpu.memory_space<vmem>>, vector<1x16xf32>,
      %swap3A_164 = vector.shape_cast %swap3A_163 : vector<1x16xf32> to vector<16xf32>
      %swap3A_165 = vector.shape_cast %broadcast_in_dim3A_161 : vector<16xf32> to vector<1x16xf32>
      tpu.vector_store %arg9[%swap3A, %swap3A_162], %swap3A_165 {strides = array<i32>} : memref<64x128xf32, #tpu.memory_space<vmem>>, vector<1x16xf32>,
      %broadcast_in_dim3A_166 = arith.constant 0.000000e+00 : f32
      %broadcast_in_dim3A_167 = vector.broadcast %broadcast_in_dim3A_166 : f32 to vector<16xf32>
      %swap3A_168 = arith.index_cast %scan3A_160 : i32 to index
      %swap3A_169 = arith.constant 16 : index
      %swap3A_170 = tpu.vector_load %arg9[%swap3A_168, %swap3A_169] {strides = array<i32>} : memref<64x128xf32, #tpu.memory_space<vmem>>, vector<1x16xf32>,
      %swap3A_171 = vector.shape_cast %swap3A_170 : vector<1x16xf32> to vector<16xf32>
      %swap3A_172 = vector.shape_cast %broadcast_in_dim3A_167 : vector<16xf32> to vector<1x16xf32>
      tpu.vector_store %arg9[%swap3A_168, %swap3A_169], %swap3A_172 {strides = array<i32>} : memref<64x128xf32, #tpu.memory_space<vmem>>, vector<1x16xf32>,
      %broadcast_in_dim3A_173 = arith.constant 0.000000e+00 : f32
      %broadcast_in_dim3A_174 = vector.broadcast %broadcast_in_dim3A_173 : f32 to vector<16xf32>
      %swap3A_175 = arith.index_cast %scan3A_160 : i32 to index
      %swap3A_176 = arith.constant 32 : index
      %swap3A_177 = tpu.vector_load %arg9[%swap3A_175, %swap3A_176] {strides = array<i32>} : memref<64x128xf32, #tpu.memory_space<vmem>>, vector<1x16xf32>,
      %swap3A_178 = vector.shape_cast %swap3A_177 : vector<1x16xf32> to vector<16xf32>
      %swap3A_179 = vector.shape_cast %broadcast_in_dim3A_174 : vector<16xf32> to vector<1x16xf32>
      tpu.vector_store %arg9[%swap3A_175, %swap3A_176], %swap3A_179 {strides = array<i32>} : memref<64x128xf32, #tpu.memory_space<vmem>>, vector<1x16xf32>,
      %broadcast_in_dim3A_180 = arith.constant 0.000000e+00 : f32
      %broadcast_in_dim3A_181 = vector.broadcast %broadcast_in_dim3A_180 : f32 to vector<16xf32>
      %swap3A_182 = arith.index_cast %scan3A_160 : i32 to index
      %swap3A_183 = arith.constant 48 : index
      %swap3A_184 = tpu.vector_load %arg9[%swap3A_182, %swap3A_183] {strides = array<i32>} : memref<64x128xf32, #tpu.memory_space<vmem>>, vector<1x16xf32>,
      %swap3A_185 = vector.shape_cast %swap3A_184 : vector<1x16xf32> to vector<16xf32>
      %swap3A_186 = vector.shape_cast %broadcast_in_dim3A_181 : vector<16xf32> to vector<1x16xf32>
      tpu.vector_store %arg9[%swap3A_182, %swap3A_183], %swap3A_186 {strides = array<i32>} : memref<64x128xf32, #tpu.memory_space<vmem>>, vector<1x16xf32>,
      %broadcast_in_dim3A_187 = arith.constant 0.000000e+00 : f32
      %broadcast_in_dim3A_188 = vector.broadcast %broadcast_in_dim3A_187 : f32 to vector<16xf32>
      %swap3A_189 = arith.index_cast %scan3A_160 : i32 to index
      %swap3A_190 = arith.constant 64 : index
      %swap3A_191 = tpu.vector_load %arg9[%swap3A_189, %swap3A_190] {strides = array<i32>} : memref<64x128xf32, #tpu.memory_space<vmem>>, vector<1x16xf32>,
      %swap3A_192 = vector.shape_cast %swap3A_191 : vector<1x16xf32> to vector<16xf32>
      %swap3A_193 = vector.shape_cast %broadcast_in_dim3A_188 : vector<16xf32> to vector<1x16xf32>
      tpu.vector_store %arg9[%swap3A_189, %swap3A_190], %swap3A_193 {strides = array<i32>} : memref<64x128xf32, #tpu.memory_space<vmem>>, vector<1x16xf32>,
      %broadcast_in_dim3A_194 = arith.constant 0.000000e+00 : f32
      %broadcast_in_dim3A_195 = vector.broadcast %broadcast_in_dim3A_194 : f32 to vector<16xf32>
      %swap3A_196 = arith.index_cast %scan3A_160 : i32 to index
      %swap3A_197 = arith.constant 80 : index
      %swap3A_198 = tpu.vector_load %arg9[%swap3A_196, %swap3A_197] {strides = array<i32>} : memref<64x128xf32, #tpu.memory_space<vmem>>, vector<1x16xf32>,
      %swap3A_199 = vector.shape_cast %swap3A_198 : vector<1x16xf32> to vector<16xf32>
      %swap3A_200 = vector.shape_cast %broadcast_in_dim3A_195 : vector<16xf32> to vector<1x16xf32>
      tpu.vector_store %arg9[%swap3A_196, %swap3A_197], %swap3A_200 {strides = array<i32>} : memref<64x128xf32, #tpu.memory_space<vmem>>, vector<1x16xf32>,
      %broadcast_in_dim3A_201 = arith.constant 0.000000e+00 : f32
      %broadcast_in_dim3A_202 = vector.broadcast %broadcast_in_dim3A_201 : f32 to vector<16xf32>
      %swap3A_203 = arith.index_cast %scan3A_160 : i32 to index
      %swap3A_204 = arith.constant 96 : index
      %swap3A_205 = tpu.vector_load %arg9[%swap3A_203, %swap3A_204] {strides = array<i32>} : memref<64x128xf32, #tpu.memory_space<vmem>>, vector<1x16xf32>,
      %swap3A_206 = vector.shape_cast %swap3A_205 : vector<1x16xf32> to vector<16xf32>
      %swap3A_207 = vector.shape_cast %broadcast_in_dim3A_202 : vector<16xf32> to vector<1x16xf32>
      tpu.vector_store %arg9[%swap3A_203, %swap3A_204], %swap3A_207 {strides = array<i32>} : memref<64x128xf32, #tpu.memory_space<vmem>>, vector<1x16xf32>,
      %broadcast_in_dim3A_208 = arith.constant 0.000000e+00 : f32
      %broadcast_in_dim3A_209 = vector.broadcast %broadcast_in_dim3A_208 : f32 to vector<16xf32>
      %swap3A_210 = arith.index_cast %scan3A_160 : i32 to index
      %swap3A_211 = arith.constant 112 : index
      %swap3A_212 = tpu.vector_load %arg9[%swap3A_210, %swap3A_211] {strides = array<i32>} : memref<64x128xf32, #tpu.memory_space<vmem>>, vector<1x16xf32>,
      %swap3A_213 = vector.shape_cast %swap3A_212 : vector<1x16xf32> to vector<16xf32>
      %swap3A_214 = vector.shape_cast %broadcast_in_dim3A_209 : vector<16xf32> to vector<1x16xf32>
      tpu.vector_store %arg9[%swap3A_210, %swap3A_211], %swap3A_214 {strides = array<i32>} : memref<64x128xf32, #tpu.memory_space<vmem>>, vector<1x16xf32>,
    }
    %scan3A_7 = arith.constant 64 : i32
    %add3A_8 = arith.constant 0 : i32
    %add3A_9 = arith.addi %mul3A_2, %add3A_8 : i32
    %dma_start3A = arith.constant 0 : i32
    %dma_start3A_10 = tpu.memref_slice %arg6[%add3A_9, %dma_start3A] : memref<10240x128xf32, #tpu.memory_space<vmem_shared>> -> memref<64x128xf32, #tpu.memory_space<vmem_shared>>
    %dma_start3A_11 = arith.constant 0 : i32
    %dma_start3A_12 = tpu.memref_slice %arg6[%add3A_9, %dma_start3A_11] : memref<10240x128xf32, #tpu.memory_space<vmem_shared>> -> memref<64x128xf32, #tpu.memory_space<vmem_shared>>
    tpu.enqueue_dma source(%arg9 : memref<64x128xf32, #tpu.memory_space<vmem>>) target(%dma_start3A_12 : memref<64x128xf32, #tpu.memory_space<vmem_shared>>) target_semaphore(%arg17 : memref<!tpu.dma_semaphore, #tpu.memory_space<semaphore_mem>>)
    %add3A_13 = arith.constant 64 : i32
    %add3A_14 = arith.addi %mul3A_2, %add3A_13 : i32
    %dma_start3A_15 = arith.constant 0 : i32
    %dma_start3A_16 = tpu.memref_slice %arg6[%add3A_14, %dma_start3A_15] : memref<10240x128xf32, #tpu.memory_space<vmem_shared>> -> memref<64x128xf32, #tpu.memory_space<vmem_shared>>
    %dma_start3A_17 = arith.constant 0 : i32
    %dma_start3A_18 = tpu.memref_slice %arg6[%add3A_14, %dma_start3A_17] : memref<10240x128xf32, #tpu.memory_space<vmem_shared>> -> memref<64x128xf32, #tpu.memory_space<vmem_shared>>
    tpu.enqueue_dma source(%arg9 : memref<64x128xf32, #tpu.memory_space<vmem>>) target(%dma_start3A_18 : memref<64x128xf32, #tpu.memory_space<vmem_shared>>) target_semaphore(%arg18 : memref<!tpu.dma_semaphore, #tpu.memory_space<semaphore_mem>>)
    %add3A_19 = arith.constant 128 : i32
    %add3A_20 = arith.addi %mul3A_2, %add3A_19 : i32
    %dma_start3A_21 = arith.constant 0 : i32
    %dma_start3A_22 = tpu.memref_slice %arg6[%add3A_20, %dma_start3A_21] : memref<10240x128xf32, #tpu.memory_space<vmem_shared>> -> memref<64x128xf32, #tpu.memory_space<vmem_shared>>
    %dma_start3A_23 = arith.constant 0 : i32
    %dma_start3A_24 = tpu.memref_slice %arg6[%add3A_20, %dma_start3A_23] : memref<10240x128xf32, #tpu.memory_space<vmem_shared>> -> memref<64x128xf32, #tpu.memory_space<vmem_shared>>
    tpu.enqueue_dma source(%arg9 : memref<64x128xf32, #tpu.memory_space<vmem>>) target(%dma_start3A_24 : memref<64x128xf32, #tpu.memory_space<vmem_shared>>) target_semaphore(%arg19 : memref<!tpu.dma_semaphore, #tpu.memory_space<semaphore_mem>>)
    %add3A_25 = arith.constant 192 : i32
    %add3A_26 = arith.addi %mul3A_2, %add3A_25 : i32
    %dma_start3A_27 = arith.constant 0 : i32
    %dma_start3A_28 = tpu.memref_slice %arg6[%add3A_26, %dma_start3A_27] : memref<10240x128xf32, #tpu.memory_space<vmem_shared>> -> memref<64x128xf32, #tpu.memory_space<vmem_shared>>
    %dma_start3A_29 = arith.constant 0 : i32
    %dma_start3A_30 = tpu.memref_slice %arg6[%add3A_26, %dma_start3A_29] : memref<10240x128xf32, #tpu.memory_space<vmem_shared>> -> memref<64x128xf32, #tpu.memory_space<vmem_shared>>
    tpu.enqueue_dma source(%arg9 : memref<64x128xf32, #tpu.memory_space<vmem>>) target(%dma_start3A_30 : memref<64x128xf32, #tpu.memory_space<vmem_shared>>) target_semaphore(%arg20 : memref<!tpu.dma_semaphore, #tpu.memory_space<semaphore_mem>>)
    %add3A_31 = arith.constant 256 : i32
    %add3A_32 = arith.addi %mul3A_2, %add3A_31 : i32
    %dma_start3A_33 = arith.constant 0 : i32
    %dma_start3A_34 = tpu.memref_slice %arg6[%add3A_32, %dma_start3A_33] : memref<10240x128xf32, #tpu.memory_space<vmem_shared>> -> memref<64x128xf32, #tpu.memory_space<vmem_shared>>
    %dma_start3A_35 = arith.constant 0 : i32
    %dma_start3A_36 = tpu.memref_slice %arg6[%add3A_32, %dma_start3A_35] : memref<10240x128xf32, #tpu.memory_space<vmem_shared>> -> memref<64x128xf32, #tpu.memory_space<vmem_shared>>
    tpu.enqueue_dma source(%arg9 : memref<64x128xf32, #tpu.memory_space<vmem>>) target(%dma_start3A_36 : memref<64x128xf32, #tpu.memory_space<vmem_shared>>) target_semaphore(%arg17 : memref<!tpu.dma_semaphore, #tpu.memory_space<semaphore_mem>>)
    %add3A_37 = arith.constant 320 : i32
    %add3A_38 = arith.addi %mul3A_2, %add3A_37 : i32
    %dma_start3A_39 = arith.constant 0 : i32
    %dma_start3A_40 = tpu.memref_slice %arg6[%add3A_38, %dma_start3A_39] : memref<10240x128xf32, #tpu.memory_space<vmem_shared>> -> memref<64x128xf32, #tpu.memory_space<vmem_shared>>
    %dma_start3A_41 = arith.constant 0 : i32
    %dma_start3A_42 = tpu.memref_slice %arg6[%add3A_38, %dma_start3A_41] : memref<10240x128xf32, #tpu.memory_space<vmem_shared>> -> memref<64x128xf32, #tpu.memory_space<vmem_shared>>
    tpu.enqueue_dma source(%arg9 : memref<64x128xf32, #tpu.memory_space<vmem>>) target(%dma_start3A_42 : memref<64x128xf32, #tpu.memory_space<vmem_shared>>) target_semaphore(%arg18 : memref<!tpu.dma_semaphore, #tpu.memory_space<semaphore_mem>>)
    %add3A_43 = arith.constant 384 : i32
    %add3A_44 = arith.addi %mul3A_2, %add3A_43 : i32
    %dma_start3A_45 = arith.constant 0 : i32
    %dma_start3A_46 = tpu.memref_slice %arg6[%add3A_44, %dma_start3A_45] : memref<10240x128xf32, #tpu.memory_space<vmem_shared>> -> memref<64x128xf32, #tpu.memory_space<vmem_shared>>
    %dma_start3A_47 = arith.constant 0 : i32
    %dma_start3A_48 = tpu.memref_slice %arg6[%add3A_44, %dma_start3A_47] : memref<10240x128xf32, #tpu.memory_space<vmem_shared>> -> memref<64x128xf32, #tpu.memory_space<vmem_shared>>
    tpu.enqueue_dma source(%arg9 : memref<64x128xf32, #tpu.memory_space<vmem>>) target(%dma_start3A_48 : memref<64x128xf32, #tpu.memory_space<vmem_shared>>) target_semaphore(%arg19 : memref<!tpu.dma_semaphore, #tpu.memory_space<semaphore_mem>>)
    %add3A_49 = arith.constant 448 : i32
    %add3A_50 = arith.addi %mul3A_2, %add3A_49 : i32
    %dma_start3A_51 = arith.constant 0 : i32
    %dma_start3A_52 = tpu.memref_slice %arg6[%add3A_50, %dma_start3A_51] : memref<10240x128xf32, #tpu.memory_space<vmem_shared>> -> memref<64x128xf32, #tpu.memory_space<vmem_shared>>
    %dma_start3A_53 = arith.constant 0 : i32
    %dma_start3A_54 = tpu.memref_slice %arg6[%add3A_50, %dma_start3A_53] : memref<10240x128xf32, #tpu.memory_space<vmem_shared>> -> memref<64x128xf32, #tpu.memory_space<vmem_shared>>
    tpu.enqueue_dma source(%arg9 : memref<64x128xf32, #tpu.memory_space<vmem>>) target(%dma_start3A_54 : memref<64x128xf32, #tpu.memory_space<vmem_shared>>) target_semaphore(%arg20 : memref<!tpu.dma_semaphore, #tpu.memory_space<semaphore_mem>>)
    %add3A_55 = arith.constant 512 : i32
    %add3A_56 = arith.addi %mul3A_2, %add3A_55 : i32
    %dma_start3A_57 = arith.constant 0 : i32
    %dma_start3A_58 = tpu.memref_slice %arg6[%add3A_56, %dma_start3A_57] : memref<10240x128xf32, #tpu.memory_space<vmem_shared>> -> memref<64x128xf32, #tpu.memory_space<vmem_shared>>
    %dma_start3A_59 = arith.constant 0 : i32
    %dma_start3A_60 = tpu.memref_slice %arg6[%add3A_56, %dma_start3A_59] : memref<10240x128xf32, #tpu.memory_space<vmem_shared>> -> memref<64x128xf32, #tpu.memory_space<vmem_shared>>
    tpu.enqueue_dma source(%arg9 : memref<64x128xf32, #tpu.memory_space<vmem>>) target(%dma_start3A_60 : memref<64x128xf32, #tpu.memory_space<vmem_shared>>) target_semaphore(%arg17 : memref<!tpu.dma_semaphore, #tpu.memory_space<semaphore_mem>>)
    %add3A_61 = arith.constant 576 : i32
    %add3A_62 = arith.addi %mul3A_2, %add3A_61 : i32
    %dma_start3A_63 = arith.constant 0 : i32
    %dma_start3A_64 = tpu.memref_slice %arg6[%add3A_62, %dma_start3A_63] : memref<10240x128xf32, #tpu.memory_space<vmem_shared>> -> memref<64x128xf32, #tpu.memory_space<vmem_shared>>
    %dma_start3A_65 = arith.constant 0 : i32
    %dma_start3A_66 = tpu.memref_slice %arg6[%add3A_62, %dma_start3A_65] : memref<10240x128xf32, #tpu.memory_space<vmem_shared>> -> memref<64x128xf32, #tpu.memory_space<vmem_shared>>
    tpu.enqueue_dma source(%arg9 : memref<64x128xf32, #tpu.memory_space<vmem>>) target(%dma_start3A_66 : memref<64x128xf32, #tpu.memory_space<vmem_shared>>) target_semaphore(%arg18 : memref<!tpu.dma_semaphore, #tpu.memory_space<semaphore_mem>>)
    %dma_wait3A = arith.constant 0 : i32
    %dma_wait3A_67 = arith.constant 0 : i32
    %dma_wait3A_68 = tpu.memref_slice %arg6[%dma_wait3A, %dma_wait3A_67] : memref<10240x128xf32, #tpu.memory_space<vmem_shared>> -> memref<64x128xf32, #tpu.memory_space<vmem_shared>>
    %dma_wait3A_69 = arith.constant 0 : i32
    %dma_wait3A_70 = arith.constant 0 : i32
    %dma_wait3A_71 = tpu.memref_slice %arg6[%dma_wait3A_69, %dma_wait3A_70] : memref<10240x128xf32, #tpu.memory_space<vmem_shared>> -> memref<64x128xf32, #tpu.memory_space<vmem_shared>>
    tpu.wait_dma2 semaphore(%arg17 : memref<!tpu.dma_semaphore, #tpu.memory_space<semaphore_mem>>) src(%arg9 : memref<64x128xf32, #tpu.memory_space<vmem>>) dst(%dma_wait3A_71 : memref<64x128xf32, #tpu.memory_space<vmem_shared>>)
    %dma_wait3A_72 = arith.constant 0 : i32
    %dma_wait3A_73 = arith.constant 0 : i32
    %dma_wait3A_74 = tpu.memref_slice %arg6[%dma_wait3A_72, %dma_wait3A_73] : memref<10240x128xf32, #tpu.memory_space<vmem_shared>> -> memref<64x128xf32, #tpu.memory_space<vmem_shared>>
    %dma_wait3A_75 = arith.constant 0 : i32
    %dma_wait3A_76 = arith.constant 0 : i32
    %dma_wait3A_77 = tpu.memref_slice %arg6[%dma_wait3A_75, %dma_wait3A_76] : memref<10240x128xf32, #tpu.memory_space<vmem_shared>> -> memref<64x128xf32, #tpu.memory_space<vmem_shared>>
    tpu.wait_dma2 semaphore(%arg18 : memref<!tpu.dma_semaphore, #tpu.memory_space<semaphore_mem>>) src(%arg9 : memref<64x128xf32, #tpu.memory_space<vmem>>) dst(%dma_wait3A_77 : memref<64x128xf32, #tpu.memory_space<vmem_shared>>)
    %dma_wait3A_78 = arith.constant 0 : i32
    %dma_wait3A_79 = arith.constant 0 : i32
    %dma_wait3A_80 = tpu.memref_slice %arg6[%dma_wait3A_78, %dma_wait3A_79] : memref<10240x128xf32, #tpu.memory_space<vmem_shared>> -> memref<64x128xf32, #tpu.memory_space<vmem_shared>>
    %dma_wait3A_81 = arith.constant 0 : i32
    %dma_wait3A_82 = arith.constant 0 : i32
    %dma_wait3A_83 = tpu.memref_slice %arg6[%dma_wait3A_81, %dma_wait3A_82] : memref<10240x128xf32, #tpu.memory_space<vmem_shared>> -> memref<64x128xf32, #tpu.memory_space<vmem_shared>>
    tpu.wait_dma2 semaphore(%arg19 : memref<!tpu.dma_semaphore, #tpu.memory_space<semaphore_mem>>) src(%arg9 : memref<64x128xf32, #tpu.memory_space<vmem>>) dst(%dma_wait3A_83 : memref<64x128xf32, #tpu.memory_space<vmem_shared>>)
    %dma_wait3A_84 = arith.constant 0 : i32
    %dma_wait3A_85 = arith.constant 0 : i32
    %dma_wait3A_86 = tpu.memref_slice %arg6[%dma_wait3A_84, %dma_wait3A_85] : memref<10240x128xf32, #tpu.memory_space<vmem_shared>> -> memref<64x128xf32, #tpu.memory_space<vmem_shared>>
    %dma_wait3A_87 = arith.constant 0 : i32
    %dma_wait3A_88 = arith.constant 0 : i32
    %dma_wait3A_89 = tpu.memref_slice %arg6[%dma_wait3A_87, %dma_wait3A_88] : memref<10240x128xf32, #tpu.memory_space<vmem_shared>> -> memref<64x128xf32, #tpu.memory_space<vmem_shared>>
    tpu.wait_dma2 semaphore(%arg20 : memref<!tpu.dma_semaphore, #tpu.memory_space<semaphore_mem>>) src(%arg9 : memref<64x128xf32, #tpu.memory_space<vmem>>) dst(%dma_wait3A_89 : memref<64x128xf32, #tpu.memory_space<vmem_shared>>)
    %dma_wait3A_90 = arith.constant 0 : i32
    %dma_wait3A_91 = arith.constant 0 : i32
    %dma_wait3A_92 = tpu.memref_slice %arg6[%dma_wait3A_90, %dma_wait3A_91] : memref<10240x128xf32, #tpu.memory_space<vmem_shared>> -> memref<64x128xf32, #tpu.memory_space<vmem_shared>>
    %dma_wait3A_93 = arith.constant 0 : i32
    %dma_wait3A_94 = arith.constant 0 : i32
    %dma_wait3A_95 = tpu.memref_slice %arg6[%dma_wait3A_93, %dma_wait3A_94] : memref<10240x128xf32, #tpu.memory_space<vmem_shared>> -> memref<64x128xf32, #tpu.memory_space<vmem_shared>>
    tpu.wait_dma2 semaphore(%arg17 : memref<!tpu.dma_semaphore, #tpu.memory_space<semaphore_mem>>) src(%arg9 : memref<64x128xf32, #tpu.memory_space<vmem>>) dst(%dma_wait3A_95 : memref<64x128xf32, #tpu.memory_space<vmem_shared>>)
    %dma_wait3A_96 = arith.constant 0 : i32
    %dma_wait3A_97 = arith.constant 0 : i32
    %dma_wait3A_98 = tpu.memref_slice %arg6[%dma_wait3A_96, %dma_wait3A_97] : memref<10240x128xf32, #tpu.memory_space<vmem_shared>> -> memref<64x128xf32, #tpu.memory_space<vmem_shared>>
    %dma_wait3A_99 = arith.constant 0 : i32
    %dma_wait3A_100 = arith.constant 0 : i32
    %dma_wait3A_101 = tpu.memref_slice %arg6[%dma_wait3A_99, %dma_wait3A_100] : memref<10240x128xf32, #tpu.memory_space<vmem_shared>> -> memref<64x128xf32, #tpu.memory_space<vmem_shared>>
    tpu.wait_dma2 semaphore(%arg18 : memref<!tpu.dma_semaphore, #tpu.memory_space<semaphore_mem>>) src(%arg9 : memref<64x128xf32, #tpu.memory_space<vmem>>) dst(%dma_wait3A_101 : memref<64x128xf32, #tpu.memory_space<vmem_shared>>)
    %dma_wait3A_102 = arith.constant 0 : i32
    %dma_wait3A_103 = arith.constant 0 : i32
    %dma_wait3A_104 = tpu.memref_slice %arg6[%dma_wait3A_102, %dma_wait3A_103] : memref<10240x128xf32, #tpu.memory_space<vmem_shared>> -> memref<64x128xf32, #tpu.memory_space<vmem_shared>>
    %dma_wait3A_105 = arith.constant 0 : i32
    %dma_wait3A_106 = arith.constant 0 : i32
    %dma_wait3A_107 = tpu.memref_slice %arg6[%dma_wait3A_105, %dma_wait3A_106] : memref<10240x128xf32, #tpu.memory_space<vmem_shared>> -> memref<64x128xf32, #tpu.memory_space<vmem_shared>>
    tpu.wait_dma2 semaphore(%arg19 : memref<!tpu.dma_semaphore, #tpu.memory_space<semaphore_mem>>) src(%arg9 : memref<64x128xf32, #tpu.memory_space<vmem>>) dst(%dma_wait3A_107 : memref<64x128xf32, #tpu.memory_space<vmem_shared>>)
    %dma_wait3A_108 = arith.constant 0 : i32
    %dma_wait3A_109 = arith.constant 0 : i32
    %dma_wait3A_110 = tpu.memref_slice %arg6[%dma_wait3A_108, %dma_wait3A_109] : memref<10240x128xf32, #tpu.memory_space<vmem_shared>> -> memref<64x128xf32, #tpu.memory_space<vmem_shared>>
    %dma_wait3A_111 = arith.constant 0 : i32
    %dma_wait3A_112 = arith.constant 0 : i32
    %dma_wait3A_113 = tpu.memref_slice %arg6[%dma_wait3A_111, %dma_wait3A_112] : memref<10240x128xf32, #tpu.memory_space<vmem_shared>> -> memref<64x128xf32, #tpu.memory_space<vmem_shared>>
    tpu.wait_dma2 semaphore(%arg20 : memref<!tpu.dma_semaphore, #tpu.memory_space<semaphore_mem>>) src(%arg9 : memref<64x128xf32, #tpu.memory_space<vmem>>) dst(%dma_wait3A_113 : memref<64x128xf32, #tpu.memory_space<vmem_shared>>)
    %dma_wait3A_114 = arith.constant 0 : i32
    %dma_wait3A_115 = arith.constant 0 : i32
    %dma_wait3A_116 = tpu.memref_slice %arg6[%dma_wait3A_114, %dma_wait3A_115] : memref<10240x128xf32, #tpu.memory_space<vmem_shared>> -> memref<64x128xf32, #tpu.memory_space<vmem_shared>>
    %dma_wait3A_117 = arith.constant 0 : i32
    %dma_wait3A_118 = arith.constant 0 : i32
    %dma_wait3A_119 = tpu.memref_slice %arg6[%dma_wait3A_117, %dma_wait3A_118] : memref<10240x128xf32, #tpu.memory_space<vmem_shared>> -> memref<64x128xf32, #tpu.memory_space<vmem_shared>>
    tpu.wait_dma2 semaphore(%arg17 : memref<!tpu.dma_semaphore, #tpu.memory_space<semaphore_mem>>) src(%arg9 : memref<64x128xf32, #tpu.memory_space<vmem>>) dst(%dma_wait3A_119 : memref<64x128xf32, #tpu.memory_space<vmem_shared>>)
    %dma_wait3A_120 = arith.constant 0 : i32
    %dma_wait3A_121 = arith.constant 0 : i32
    %dma_wait3A_122 = tpu.memref_slice %arg6[%dma_wait3A_120, %dma_wait3A_121] : memref<10240x128xf32, #tpu.memory_space<vmem_shared>> -> memref<64x128xf32, #tpu.memory_space<vmem_shared>>
    %dma_wait3A_123 = arith.constant 0 : i32
    %dma_wait3A_124 = arith.constant 0 : i32
    %dma_wait3A_125 = tpu.memref_slice %arg6[%dma_wait3A_123, %dma_wait3A_124] : memref<10240x128xf32, #tpu.memory_space<vmem_shared>> -> memref<64x128xf32, #tpu.memory_space<vmem_shared>>
    tpu.wait_dma2 semaphore(%arg18 : memref<!tpu.dma_semaphore, #tpu.memory_space<semaphore_mem>>) src(%arg9 : memref<64x128xf32, #tpu.memory_space<vmem>>) dst(%dma_wait3A_125 : memref<64x128xf32, #tpu.memory_space<vmem_shared>>)
    %barrier3A = arith.constant 0 : index
    tpu.barrier barrier_id(%barrier3A)
    %scan3A_126 = arith.constant 0 : i32
    %scan3A_127 = arith.constant 0 : i32
    %scan3A_128 = arith.constant 4 : i32
    %scan3A_129 = arith.addi %scan3A_127, %scan3A_128 : i32
    %scan3A_130 = arith.constant 1 : i32
    scf.for %scan3A_160 = %scan3A_127 to %scan3A_129 step %scan3A_130  : i32 {
      %gt3A = arith.constant 0 : i32
      %gt3A_161 = arith.cmpi sgt, %scan3A_160, %gt3A : i32
      %convert_element_type3A = arith.extui %gt3A_161 : i1 to i32
      %cond3A = arith.constant 0 : i32
      %cond3A_162 = arith.cmpi ne, %convert_element_type3A, %cond3A : i32
      scf.if %cond3A_162 {
        %dma_wait3A_177 = arith.constant 0 : i32
        %dma_wait3A_178 = arith.constant 0 : i32
        %dma_wait3A_179 = tpu.memref_slice %arg6[%dma_wait3A_177, %dma_wait3A_178] : memref<10240x128xf32, #tpu.memory_space<vmem_shared>> -> memref<64x128xf32, #tpu.memory_space<vmem_shared>>
        %dma_wait3A_180 = arith.constant 0 : i32
        %dma_wait3A_181 = arith.constant 0 : i32
        %dma_wait3A_182 = tpu.memref_slice %arg6[%dma_wait3A_180, %dma_wait3A_181] : memref<10240x128xf32, #tpu.memory_space<vmem_shared>> -> memref<64x128xf32, #tpu.memory_space<vmem_shared>>
        tpu.wait_dma2 semaphore(%arg17 : memref<!tpu.dma_semaphore, #tpu.memory_space<semaphore_mem>>) src(%arg9 : memref<64x128xf32, #tpu.memory_space<vmem>>) dst(%dma_wait3A_182 : memref<64x128xf32, #tpu.memory_space<vmem_shared>>)
        %dma_wait3A_183 = arith.constant 0 : i32
        %dma_wait3A_184 = arith.constant 0 : i32
        %dma_wait3A_185 = tpu.memref_slice %arg6[%dma_wait3A_183, %dma_wait3A_184] : memref<10240x128xf32, #tpu.memory_space<vmem_shared>> -> memref<64x128xf32, #tpu.memory_space<vmem_shared>>
        %dma_wait3A_186 = arith.constant 0 : i32
        %dma_wait3A_187 = arith.constant 0 : i32
        %dma_wait3A_188 = tpu.memref_slice %arg6[%dma_wait3A_186, %dma_wait3A_187] : memref<10240x128xf32, #tpu.memory_space<vmem_shared>> -> memref<64x128xf32, #tpu.memory_space<vmem_shared>>
        tpu.wait_dma2 semaphore(%arg18 : memref<!tpu.dma_semaphore, #tpu.memory_space<semaphore_mem>>) src(%arg10 : memref<64x128xf32, #tpu.memory_space<vmem>>) dst(%dma_wait3A_188 : memref<64x128xf32, #tpu.memory_space<vmem_shared>>)
        %dma_wait3A_189 = arith.constant 0 : i32
        %dma_wait3A_190 = arith.constant 0 : i32
        %dma_wait3A_191 = tpu.memref_slice %arg6[%dma_wait3A_189, %dma_wait3A_190] : memref<10240x128xf32, #tpu.memory_space<vmem_shared>> -> memref<64x128xf32, #tpu.memory_space<vmem_shared>>
        %dma_wait3A_192 = arith.constant 0 : i32
        %dma_wait3A_193 = arith.constant 0 : i32
        %dma_wait3A_194 = tpu.memref_slice %arg6[%dma_wait3A_192, %dma_wait3A_193] : memref<10240x128xf32, #tpu.memory_space<vmem_shared>> -> memref<64x128xf32, #tpu.memory_space<vmem_shared>>
        tpu.wait_dma2 semaphore(%arg19 : memref<!tpu.dma_semaphore, #tpu.memory_space<semaphore_mem>>) src(%arg11 : memref<64x128xf32, #tpu.memory_space<vmem>>) dst(%dma_wait3A_194 : memref<64x128xf32, #tpu.memory_space<vmem_shared>>)
        %dma_wait3A_195 = arith.constant 0 : i32
        %dma_wait3A_196 = arith.constant 0 : i32
        %dma_wait3A_197 = tpu.memref_slice %arg6[%dma_wait3A_195, %dma_wait3A_196] : memref<10240x128xf32, #tpu.memory_space<vmem_shared>> -> memref<64x128xf32, #tpu.memory_space<vmem_shared>>
        %dma_wait3A_198 = arith.constant 0 : i32
        %dma_wait3A_199 = arith.constant 0 : i32
        %dma_wait3A_200 = tpu.memref_slice %arg6[%dma_wait3A_198, %dma_wait3A_199] : memref<10240x128xf32, #tpu.memory_space<vmem_shared>> -> memref<64x128xf32, #tpu.memory_space<vmem_shared>>
        tpu.wait_dma2 semaphore(%arg20 : memref<!tpu.dma_semaphore, #tpu.memory_space<semaphore_mem>>) src(%arg12 : memref<64x128xf32, #tpu.memory_space<vmem>>) dst(%dma_wait3A_200 : memref<64x128xf32, #tpu.memory_space<vmem_shared>>)
      } else {
      }
      %mul3A_163 = arith.constant 2 : i32
      %mul3A_164 = arith.muli %scan3A_160, %mul3A_163 : i32
      %mul3A_165 = arith.constant 20 : i32
      %mul3A_166 = arith.muli %mul3A_164, %mul3A_165 : i32
      "tpu.region"() ({
        %run_scoped3A = tpu.sem_alloc : memref<!tpu.dma_semaphore, #tpu.memory_space<semaphore_mem>>
        %dma_start3A_177 = arith.constant 0 : i32
        %dma_start3A_178 = tpu.memref_slice %arg3[%add3A, %mul3A_166, %dma_start3A_177] : memref<32x160x64xi32, #tpu.memory_space<hbm>> -> memref<1x40x64xi32, #tpu.memory_space<hbm>>
        %dma_start3A_179 = tpu.memref_squeeze %dma_start3A_178 : memref<1x40x64xi32, #tpu.memory_space<hbm>> -> memref<40x64xi32, #tpu.memory_space<hbm>>
        %dma_start3A_180 = arith.constant 0 : i32
        %dma_start3A_181 = tpu.memref_slice %arg3[%add3A, %mul3A_166, %dma_start3A_180] : memref<32x160x64xi32, #tpu.memory_space<hbm>> -> memref<1x40x64xi32, #tpu.memory_space<hbm>>
        %dma_start3A_182 = tpu.memref_squeeze %dma_start3A_181 : memref<1x40x64xi32, #tpu.memory_space<hbm>> -> memref<40x64xi32, #tpu.memory_space<hbm>>
        tpu.enqueue_dma source(%dma_start3A_182 : memref<40x64xi32, #tpu.memory_space<hbm>>) target(%arg7 : memref<40x64xi32, #tpu.memory_space<vmem>>) target_semaphore(%run_scoped3A : memref<!tpu.dma_semaphore, #tpu.memory_space<semaphore_mem>>)
        %dma_wait3A_183 = arith.constant 0 : i32
        %dma_wait3A_184 = tpu.memref_slice %arg3[%add3A, %mul3A_166, %dma_wait3A_183] : memref<32x160x64xi32, #tpu.memory_space<hbm>> -> memref<1x40x64xi32, #tpu.memory_space<hbm>>
        %dma_wait3A_185 = tpu.memref_squeeze %dma_wait3A_184 : memref<1x40x64xi32, #tpu.memory_space<hbm>> -> memref<40x64xi32, #tpu.memory_space<hbm>>
        %dma_wait3A_186 = arith.constant 0 : i32
        %dma_wait3A_187 = tpu.memref_slice %arg3[%add3A, %mul3A_166, %dma_wait3A_186] : memref<32x160x64xi32, #tpu.memory_space<hbm>> -> memref<1x40x64xi32, #tpu.memory_space<hbm>>
        %dma_wait3A_188 = tpu.memref_squeeze %dma_wait3A_187 : memref<1x40x64xi32, #tpu.memory_space<hbm>> -> memref<40x64xi32, #tpu.memory_space<hbm>>
        tpu.wait_dma2 semaphore(%run_scoped3A : memref<!tpu.dma_semaphore, #tpu.memory_space<semaphore_mem>>) src(%dma_wait3A_188 : memref<40x64xi32, #tpu.memory_space<hbm>>) dst(%arg7 : memref<40x64xi32, #tpu.memory_space<vmem>>)
        tpu.yield
      }) : () -> ()
      %mul3A_167 = arith.constant 2 : i32
      %mul3A_168 = arith.muli %scan3A_160, %mul3A_167 : i32
      %mul3A_169 = arith.constant 20 : i32
      %mul3A_170 = arith.muli %mul3A_168, %mul3A_169 : i32
      "tpu.region"() ({
        %run_scoped3A = tpu.sem_alloc : memref<!tpu.dma_semaphore, #tpu.memory_space<semaphore_mem>>
        %dma_start3A_177 = arith.constant 0 : i32
        %dma_start3A_178 = tpu.memref_slice %arg4[%add3A, %mul3A_170, %dma_start3A_177] : memref<32x160x64xi32, #tpu.memory_space<hbm>> -> memref<1x40x64xi32, #tpu.memory_space<hbm>>
        %dma_start3A_179 = tpu.memref_squeeze %dma_start3A_178 : memref<1x40x64xi32, #tpu.memory_space<hbm>> -> memref<40x64xi32, #tpu.memory_space<hbm>>
        %dma_start3A_180 = arith.constant 0 : i32
        %dma_start3A_181 = tpu.memref_slice %arg4[%add3A, %mul3A_170, %dma_start3A_180] : memref<32x160x64xi32, #tpu.memory_space<hbm>> -> memref<1x40x64xi32, #tpu.memory_space<hbm>>
        %dma_start3A_182 = tpu.memref_squeeze %dma_start3A_181 : memref<1x40x64xi32, #tpu.memory_space<hbm>> -> memref<40x64xi32, #tpu.memory_space<hbm>>
        tpu.enqueue_dma source(%dma_start3A_182 : memref<40x64xi32, #tpu.memory_space<hbm>>) target(%arg8 : memref<40x64xi32, #tpu.memory_space<vmem>>) target_semaphore(%run_scoped3A : memref<!tpu.dma_semaphore, #tpu.memory_space<semaphore_mem>>)
        %dma_wait3A_183 = arith.constant 0 : i32
        %dma_wait3A_184 = tpu.memref_slice %arg4[%add3A, %mul3A_170, %dma_wait3A_183] : memref<32x160x64xi32, #tpu.memory_space<hbm>> -> memref<1x40x64xi32, #tpu.memory_space<hbm>>
        %dma_wait3A_185 = tpu.memref_squeeze %dma_wait3A_184 : memref<1x40x64xi32, #tpu.memory_space<hbm>> -> memref<40x64xi32, #tpu.memory_space<hbm>>
        %dma_wait3A_186 = arith.constant 0 : i32
        %dma_wait3A_187 = tpu.memref_slice %arg4[%add3A, %mul3A_170, %dma_wait3A_186] : memref<32x160x64xi32, #tpu.memory_space<hbm>> -> memref<1x40x64xi32, #tpu.memory_space<hbm>>
        %dma_wait3A_188 = tpu.memref_squeeze %dma_wait3A_187 : memref<1x40x64xi32, #tpu.memory_space<hbm>> -> memref<40x64xi32, #tpu.memory_space<hbm>>
        tpu.wait_dma2 semaphore(%run_scoped3A : memref<!tpu.dma_semaphore, #tpu.memory_space<semaphore_mem>>) src(%dma_wait3A_188 : memref<40x64xi32, #tpu.memory_space<hbm>>) dst(%arg8 : memref<40x64xi32, #tpu.memory_space<vmem>>)
        tpu.yield
      }) : () -> ()
      %scan3A_171 = arith.constant 0 : i32
      %scan3A_172 = arith.constant 0 : i32
      %scan3A_173 = arith.constant 10 : i32
      %scan3A_174 = arith.addi %scan3A_172, %scan3A_173 : i32
      %scan3A_175 = arith.constant 1 : i32
      scf.for %scan3A_177 = %scan3A_172 to %scan3A_174 step %scan3A_175  : i32 {
        %gt3A_178 = arith.constant 0 : i32
        %gt3A_179 = arith.cmpi sgt, %scan3A_177, %gt3A_178 : i32
        %convert_element_type3A_180 = arith.extui %gt3A_179 : i1 to i32
        %cond3A_181 = arith.constant 0 : i32
        %cond3A_182 = arith.cmpi ne, %convert_element_type3A_180, %cond3A_181 : i32
        scf.if %cond3A_182 {
          %dma_wait3A_302 = arith.constant 0 : i32
          %dma_wait3A_303 = arith.constant 0 : i32
          %dma_wait3A_304 = tpu.memref_slice %arg6[%dma_wait3A_302, %dma_wait3A_303] : memref<10240x128xf32, #tpu.memory_space<vmem_shared>> -> memref<64x128xf32, #tpu.memory_space<vmem_shared>>
          %dma_wait3A_305 = arith.constant 0 : i32
          %dma_wait3A_306 = arith.constant 0 : i32
          %dma_wait3A_307 = tpu.memref_slice %arg6[%dma_wait3A_305, %dma_wait3A_306] : memref<10240x128xf32, #tpu.memory_space<vmem_shared>> -> memref<64x128xf32, #tpu.memory_space<vmem_shared>>
          tpu.wait_dma2 semaphore(%arg17 : memref<!tpu.dma_semaphore, #tpu.memory_space<semaphore_mem>>) src(%arg9 : memref<64x128xf32, #tpu.memory_space<vmem>>) dst(%dma_wait3A_307 : memref<64x128xf32, #tpu.memory_space<vmem_shared>>)
        } else {
        }
        %mul3A_183 = arith.constant 4 : i32
        %mul3A_184 = arith.muli %mul3A_183, %scan3A_177 : i32
        %add3A_185 = arith.constant 0 : i32
        %add3A_186 = arith.addi %mul3A_184, %add3A_185 : i32
        %dma_start3A_187 = arith.constant 0 : i32
        %dma_start3A_188 = tpu.memref_slice %arg7[%add3A_186, %dma_start3A_187] : memref<40x64xi32, #tpu.memory_space<vmem>> -> memref<1x64xi32, #tpu.memory_space<vmem>>
        %dma_start3A_189 = tpu.memref_squeeze %dma_start3A_188 : memref<1x64xi32, #tpu.memory_space<vmem>> -> memref<64xi32, #tpu.memory_space<vmem>>
        %dma_start3A_190 = arith.constant 0 : i32
        %dma_start3A_191 = arith.constant 0 : i32
        %dma_start3A_192 = tpu.memref_slice %arg2[%dma_start3A_190, %dma_start3A_191] : memref<10240x128xf32, #tpu.memory_space<hbm>> -> memref<10240x128xf32, #tpu.memory_space<hbm>>
        tpu.enqueue_indirect_dma source(%dma_start3A_192 : memref<10240x128xf32, #tpu.memory_space<hbm>>) target(%arg9 : memref<64x128xf32, #tpu.memory_space<vmem>>) offsets(%dma_start3A_189 : memref<64xi32, #tpu.memory_space<vmem>>) semaphore(%arg13 : memref<!tpu.dma_semaphore, #tpu.memory_space<semaphore_mem>>)
        %gt3A_193 = arith.constant 0 : i32
        %gt3A_194 = arith.cmpi sgt, %scan3A_177, %gt3A_193 : i32
        %convert_element_type3A_195 = arith.extui %gt3A_194 : i1 to i32
        %cond3A_196 = arith.constant 0 : i32
        %cond3A_197 = arith.cmpi ne, %convert_element_type3A_195, %cond3A_196 : i32
        scf.if %cond3A_197 {
          %dma_wait3A_302 = arith.constant 0 : i32
          %dma_wait3A_303 = arith.constant 0 : i32
          %dma_wait3A_304 = tpu.memref_slice %arg6[%dma_wait3A_302, %dma_wait3A_303] : memref<10240x128xf32, #tpu.memory_space<vmem_shared>> -> memref<64x128xf32, #tpu.memory_space<vmem_shared>>
          %dma_wait3A_305 = arith.constant 0 : i32
          %dma_wait3A_306 = arith.constant 0 : i32
          %dma_wait3A_307 = tpu.memref_slice %arg6[%dma_wait3A_305, %dma_wait3A_306] : memref<10240x128xf32, #tpu.memory_space<vmem_shared>> -> memref<64x128xf32, #tpu.memory_space<vmem_shared>>
          tpu.wait_dma2 semaphore(%arg18 : memref<!tpu.dma_semaphore, #tpu.memory_space<semaphore_mem>>) src(%arg10 : memref<64x128xf32, #tpu.memory_space<vmem>>) dst(%dma_wait3A_307 : memref<64x128xf32, #tpu.memory_space<vmem_shared>>)
        } else {
        }
        %mul3A_198 = arith.constant 4 : i32
        %mul3A_199 = arith.muli %mul3A_198, %scan3A_177 : i32
        %add3A_200 = arith.constant 1 : i32
        %add3A_201 = arith.addi %mul3A_199, %add3A_200 : i32
        %dma_start3A_202 = arith.constant 0 : i32
        %dma_start3A_203 = tpu.memref_slice %arg7[%add3A_201, %dma_start3A_202] : memref<40x64xi32, #tpu.memory_space<vmem>> -> memref<1x64xi32, #tpu.memory_space<vmem>>
        %dma_start3A_204 = tpu.memref_squeeze %dma_start3A_203 : memref<1x64xi32, #tpu.memory_space<vmem>> -> memref<64xi32, #tpu.memory_space<vmem>>
        %dma_start3A_205 = arith.constant 0 : i32
        %dma_start3A_206 = arith.constant 0 : i32
        %dma_start3A_207 = tpu.memref_slice %arg2[%dma_start3A_205, %dma_start3A_206] : memref<10240x128xf32, #tpu.memory_space<hbm>> -> memref<10240x128xf32, #tpu.memory_space<hbm>>
        tpu.enqueue_indirect_dma source(%dma_start3A_207 : memref<10240x128xf32, #tpu.memory_space<hbm>>) target(%arg10 : memref<64x128xf32, #tpu.memory_space<vmem>>) offsets(%dma_start3A_204 : memref<64xi32, #tpu.memory_space<vmem>>) semaphore(%arg14 : memref<!tpu.dma_semaphore, #tpu.memory_space<semaphore_mem>>)
        %gt3A_208 = arith.constant 0 : i32
        %gt3A_209 = arith.cmpi sgt, %scan3A_177, %gt3A_208 : i32
        %convert_element_type3A_210 = arith.extui %gt3A_209 : i1 to i32
        %cond3A_211 = arith.constant 0 : i32
        %cond3A_212 = arith.cmpi ne, %convert_element_type3A_210, %cond3A_211 : i32
        scf.if %cond3A_212 {
          %dma_wait3A_302 = arith.constant 0 : i32
          %dma_wait3A_303 = arith.constant 0 : i32
          %dma_wait3A_304 = tpu.memref_slice %arg6[%dma_wait3A_302, %dma_wait3A_303] : memref<10240x128xf32, #tpu.memory_space<vmem_shared>> -> memref<64x128xf32, #tpu.memory_space<vmem_shared>>
          %dma_wait3A_305 = arith.constant 0 : i32
          %dma_wait3A_306 = arith.constant 0 : i32
          %dma_wait3A_307 = tpu.memref_slice %arg6[%dma_wait3A_305, %dma_wait3A_306] : memref<10240x128xf32, #tpu.memory_space<vmem_shared>> -> memref<64x128xf32, #tpu.memory_space<vmem_shared>>
          tpu.wait_dma2 semaphore(%arg19 : memref<!tpu.dma_semaphore, #tpu.memory_space<semaphore_mem>>) src(%arg11 : memref<64x128xf32, #tpu.memory_space<vmem>>) dst(%dma_wait3A_307 : memref<64x128xf32, #tpu.memory_space<vmem_shared>>)
        } else {
        }
        %mul3A_213 = arith.constant 4 : i32
        %mul3A_214 = arith.muli %mul3A_213, %scan3A_177 : i32
        %add3A_215 = arith.constant 2 : i32
        %add3A_216 = arith.addi %mul3A_214, %add3A_215 : i32
        %dma_start3A_217 = arith.constant 0 : i32
        %dma_start3A_218 = tpu.memref_slice %arg7[%add3A_216, %dma_start3A_217] : memref<40x64xi32, #tpu.memory_space<vmem>> -> memref<1x64xi32, #tpu.memory_space<vmem>>
        %dma_start3A_219 = tpu.memref_squeeze %dma_start3A_218 : memref<1x64xi32, #tpu.memory_space<vmem>> -> memref<64xi32, #tpu.memory_space<vmem>>
        %dma_start3A_220 = arith.constant 0 : i32
        %dma_start3A_221 = arith.constant 0 : i32
        %dma_start3A_222 = tpu.memref_slice %arg2[%dma_start3A_220, %dma_start3A_221] : memref<10240x128xf32, #tpu.memory_space<hbm>> -> memref<10240x128xf32, #tpu.memory_space<hbm>>
        tpu.enqueue_indirect_dma source(%dma_start3A_222 : memref<10240x128xf32, #tpu.memory_space<hbm>>) target(%arg11 : memref<64x128xf32, #tpu.memory_space<vmem>>) offsets(%dma_start3A_219 : memref<64xi32, #tpu.memory_space<vmem>>) semaphore(%arg15 : memref<!tpu.dma_semaphore, #tpu.memory_space<semaphore_mem>>)
        %gt3A_223 = arith.constant 0 : i32
        %gt3A_224 = arith.cmpi sgt, %scan3A_177, %gt3A_223 : i32
        %convert_element_type3A_225 = arith.extui %gt3A_224 : i1 to i32
        %cond3A_226 = arith.constant 0 : i32
        %cond3A_227 = arith.cmpi ne, %convert_element_type3A_225, %cond3A_226 : i32
        scf.if %cond3A_227 {
          %dma_wait3A_302 = arith.constant 0 : i32
          %dma_wait3A_303 = arith.constant 0 : i32
          %dma_wait3A_304 = tpu.memref_slice %arg6[%dma_wait3A_302, %dma_wait3A_303] : memref<10240x128xf32, #tpu.memory_space<vmem_shared>> -> memref<64x128xf32, #tpu.memory_space<vmem_shared>>
          %dma_wait3A_305 = arith.constant 0 : i32
          %dma_wait3A_306 = arith.constant 0 : i32
          %dma_wait3A_307 = tpu.memref_slice %arg6[%dma_wait3A_305, %dma_wait3A_306] : memref<10240x128xf32, #tpu.memory_space<vmem_shared>> -> memref<64x128xf32, #tpu.memory_space<vmem_shared>>
          tpu.wait_dma2 semaphore(%arg20 : memref<!tpu.dma_semaphore, #tpu.memory_space<semaphore_mem>>) src(%arg12 : memref<64x128xf32, #tpu.memory_space<vmem>>) dst(%dma_wait3A_307 : memref<64x128xf32, #tpu.memory_space<vmem_shared>>)
        } else {
        }
        %mul3A_228 = arith.constant 4 : i32
        %mul3A_229 = arith.muli %mul3A_228, %scan3A_177 : i32
        %add3A_230 = arith.constant 3 : i32
        %add3A_231 = arith.addi %mul3A_229, %add3A_230 : i32
        %dma_start3A_232 = arith.constant 0 : i32
        %dma_start3A_233 = tpu.memref_slice %arg7[%add3A_231, %dma_start3A_232] : memref<40x64xi32, #tpu.memory_space<vmem>> -> memref<1x64xi32, #tpu.memory_space<vmem>>
        %dma_start3A_234 = tpu.memref_squeeze %dma_start3A_233 : memref<1x64xi32, #tpu.memory_space<vmem>> -> memref<64xi32, #tpu.memory_space<vmem>>
        %dma_start3A_235 = arith.constant 0 : i32
        %dma_start3A_236 = arith.constant 0 : i32
        %dma_start3A_237 = tpu.memref_slice %arg2[%dma_start3A_235, %dma_start3A_236] : memref<10240x128xf32, #tpu.memory_space<hbm>> -> memref<10240x128xf32, #tpu.memory_space<hbm>>
        tpu.enqueue_indirect_dma source(%dma_start3A_237 : memref<10240x128xf32, #tpu.memory_space<hbm>>) target(%arg12 : memref<64x128xf32, #tpu.memory_space<vmem>>) offsets(%dma_start3A_234 : memref<64xi32, #tpu.memory_space<vmem>>) semaphore(%arg16 : memref<!tpu.dma_semaphore, #tpu.memory_space<semaphore_mem>>)
        %dma_wait3A_238 = arith.constant 0 : i32
        %dma_wait3A_239 = arith.constant 0 : i32
        %dma_wait3A_240 = tpu.memref_slice %arg2[%dma_wait3A_238, %dma_wait3A_239] : memref<10240x128xf32, #tpu.memory_space<hbm>> -> memref<64x128xf32, #tpu.memory_space<hbm>>
        %dma_wait3A_241 = arith.constant 0 : i32
        %dma_wait3A_242 = arith.constant 0 : i32
        %dma_wait3A_243 = tpu.memref_slice %arg2[%dma_wait3A_241, %dma_wait3A_242] : memref<10240x128xf32, #tpu.memory_space<hbm>> -> memref<64x128xf32, #tpu.memory_space<hbm>>
        tpu.wait_dma2 semaphore(%arg13 : memref<!tpu.dma_semaphore, #tpu.memory_space<semaphore_mem>>) src(%dma_wait3A_243 : memref<64x128xf32, #tpu.memory_space<hbm>>) dst(%arg9 : memref<64x128xf32, #tpu.memory_space<vmem>>)
        %mul3A_244 = arith.constant 4 : i32
        %mul3A_245 = arith.muli %mul3A_244, %scan3A_177 : i32
        %add3A_246 = arith.constant 0 : i32
        %add3A_247 = arith.addi %mul3A_245, %add3A_246 : i32
        %dma_start3A_248 = arith.constant 0 : i32
        %dma_start3A_249 = tpu.memref_slice %arg8[%add3A_247, %dma_start3A_248] : memref<40x64xi32, #tpu.memory_space<vmem>> -> memref<1x64xi32, #tpu.memory_space<vmem>>
        %dma_start3A_250 = tpu.memref_squeeze %dma_start3A_249 : memref<1x64xi32, #tpu.memory_space<vmem>> -> memref<64xi32, #tpu.memory_space<vmem>>
        %dma_start3A_251 = arith.constant 0 : i32
        %dma_start3A_252 = arith.constant 0 : i32
        %dma_start3A_253 = tpu.memref_slice %arg6[%dma_start3A_251, %dma_start3A_252] : memref<10240x128xf32, #tpu.memory_space<vmem_shared>> -> memref<10240x128xf32, #tpu.memory_space<vmem_shared>>
        tpu.enqueue_indirect_dma source(%arg9 : memref<64x128xf32, #tpu.memory_space<vmem>>) target(%dma_start3A_253 : memref<10240x128xf32, #tpu.memory_space<vmem_shared>>) offsets(%dma_start3A_250 : memref<64xi32, #tpu.memory_space<vmem>>) semaphore(%arg17 : memref<!tpu.dma_semaphore, #tpu.memory_space<semaphore_mem>>) {add = true}
        %dma_wait3A_254 = arith.constant 0 : i32
        %dma_wait3A_255 = arith.constant 0 : i32
        %dma_wait3A_256 = tpu.memref_slice %arg2[%dma_wait3A_254, %dma_wait3A_255] : memref<10240x128xf32, #tpu.memory_space<hbm>> -> memref<64x128xf32, #tpu.memory_space<hbm>>
        %dma_wait3A_257 = arith.constant 0 : i32
        %dma_wait3A_258 = arith.constant 0 : i32
        %dma_wait3A_259 = tpu.memref_slice %arg2[%dma_wait3A_257, %dma_wait3A_258] : memref<10240x128xf32, #tpu.memory_space<hbm>> -> memref<64x128xf32, #tpu.memory_space<hbm>>
        tpu.wait_dma2 semaphore(%arg14 : memref<!tpu.dma_semaphore, #tpu.memory_space<semaphore_mem>>) src(%dma_wait3A_259 : memref<64x128xf32, #tpu.memory_space<hbm>>) dst(%arg10 : memref<64x128xf32, #tpu.memory_space<vmem>>)
        %mul3A_260 = arith.constant 4 : i32
        %mul3A_261 = arith.muli %mul3A_260, %scan3A_177 : i32
        %add3A_262 = arith.constant 1 : i32
        %add3A_263 = arith.addi %mul3A_261, %add3A_262 : i32
        %dma_start3A_264 = arith.constant 0 : i32
        %dma_start3A_265 = tpu.memref_slice %arg8[%add3A_263, %dma_start3A_264] : memref<40x64xi32, #tpu.memory_space<vmem>> -> memref<1x64xi32, #tpu.memory_space<vmem>>
        %dma_start3A_266 = tpu.memref_squeeze %dma_start3A_265 : memref<1x64xi32, #tpu.memory_space<vmem>> -> memref<64xi32, #tpu.memory_space<vmem>>
        %dma_start3A_267 = arith.constant 0 : i32
        %dma_start3A_268 = arith.constant 0 : i32
        %dma_start3A_269 = tpu.memref_slice %arg6[%dma_start3A_267, %dma_start3A_268] : memref<10240x128xf32, #tpu.memory_space<vmem_shared>> -> memref<10240x128xf32, #tpu.memory_space<vmem_shared>>
        tpu.enqueue_indirect_dma source(%arg10 : memref<64x128xf32, #tpu.memory_space<vmem>>) target(%dma_start3A_269 : memref<10240x128xf32, #tpu.memory_space<vmem_shared>>) offsets(%dma_start3A_266 : memref<64xi32, #tpu.memory_space<vmem>>) semaphore(%arg18 : memref<!tpu.dma_semaphore, #tpu.memory_space<semaphore_mem>>) {add = true}
        %dma_wait3A_270 = arith.constant 0 : i32
        %dma_wait3A_271 = arith.constant 0 : i32
        %dma_wait3A_272 = tpu.memref_slice %arg2[%dma_wait3A_270, %dma_wait3A_271] : memref<10240x128xf32, #tpu.memory_space<hbm>> -> memref<64x128xf32, #tpu.memory_space<hbm>>
        %dma_wait3A_273 = arith.constant 0 : i32
        %dma_wait3A_274 = arith.constant 0 : i32
        %dma_wait3A_275 = tpu.memref_slice %arg2[%dma_wait3A_273, %dma_wait3A_274] : memref<10240x128xf32, #tpu.memory_space<hbm>> -> memref<64x128xf32, #tpu.memory_space<hbm>>
        tpu.wait_dma2 semaphore(%arg15 : memref<!tpu.dma_semaphore, #tpu.memory_space<semaphore_mem>>) src(%dma_wait3A_275 : memref<64x128xf32, #tpu.memory_space<hbm>>) dst(%arg11 : memref<64x128xf32, #tpu.memory_space<vmem>>)
        %mul3A_276 = arith.constant 4 : i32
        %mul3A_277 = arith.muli %mul3A_276, %scan3A_177 : i32
        %add3A_278 = arith.constant 2 : i32
        %add3A_279 = arith.addi %mul3A_277, %add3A_278 : i32
        %dma_start3A_280 = arith.constant 0 : i32
        %dma_start3A_281 = tpu.memref_slice %arg8[%add3A_279, %dma_start3A_280] : memref<40x64xi32, #tpu.memory_space<vmem>> -> memref<1x64xi32, #tpu.memory_space<vmem>>
        %dma_start3A_282 = tpu.memref_squeeze %dma_start3A_281 : memref<1x64xi32, #tpu.memory_space<vmem>> -> memref<64xi32, #tpu.memory_space<vmem>>
        %dma_start3A_283 = arith.constant 0 : i32
        %dma_start3A_284 = arith.constant 0 : i32
        %dma_start3A_285 = tpu.memref_slice %arg6[%dma_start3A_283, %dma_start3A_284] : memref<10240x128xf32, #tpu.memory_space<vmem_shared>> -> memref<10240x128xf32, #tpu.memory_space<vmem_shared>>
        tpu.enqueue_indirect_dma source(%arg11 : memref<64x128xf32, #tpu.memory_space<vmem>>) target(%dma_start3A_285 : memref<10240x128xf32, #tpu.memory_space<vmem_shared>>) offsets(%dma_start3A_282 : memref<64xi32, #tpu.memory_space<vmem>>) semaphore(%arg19 : memref<!tpu.dma_semaphore, #tpu.memory_space<semaphore_mem>>) {add = true}
        %dma_wait3A_286 = arith.constant 0 : i32
        %dma_wait3A_287 = arith.constant 0 : i32
        %dma_wait3A_288 = tpu.memref_slice %arg2[%dma_wait3A_286, %dma_wait3A_287] : memref<10240x128xf32, #tpu.memory_space<hbm>> -> memref<64x128xf32, #tpu.memory_space<hbm>>
        %dma_wait3A_289 = arith.constant 0 : i32
        %dma_wait3A_290 = arith.constant 0 : i32
        %dma_wait3A_291 = tpu.memref_slice %arg2[%dma_wait3A_289, %dma_wait3A_290] : memref<10240x128xf32, #tpu.memory_space<hbm>> -> memref<64x128xf32, #tpu.memory_space<hbm>>
        tpu.wait_dma2 semaphore(%arg16 : memref<!tpu.dma_semaphore, #tpu.memory_space<semaphore_mem>>) src(%dma_wait3A_291 : memref<64x128xf32, #tpu.memory_space<hbm>>) dst(%arg12 : memref<64x128xf32, #tpu.memory_space<vmem>>)
        %mul3A_292 = arith.constant 4 : i32
        %mul3A_293 = arith.muli %mul3A_292, %scan3A_177 : i32
        %add3A_294 = arith.constant 3 : i32
        %add3A_295 = arith.addi %mul3A_293, %add3A_294 : i32
        %dma_start3A_296 = arith.constant 0 : i32
        %dma_start3A_297 = tpu.memref_slice %arg8[%add3A_295, %dma_start3A_296] : memref<40x64xi32, #tpu.memory_space<vmem>> -> memref<1x64xi32, #tpu.memory_space<vmem>>
        %dma_start3A_298 = tpu.memref_squeeze %dma_start3A_297 : memref<1x64xi32, #tpu.memory_space<vmem>> -> memref<64xi32, #tpu.memory_space<vmem>>
        %dma_start3A_299 = arith.constant 0 : i32
        %dma_start3A_300 = arith.constant 0 : i32
        %dma_start3A_301 = tpu.memref_slice %arg6[%dma_start3A_299, %dma_start3A_300] : memref<10240x128xf32, #tpu.memory_space<vmem_shared>> -> memref<10240x128xf32, #tpu.memory_space<vmem_shared>>
        tpu.enqueue_indirect_dma source(%arg12 : memref<64x128xf32, #tpu.memory_space<vmem>>) target(%dma_start3A_301 : memref<10240x128xf32, #tpu.memory_space<vmem_shared>>) offsets(%dma_start3A_298 : memref<64xi32, #tpu.memory_space<vmem>>) semaphore(%arg20 : memref<!tpu.dma_semaphore, #tpu.memory_space<semaphore_mem>>) {add = true}
      }
      %scan3A_176 = arith.constant 10 : i32
    }
    %scan3A_131 = arith.constant 4 : i32
    %dma_wait3A_132 = arith.constant 0 : i32
    %dma_wait3A_133 = arith.constant 0 : i32
    %dma_wait3A_134 = tpu.memref_slice %arg6[%dma_wait3A_132, %dma_wait3A_133] : memref<10240x128xf32, #tpu.memory_space<vmem_shared>> -> memref<64x128xf32, #tpu.memory_space<vmem_shared>>
    %dma_wait3A_135 = arith.constant 0 : i32
    %dma_wait3A_136 = arith.constant 0 : i32
    %dma_wait3A_137 = tpu.memref_slice %arg6[%dma_wait3A_135, %dma_wait3A_136] : memref<10240x128xf32, #tpu.memory_space<vmem_shared>> -> memref<64x128xf32, #tpu.memory_space<vmem_shared>>
    tpu.wait_dma2 semaphore(%arg17 : memref<!tpu.dma_semaphore, #tpu.memory_space<semaphore_mem>>) src(%arg9 : memref<64x128xf32, #tpu.memory_space<vmem>>) dst(%dma_wait3A_137 : memref<64x128xf32, #tpu.memory_space<vmem_shared>>)
    %dma_wait3A_138 = arith.constant 0 : i32
    %dma_wait3A_139 = arith.constant 0 : i32
    %dma_wait3A_140 = tpu.memref_slice %arg6[%dma_wait3A_138, %dma_wait3A_139] : memref<10240x128xf32, #tpu.memory_space<vmem_shared>> -> memref<64x128xf32, #tpu.memory_space<vmem_shared>>
    %dma_wait3A_141 = arith.constant 0 : i32
    %dma_wait3A_142 = arith.constant 0 : i32
    %dma_wait3A_143 = tpu.memref_slice %arg6[%dma_wait3A_141, %dma_wait3A_142] : memref<10240x128xf32, #tpu.memory_space<vmem_shared>> -> memref<64x128xf32, #tpu.memory_space<vmem_shared>>
    tpu.wait_dma2 semaphore(%arg18 : memref<!tpu.dma_semaphore, #tpu.memory_space<semaphore_mem>>) src(%arg10 : memref<64x128xf32, #tpu.memory_space<vmem>>) dst(%dma_wait3A_143 : memref<64x128xf32, #tpu.memory_space<vmem_shared>>)
    %dma_wait3A_144 = arith.constant 0 : i32
    %dma_wait3A_145 = arith.constant 0 : i32
    %dma_wait3A_146 = tpu.memref_slice %arg6[%dma_wait3A_144, %dma_wait3A_145] : memref<10240x128xf32, #tpu.memory_space<vmem_shared>> -> memref<64x128xf32, #tpu.memory_space<vmem_shared>>
    %dma_wait3A_147 = arith.constant 0 : i32
    %dma_wait3A_148 = arith.constant 0 : i32
    %dma_wait3A_149 = tpu.memref_slice %arg6[%dma_wait3A_147, %dma_wait3A_148] : memref<10240x128xf32, #tpu.memory_space<vmem_shared>> -> memref<64x128xf32, #tpu.memory_space<vmem_shared>>
    tpu.wait_dma2 semaphore(%arg19 : memref<!tpu.dma_semaphore, #tpu.memory_space<semaphore_mem>>) src(%arg11 : memref<64x128xf32, #tpu.memory_space<vmem>>) dst(%dma_wait3A_149 : memref<64x128xf32, #tpu.memory_space<vmem_shared>>)
    %dma_wait3A_150 = arith.constant 0 : i32
    %dma_wait3A_151 = arith.constant 0 : i32
    %dma_wait3A_152 = tpu.memref_slice %arg6[%dma_wait3A_150, %dma_wait3A_151] : memref<10240x128xf32, #tpu.memory_space<vmem_shared>> -> memref<64x128xf32, #tpu.memory_space<vmem_shared>>
    %dma_wait3A_153 = arith.constant 0 : i32
    %dma_wait3A_154 = arith.constant 0 : i32
    %dma_wait3A_155 = tpu.memref_slice %arg6[%dma_wait3A_153, %dma_wait3A_154] : memref<10240x128xf32, #tpu.memory_space<vmem_shared>> -> memref<64x128xf32, #tpu.memory_space<vmem_shared>>
    tpu.wait_dma2 semaphore(%arg20 : memref<!tpu.dma_semaphore, #tpu.memory_space<semaphore_mem>>) src(%arg12 : memref<64x128xf32, #tpu.memory_space<vmem>>) dst(%dma_wait3A_155 : memref<64x128xf32, #tpu.memory_space<vmem_shared>>)
    %barrier3A_156 = arith.constant 0 : index
    tpu.barrier barrier_id(%barrier3A_156)
    %mul3A_157 = arith.constant 10240 : i32
    %mul3A_158 = arith.muli %arg0, %mul3A_157 : i32
    %add3A_159 = arith.addi %mul3A_158, %mul3A_2 : i32
    "tpu.region"() ({
      %run_scoped3A = tpu.sem_alloc : memref<!tpu.dma_semaphore, #tpu.memory_space<semaphore_mem>>
      %dma_start3A_160 = arith.constant 0 : i32
      %dma_start3A_161 = tpu.memref_slice %arg5[%add3A_159, %dma_start3A_160] : memref<20480x128xf32, #tpu.memory_space<hbm>> -> memref<640x128xf32, #tpu.memory_space<hbm>>
      %dma_start3A_162 = arith.constant 0 : i32
      %dma_start3A_163 = tpu.memref_slice %arg6[%mul3A_2, %dma_start3A_162] : memref<10240x128xf32, #tpu.memory_space<vmem_shared>> -> memref<640x128xf32, #tpu.memory_space<vmem_shared>>
      tpu.enqueue_dma source(%dma_start3A_163 : memref<640x128xf32, #tpu.memory_space<vmem_shared>>) target(%dma_start3A_161 : memref<640x128xf32, #tpu.memory_space<hbm>>) target_semaphore(%run_scoped3A : memref<!tpu.dma_semaphore, #tpu.memory_space<semaphore_mem>>)
      %dma_wait3A_164 = arith.constant 0 : i32
      %dma_wait3A_165 = tpu.memref_slice %arg5[%add3A_159, %dma_wait3A_164] : memref<20480x128xf32, #tpu.memory_space<hbm>> -> memref<640x128xf32, #tpu.memory_space<hbm>>
      %dma_wait3A_166 = arith.constant 0 : i32
      %dma_wait3A_167 = tpu.memref_slice %arg6[%mul3A_2, %dma_wait3A_166] : memref<10240x128xf32, #tpu.memory_space<vmem_shared>> -> memref<640x128xf32, #tpu.memory_space<vmem_shared>>
      tpu.wait_dma2 semaphore(%run_scoped3A : memref<!tpu.dma_semaphore, #tpu.memory_space<semaphore_mem>>) src(%dma_wait3A_167 : memref<640x128xf32, #tpu.memory_space<vmem_shared>>) dst(%dma_wait3A_165 : memref<640x128xf32, #tpu.memory_space<hbm>>)
      tpu.yield
    }) : () -> ()
    return
  }
}

#map = affine_map<(d0, d1) -> (0, 0)>
#map1 = affine_map<(d0, d1) -> (0, 0, 0)>
#map2 = affine_map<(d0, d1) -> (0)>
module attributes {stable_mosaic.version = 14 : i64} {
  func.func @_sc_enc_body(%arg0: i32, %arg1: i32, %arg2: memref<1152x128xf32, #tpu.memory_space<hbm>>, %arg3: memref<32x23x128xi32, #tpu.memory_space<hbm>>, %arg4: memref<32x23x128xi32, #tpu.memory_space<hbm>>, %arg5: memref<327680xi32, #tpu.memory_space<hbm>>, %arg6: memref<10240x128xf32, #tpu.memory_space<hbm>>, %arg7: memref<327680xf32, #tpu.memory_space<hbm>>, %arg8: memref<5120x128xf32, #tpu.memory_space<vmem_shared>>, %arg9: memref<23x128xi32, #tpu.memory_space<vmem>>, %arg10: memref<23x128xi32, #tpu.memory_space<vmem>>, %arg11: memref<128x128xf32, #tpu.memory_space<vmem>>, %arg12: memref<128x128xf32, #tpu.memory_space<vmem>>, %arg13: memref<128x128xf32, #tpu.memory_space<vmem>>, %arg14: memref<128x128xf32, #tpu.memory_space<vmem>>, %arg15: memref<5120xi32, #tpu.memory_space<vmem>>, %arg16: memref<10240xf32, #tpu.memory_space<vmem>>, %arg17: memref<!tpu.dma_semaphore, #tpu.memory_space<semaphore_mem>>, %arg18: memref<!tpu.dma_semaphore, #tpu.memory_space<semaphore_mem>>, %arg19: memref<!tpu.dma_semaphore, #tpu.memory_space<semaphore_mem>>, %arg20: memref<!tpu.dma_semaphore, #tpu.memory_space<semaphore_mem>>, %arg21: memref<!tpu.dma_semaphore, #tpu.memory_space<semaphore_mem>>, %arg22: memref<!tpu.dma_semaphore, #tpu.memory_space<semaphore_mem>>, %arg23: memref<!tpu.dma_semaphore, #tpu.memory_space<semaphore_mem>>, %arg24: memref<!tpu.dma_semaphore, #tpu.memory_space<semaphore_mem>>) attributes {dimension_semantics = [#tpu.dimension_semantics<core_parallel>, #tpu.dimension_semantics<subcore_parallel>], iteration_bounds = array<i64: 2, 16>, scalar_prefetch = 0 : i64, scratch_operands = 17 : i64, tpu.core_type = #tpu.core_type<sc_vector_subcore>, window_params = [{transform_indices = #map}, {transform_indices = #map1}, {transform_indices = #map1}, {transform_indices = #map2}, {transform_indices = #map}, {transform_indices = #map2}]} {
    %mul3A = arith.constant 16 : i32
    %mul3A_0 = arith.muli %arg0, %mul3A : i32
    %add3A = arith.addi %mul3A_0, %arg1 : i32
    %lt3A = arith.constant 8 : i32
    %lt3A_1 = arith.cmpi slt, %arg1, %lt3A : i32
    %jit3A = arith.constant 23 : i32
    %jit3A_2 = arith.constant 22 : i32
    %select_n3A = arith.select %lt3A_1, %jit3A, %jit3A_2 : i32
    %lt3A_3 = arith.constant 8 : i32
    %lt3A_4 = arith.cmpi slt, %arg1, %lt3A_3 : i32
    %mul3A_5 = arith.constant 3 : i32
    %mul3A_6 = arith.muli %mul3A_5, %arg1 : i32
    %mul3A_7 = arith.constant 2 : i32
    %mul3A_8 = arith.muli %mul3A_7, %arg1 : i32
    %add3A_9 = arith.constant 8 : i32
    %add3A_10 = arith.addi %add3A_9, %mul3A_8 : i32
    %select_n3A_11 = arith.select %lt3A_4, %mul3A_6, %add3A_10 : i32
    %mul3A_12 = arith.constant 128 : i32
    %mul3A_13 = arith.muli %select_n3A_11, %mul3A_12 : i32
    "tpu.region"() ({
      %run_scoped3A = tpu.sem_alloc : memref<!tpu.dma_semaphore, #tpu.memory_space<semaphore_mem>>
      %dma_start3A_118 = arith.constant 0 : i32
      %dma_start3A_119 = arith.constant 0 : i32
      %dma_start3A_120 = tpu.memref_slice %arg3[%add3A, %dma_start3A_118, %dma_start3A_119] : memref<32x23x128xi32, #tpu.memory_space<hbm>> -> memref<1x23x128xi32, #tpu.memory_space<hbm>>
      %dma_start3A_121 = tpu.memref_squeeze %dma_start3A_120 : memref<1x23x128xi32, #tpu.memory_space<hbm>> -> memref<23x128xi32, #tpu.memory_space<hbm>>
      %dma_start3A_122 = arith.constant 0 : i32
      %dma_start3A_123 = arith.constant 0 : i32
      %dma_start3A_124 = tpu.memref_slice %arg3[%add3A, %dma_start3A_122, %dma_start3A_123] : memref<32x23x128xi32, #tpu.memory_space<hbm>> -> memref<1x23x128xi32, #tpu.memory_space<hbm>>
      %dma_start3A_125 = tpu.memref_squeeze %dma_start3A_124 : memref<1x23x128xi32, #tpu.memory_space<hbm>> -> memref<23x128xi32, #tpu.memory_space<hbm>>
      tpu.enqueue_dma source(%dma_start3A_125 : memref<23x128xi32, #tpu.memory_space<hbm>>) target(%arg9 : memref<23x128xi32, #tpu.memory_space<vmem>>) target_semaphore(%run_scoped3A : memref<!tpu.dma_semaphore, #tpu.memory_space<semaphore_mem>>)
      %dma_wait3A_126 = arith.constant 0 : i32
      %dma_wait3A_127 = arith.constant 0 : i32
      %dma_wait3A_128 = tpu.memref_slice %arg3[%add3A, %dma_wait3A_126, %dma_wait3A_127] : memref<32x23x128xi32, #tpu.memory_space<hbm>> -> memref<1x23x128xi32, #tpu.memory_space<hbm>>
      %dma_wait3A_129 = tpu.memref_squeeze %dma_wait3A_128 : memref<1x23x128xi32, #tpu.memory_space<hbm>> -> memref<23x128xi32, #tpu.memory_space<hbm>>
      %dma_wait3A_130 = arith.constant 0 : i32
      %dma_wait3A_131 = arith.constant 0 : i32
      %dma_wait3A_132 = tpu.memref_slice %arg3[%add3A, %dma_wait3A_130, %dma_wait3A_131] : memref<32x23x128xi32, #tpu.memory_space<hbm>> -> memref<1x23x128xi32, #tpu.memory_space<hbm>>
      %dma_wait3A_133 = tpu.memref_squeeze %dma_wait3A_132 : memref<1x23x128xi32, #tpu.memory_space<hbm>> -> memref<23x128xi32, #tpu.memory_space<hbm>>
      tpu.wait_dma2 semaphore(%run_scoped3A : memref<!tpu.dma_semaphore, #tpu.memory_space<semaphore_mem>>) src(%dma_wait3A_133 : memref<23x128xi32, #tpu.memory_space<hbm>>) dst(%arg9 : memref<23x128xi32, #tpu.memory_space<vmem>>)
      tpu.yield
    }) : () -> ()
    "tpu.region"() ({
      %run_scoped3A = tpu.sem_alloc : memref<!tpu.dma_semaphore, #tpu.memory_space<semaphore_mem>>
      %dma_start3A_118 = arith.constant 0 : i32
      %dma_start3A_119 = arith.constant 0 : i32
      %dma_start3A_120 = tpu.memref_slice %arg4[%add3A, %dma_start3A_118, %dma_start3A_119] : memref<32x23x128xi32, #tpu.memory_space<hbm>> -> memref<1x23x128xi32, #tpu.memory_space<hbm>>
      %dma_start3A_121 = tpu.memref_squeeze %dma_start3A_120 : memref<1x23x128xi32, #tpu.memory_space<hbm>> -> memref<23x128xi32, #tpu.memory_space<hbm>>
      %dma_start3A_122 = arith.constant 0 : i32
      %dma_start3A_123 = arith.constant 0 : i32
      %dma_start3A_124 = tpu.memref_slice %arg4[%add3A, %dma_start3A_122, %dma_start3A_123] : memref<32x23x128xi32, #tpu.memory_space<hbm>> -> memref<1x23x128xi32, #tpu.memory_space<hbm>>
      %dma_start3A_125 = tpu.memref_squeeze %dma_start3A_124 : memref<1x23x128xi32, #tpu.memory_space<hbm>> -> memref<23x128xi32, #tpu.memory_space<hbm>>
      tpu.enqueue_dma source(%dma_start3A_125 : memref<23x128xi32, #tpu.memory_space<hbm>>) target(%arg10 : memref<23x128xi32, #tpu.memory_space<vmem>>) target_semaphore(%run_scoped3A : memref<!tpu.dma_semaphore, #tpu.memory_space<semaphore_mem>>)
      %dma_wait3A_126 = arith.constant 0 : i32
      %dma_wait3A_127 = arith.constant 0 : i32
      %dma_wait3A_128 = tpu.memref_slice %arg4[%add3A, %dma_wait3A_126, %dma_wait3A_127] : memref<32x23x128xi32, #tpu.memory_space<hbm>> -> memref<1x23x128xi32, #tpu.memory_space<hbm>>
      %dma_wait3A_129 = tpu.memref_squeeze %dma_wait3A_128 : memref<1x23x128xi32, #tpu.memory_space<hbm>> -> memref<23x128xi32, #tpu.memory_space<hbm>>
      %dma_wait3A_130 = arith.constant 0 : i32
      %dma_wait3A_131 = arith.constant 0 : i32
      %dma_wait3A_132 = tpu.memref_slice %arg4[%add3A, %dma_wait3A_130, %dma_wait3A_131] : memref<32x23x128xi32, #tpu.memory_space<hbm>> -> memref<1x23x128xi32, #tpu.memory_space<hbm>>
      %dma_wait3A_133 = tpu.memref_squeeze %dma_wait3A_132 : memref<1x23x128xi32, #tpu.memory_space<hbm>> -> memref<23x128xi32, #tpu.memory_space<hbm>>
      tpu.wait_dma2 semaphore(%run_scoped3A : memref<!tpu.dma_semaphore, #tpu.memory_space<semaphore_mem>>) src(%dma_wait3A_133 : memref<23x128xi32, #tpu.memory_space<hbm>>) dst(%arg10 : memref<23x128xi32, #tpu.memory_space<vmem>>)
      tpu.yield
    }) : () -> ()
    %scan3A = arith.constant 0 : i32
    %scan3A_14 = arith.constant 0 : i32
    %scan3A_15 = arith.constant 128 : i32
    %scan3A_16 = arith.addi %scan3A_14, %scan3A_15 : i32
    %scan3A_17 = arith.constant 1 : i32
    scf.for %scan3A_118 = %scan3A_14 to %scan3A_16 step %scan3A_17  : i32 {
      %broadcast_in_dim3A_119 = arith.constant 0.000000e+00 : f32
      %broadcast_in_dim3A_120 = vector.broadcast %broadcast_in_dim3A_119 : f32 to vector<16xf32>
      %swap3A = arith.index_cast %scan3A_118 : i32 to index
      %swap3A_121 = arith.constant 0 : index
      %swap3A_122 = tpu.vector_load %arg11[%swap3A, %swap3A_121] {strides = array<i32>} : memref<128x128xf32, #tpu.memory_space<vmem>>, vector<16xf32>,
      tpu.vector_store %arg11[%swap3A, %swap3A_121], %broadcast_in_dim3A_120 {strides = array<i32>} : memref<128x128xf32, #tpu.memory_space<vmem>>, vector<16xf32>,
      %broadcast_in_dim3A_123 = arith.constant 0.000000e+00 : f32
      %broadcast_in_dim3A_124 = vector.broadcast %broadcast_in_dim3A_123 : f32 to vector<16xf32>
      %swap3A_125 = arith.index_cast %scan3A_118 : i32 to index
      %swap3A_126 = arith.constant 16 : index
      %swap3A_127 = tpu.vector_load %arg11[%swap3A_125, %swap3A_126] {strides = array<i32>} : memref<128x128xf32, #tpu.memory_space<vmem>>, vector<16xf32>,
      tpu.vector_store %arg11[%swap3A_125, %swap3A_126], %broadcast_in_dim3A_124 {strides = array<i32>} : memref<128x128xf32, #tpu.memory_space<vmem>>, vector<16xf32>,
      %broadcast_in_dim3A_128 = arith.constant 0.000000e+00 : f32
      %broadcast_in_dim3A_129 = vector.broadcast %broadcast_in_dim3A_128 : f32 to vector<16xf32>
      %swap3A_130 = arith.index_cast %scan3A_118 : i32 to index
      %swap3A_131 = arith.constant 32 : index
      %swap3A_132 = tpu.vector_load %arg11[%swap3A_130, %swap3A_131] {strides = array<i32>} : memref<128x128xf32, #tpu.memory_space<vmem>>, vector<16xf32>,
      tpu.vector_store %arg11[%swap3A_130, %swap3A_131], %broadcast_in_dim3A_129 {strides = array<i32>} : memref<128x128xf32, #tpu.memory_space<vmem>>, vector<16xf32>,
      %broadcast_in_dim3A_133 = arith.constant 0.000000e+00 : f32
      %broadcast_in_dim3A_134 = vector.broadcast %broadcast_in_dim3A_133 : f32 to vector<16xf32>
      %swap3A_135 = arith.index_cast %scan3A_118 : i32 to index
      %swap3A_136 = arith.constant 48 : index
      %swap3A_137 = tpu.vector_load %arg11[%swap3A_135, %swap3A_136] {strides = array<i32>} : memref<128x128xf32, #tpu.memory_space<vmem>>, vector<16xf32>,
      tpu.vector_store %arg11[%swap3A_135, %swap3A_136], %broadcast_in_dim3A_134 {strides = array<i32>} : memref<128x128xf32, #tpu.memory_space<vmem>>, vector<16xf32>,
      %broadcast_in_dim3A_138 = arith.constant 0.000000e+00 : f32
      %broadcast_in_dim3A_139 = vector.broadcast %broadcast_in_dim3A_138 : f32 to vector<16xf32>
      %swap3A_140 = arith.index_cast %scan3A_118 : i32 to index
      %swap3A_141 = arith.constant 64 : index
      %swap3A_142 = tpu.vector_load %arg11[%swap3A_140, %swap3A_141] {strides = array<i32>} : memref<128x128xf32, #tpu.memory_space<vmem>>, vector<16xf32>,
      tpu.vector_store %arg11[%swap3A_140, %swap3A_141], %broadcast_in_dim3A_139 {strides = array<i32>} : memref<128x128xf32, #tpu.memory_space<vmem>>, vector<16xf32>,
      %broadcast_in_dim3A_143 = arith.constant 0.000000e+00 : f32
      %broadcast_in_dim3A_144 = vector.broadcast %broadcast_in_dim3A_143 : f32 to vector<16xf32>
      %swap3A_145 = arith.index_cast %scan3A_118 : i32 to index
      %swap3A_146 = arith.constant 80 : index
      %swap3A_147 = tpu.vector_load %arg11[%swap3A_145, %swap3A_146] {strides = array<i32>} : memref<128x128xf32, #tpu.memory_space<vmem>>, vector<16xf32>,
      tpu.vector_store %arg11[%swap3A_145, %swap3A_146], %broadcast_in_dim3A_144 {strides = array<i32>} : memref<128x128xf32, #tpu.memory_space<vmem>>, vector<16xf32>,
      %broadcast_in_dim3A_148 = arith.constant 0.000000e+00 : f32
      %broadcast_in_dim3A_149 = vector.broadcast %broadcast_in_dim3A_148 : f32 to vector<16xf32>
      %swap3A_150 = arith.index_cast %scan3A_118 : i32 to index
      %swap3A_151 = arith.constant 96 : index
      %swap3A_152 = tpu.vector_load %arg11[%swap3A_150, %swap3A_151] {strides = array<i32>} : memref<128x128xf32, #tpu.memory_space<vmem>>, vector<16xf32>,
      tpu.vector_store %arg11[%swap3A_150, %swap3A_151], %broadcast_in_dim3A_149 {strides = array<i32>} : memref<128x128xf32, #tpu.memory_space<vmem>>, vector<16xf32>,
      %broadcast_in_dim3A_153 = arith.constant 0.000000e+00 : f32
      %broadcast_in_dim3A_154 = vector.broadcast %broadcast_in_dim3A_153 : f32 to vector<16xf32>
      %swap3A_155 = arith.index_cast %scan3A_118 : i32 to index
      %swap3A_156 = arith.constant 112 : index
      %swap3A_157 = tpu.vector_load %arg11[%swap3A_155, %swap3A_156] {strides = array<i32>} : memref<128x128xf32, #tpu.memory_space<vmem>>, vector<16xf32>,
      tpu.vector_store %arg11[%swap3A_155, %swap3A_156], %broadcast_in_dim3A_154 {strides = array<i32>} : memref<128x128xf32, #tpu.memory_space<vmem>>, vector<16xf32>,
    }
    %scan3A_18 = arith.constant 128 : i32
    %add3A_19 = arith.constant 0 : i32
    %add3A_20 = arith.addi %mul3A_13, %add3A_19 : i32
    %dma_start3A = arith.constant 0 : i32
    %dma_start3A_21 = tpu.memref_slice %arg8[%add3A_20, %dma_start3A] : memref<5120x128xf32, #tpu.memory_space<vmem_shared>> -> memref<128x128xf32, #tpu.memory_space<vmem_shared>>
    %dma_start3A_22 = arith.constant 0 : i32
    %dma_start3A_23 = tpu.memref_slice %arg8[%add3A_20, %dma_start3A_22] : memref<5120x128xf32, #tpu.memory_space<vmem_shared>> -> memref<128x128xf32, #tpu.memory_space<vmem_shared>>
    tpu.enqueue_dma source(%arg11 : memref<128x128xf32, #tpu.memory_space<vmem>>) target(%dma_start3A_23 : memref<128x128xf32, #tpu.memory_space<vmem_shared>>) target_semaphore(%arg21 : memref<!tpu.dma_semaphore, #tpu.memory_space<semaphore_mem>>)
    %add3A_24 = arith.constant 128 : i32
    %add3A_25 = arith.addi %mul3A_13, %add3A_24 : i32
    %dma_start3A_26 = arith.constant 0 : i32
    %dma_start3A_27 = tpu.memref_slice %arg8[%add3A_25, %dma_start3A_26] : memref<5120x128xf32, #tpu.memory_space<vmem_shared>> -> memref<128x128xf32, #tpu.memory_space<vmem_shared>>
    %dma_start3A_28 = arith.constant 0 : i32
    %dma_start3A_29 = tpu.memref_slice %arg8[%add3A_25, %dma_start3A_28] : memref<5120x128xf32, #tpu.memory_space<vmem_shared>> -> memref<128x128xf32, #tpu.memory_space<vmem_shared>>
    tpu.enqueue_dma source(%arg11 : memref<128x128xf32, #tpu.memory_space<vmem>>) target(%dma_start3A_29 : memref<128x128xf32, #tpu.memory_space<vmem_shared>>) target_semaphore(%arg22 : memref<!tpu.dma_semaphore, #tpu.memory_space<semaphore_mem>>)
    %lt3A_30 = arith.constant 8 : i32
    %lt3A_31 = arith.cmpi slt, %arg1, %lt3A_30 : i32
    %convert_element_type3A = arith.extui %lt3A_31 : i1 to i32
    %cond3A = arith.constant 0 : i32
    %cond3A_32 = arith.cmpi ne, %convert_element_type3A, %cond3A : i32
    scf.if %cond3A_32 {
      %add3A_118 = arith.constant 256 : i32
      %add3A_119 = arith.addi %mul3A_13, %add3A_118 : i32
      %dma_start3A_120 = arith.constant 0 : i32
      %dma_start3A_121 = tpu.memref_slice %arg8[%add3A_119, %dma_start3A_120] : memref<5120x128xf32, #tpu.memory_space<vmem_shared>> -> memref<128x128xf32, #tpu.memory_space<vmem_shared>>
      %dma_start3A_122 = arith.constant 0 : i32
      %dma_start3A_123 = tpu.memref_slice %arg8[%add3A_119, %dma_start3A_122] : memref<5120x128xf32, #tpu.memory_space<vmem_shared>> -> memref<128x128xf32, #tpu.memory_space<vmem_shared>>
      tpu.enqueue_dma source(%arg11 : memref<128x128xf32, #tpu.memory_space<vmem>>) target(%dma_start3A_123 : memref<128x128xf32, #tpu.memory_space<vmem_shared>>) target_semaphore(%arg23 : memref<!tpu.dma_semaphore, #tpu.memory_space<semaphore_mem>>)
    } else {
    }
    %dma_wait3A = arith.constant 0 : i32
    %dma_wait3A_33 = arith.constant 0 : i32
    %dma_wait3A_34 = tpu.memref_slice %arg8[%dma_wait3A, %dma_wait3A_33] : memref<5120x128xf32, #tpu.memory_space<vmem_shared>> -> memref<128x128xf32, #tpu.memory_space<vmem_shared>>
    %dma_wait3A_35 = arith.constant 0 : i32
    %dma_wait3A_36 = arith.constant 0 : i32
    %dma_wait3A_37 = tpu.memref_slice %arg8[%dma_wait3A_35, %dma_wait3A_36] : memref<5120x128xf32, #tpu.memory_space<vmem_shared>> -> memref<128x128xf32, #tpu.memory_space<vmem_shared>>
    tpu.wait_dma2 semaphore(%arg21 : memref<!tpu.dma_semaphore, #tpu.memory_space<semaphore_mem>>) src(%arg11 : memref<128x128xf32, #tpu.memory_space<vmem>>) dst(%dma_wait3A_37 : memref<128x128xf32, #tpu.memory_space<vmem_shared>>)
    %dma_wait3A_38 = arith.constant 0 : i32
    %dma_wait3A_39 = arith.constant 0 : i32
    %dma_wait3A_40 = tpu.memref_slice %arg8[%dma_wait3A_38, %dma_wait3A_39] : memref<5120x128xf32, #tpu.memory_space<vmem_shared>> -> memref<128x128xf32, #tpu.memory_space<vmem_shared>>
    %dma_wait3A_41 = arith.constant 0 : i32
    %dma_wait3A_42 = arith.constant 0 : i32
    %dma_wait3A_43 = tpu.memref_slice %arg8[%dma_wait3A_41, %dma_wait3A_42] : memref<5120x128xf32, #tpu.memory_space<vmem_shared>> -> memref<128x128xf32, #tpu.memory_space<vmem_shared>>
    tpu.wait_dma2 semaphore(%arg22 : memref<!tpu.dma_semaphore, #tpu.memory_space<semaphore_mem>>) src(%arg11 : memref<128x128xf32, #tpu.memory_space<vmem>>) dst(%dma_wait3A_43 : memref<128x128xf32, #tpu.memory_space<vmem_shared>>)
    %lt3A_44 = arith.constant 8 : i32
    %lt3A_45 = arith.cmpi slt, %arg1, %lt3A_44 : i32
    %convert_element_type3A_46 = arith.extui %lt3A_45 : i1 to i32
    %cond3A_47 = arith.constant 0 : i32
    %cond3A_48 = arith.cmpi ne, %convert_element_type3A_46, %cond3A_47 : i32
    scf.if %cond3A_48 {
      %dma_wait3A_118 = arith.constant 0 : i32
      %dma_wait3A_119 = arith.constant 0 : i32
      %dma_wait3A_120 = tpu.memref_slice %arg8[%dma_wait3A_118, %dma_wait3A_119] : memref<5120x128xf32, #tpu.memory_space<vmem_shared>> -> memref<128x128xf32, #tpu.memory_space<vmem_shared>>
      %dma_wait3A_121 = arith.constant 0 : i32
      %dma_wait3A_122 = arith.constant 0 : i32
      %dma_wait3A_123 = tpu.memref_slice %arg8[%dma_wait3A_121, %dma_wait3A_122] : memref<5120x128xf32, #tpu.memory_space<vmem_shared>> -> memref<128x128xf32, #tpu.memory_space<vmem_shared>>
      tpu.wait_dma2 semaphore(%arg23 : memref<!tpu.dma_semaphore, #tpu.memory_space<semaphore_mem>>) src(%arg11 : memref<128x128xf32, #tpu.memory_space<vmem>>) dst(%dma_wait3A_123 : memref<128x128xf32, #tpu.memory_space<vmem_shared>>)
    } else {
    }
    %barrier3A = arith.constant 0 : index
    tpu.barrier barrier_id(%barrier3A)
    %scan3A_49 = arith.constant 0 : i32
    %scan3A_50 = arith.constant 0 : i32
    %scan3A_51 = arith.constant 6 : i32
    %scan3A_52 = arith.addi %scan3A_50, %scan3A_51 : i32
    %scan3A_53 = arith.constant 1 : i32
    scf.for %scan3A_118 = %scan3A_50 to %scan3A_52 step %scan3A_53  : i32 {
      %mul3A_119 = arith.constant 4 : i32
      %mul3A_120 = arith.muli %mul3A_119, %scan3A_118 : i32
      %add3A_121 = arith.constant 0 : i32
      %add3A_122 = arith.addi %mul3A_120, %add3A_121 : i32
      %mul3A_123 = arith.constant 4 : i32
      %mul3A_124 = arith.muli %mul3A_123, %scan3A_118 : i32
      %add3A_125 = arith.constant 1 : i32
      %add3A_126 = arith.addi %mul3A_124, %add3A_125 : i32
      %mul3A_127 = arith.constant 4 : i32
      %mul3A_128 = arith.muli %mul3A_127, %scan3A_118 : i32
      %add3A_129 = arith.constant 2 : i32
      %add3A_130 = arith.addi %mul3A_128, %add3A_129 : i32
      %mul3A_131 = arith.constant 4 : i32
      %mul3A_132 = arith.muli %mul3A_131, %scan3A_118 : i32
      %add3A_133 = arith.constant 3 : i32
      %add3A_134 = arith.addi %mul3A_132, %add3A_133 : i32
      %lt3A_135 = arith.cmpi slt, %add3A_122, %select_n3A : i32
      %convert_element_type3A_136 = arith.extui %lt3A_135 : i1 to i32
      %cond3A_137 = arith.constant 0 : i32
      %cond3A_138 = arith.cmpi ne, %convert_element_type3A_136, %cond3A_137 : i32
      scf.if %cond3A_138 {
        %gt3A = arith.constant 0 : i32
        %gt3A_167 = arith.cmpi sgt, %scan3A_118, %gt3A : i32
        %convert_element_type3A_168 = arith.extui %gt3A_167 : i1 to i32
        %cond3A_169 = arith.constant 0 : i32
        %cond3A_170 = arith.cmpi ne, %convert_element_type3A_168, %cond3A_169 : i32
        scf.if %cond3A_170 {
          %dma_wait3A_177 = arith.constant 0 : i32
          %dma_wait3A_178 = arith.constant 0 : i32
          %dma_wait3A_179 = tpu.memref_slice %arg8[%dma_wait3A_177, %dma_wait3A_178] : memref<5120x128xf32, #tpu.memory_space<vmem_shared>> -> memref<128x128xf32, #tpu.memory_space<vmem_shared>>
          %dma_wait3A_180 = arith.constant 0 : i32
          %dma_wait3A_181 = arith.constant 0 : i32
          %dma_wait3A_182 = tpu.memref_slice %arg8[%dma_wait3A_180, %dma_wait3A_181] : memref<5120x128xf32, #tpu.memory_space<vmem_shared>> -> memref<128x128xf32, #tpu.memory_space<vmem_shared>>
          tpu.wait_dma2 semaphore(%arg21 : memref<!tpu.dma_semaphore, #tpu.memory_space<semaphore_mem>>) src(%arg11 : memref<128x128xf32, #tpu.memory_space<vmem>>) dst(%dma_wait3A_182 : memref<128x128xf32, #tpu.memory_space<vmem_shared>>)
        } else {
        }
        %dma_start3A_171 = arith.constant 0 : i32
        %dma_start3A_172 = tpu.memref_slice %arg9[%add3A_122, %dma_start3A_171] : memref<23x128xi32, #tpu.memory_space<vmem>> -> memref<1x128xi32, #tpu.memory_space<vmem>>
        %dma_start3A_173 = tpu.memref_squeeze %dma_start3A_172 : memref<1x128xi32, #tpu.memory_space<vmem>> -> memref<128xi32, #tpu.memory_space<vmem>>
        %dma_start3A_174 = arith.constant 0 : i32
        %dma_start3A_175 = arith.constant 0 : i32
        %dma_start3A_176 = tpu.memref_slice %arg2[%dma_start3A_174, %dma_start3A_175] : memref<1152x128xf32, #tpu.memory_space<hbm>> -> memref<1152x128xf32, #tpu.memory_space<hbm>>
        tpu.enqueue_indirect_dma source(%dma_start3A_176 : memref<1152x128xf32, #tpu.memory_space<hbm>>) target(%arg11 : memref<128x128xf32, #tpu.memory_space<vmem>>) offsets(%dma_start3A_173 : memref<128xi32, #tpu.memory_space<vmem>>) semaphore(%arg17 : memref<!tpu.dma_semaphore, #tpu.memory_space<semaphore_mem>>)
      } else {
      }
      %lt3A_139 = arith.cmpi slt, %add3A_126, %select_n3A : i32
      %convert_element_type3A_140 = arith.extui %lt3A_139 : i1 to i32
      %cond3A_141 = arith.constant 0 : i32
      %cond3A_142 = arith.cmpi ne, %convert_element_type3A_140, %cond3A_141 : i32
      scf.if %cond3A_142 {
        %gt3A = arith.constant 0 : i32
        %gt3A_167 = arith.cmpi sgt, %scan3A_118, %gt3A : i32
        %convert_element_type3A_168 = arith.extui %gt3A_167 : i1 to i32
        %cond3A_169 = arith.constant 0 : i32
        %cond3A_170 = arith.cmpi ne, %convert_element_type3A_168, %cond3A_169 : i32
        scf.if %cond3A_170 {
          %dma_wait3A_177 = arith.constant 0 : i32
          %dma_wait3A_178 = arith.constant 0 : i32
          %dma_wait3A_179 = tpu.memref_slice %arg8[%dma_wait3A_177, %dma_wait3A_178] : memref<5120x128xf32, #tpu.memory_space<vmem_shared>> -> memref<128x128xf32, #tpu.memory_space<vmem_shared>>
          %dma_wait3A_180 = arith.constant 0 : i32
          %dma_wait3A_181 = arith.constant 0 : i32
          %dma_wait3A_182 = tpu.memref_slice %arg8[%dma_wait3A_180, %dma_wait3A_181] : memref<5120x128xf32, #tpu.memory_space<vmem_shared>> -> memref<128x128xf32, #tpu.memory_space<vmem_shared>>
          tpu.wait_dma2 semaphore(%arg22 : memref<!tpu.dma_semaphore, #tpu.memory_space<semaphore_mem>>) src(%arg12 : memref<128x128xf32, #tpu.memory_space<vmem>>) dst(%dma_wait3A_182 : memref<128x128xf32, #tpu.memory_space<vmem_shared>>)
        } else {
        }
        %dma_start3A_171 = arith.constant 0 : i32
        %dma_start3A_172 = tpu.memref_slice %arg9[%add3A_126, %dma_start3A_171] : memref<23x128xi32, #tpu.memory_space<vmem>> -> memref<1x128xi32, #tpu.memory_space<vmem>>
        %dma_start3A_173 = tpu.memref_squeeze %dma_start3A_172 : memref<1x128xi32, #tpu.memory_space<vmem>> -> memref<128xi32, #tpu.memory_space<vmem>>
        %dma_start3A_174 = arith.constant 0 : i32
        %dma_start3A_175 = arith.constant 0 : i32
        %dma_start3A_176 = tpu.memref_slice %arg2[%dma_start3A_174, %dma_start3A_175] : memref<1152x128xf32, #tpu.memory_space<hbm>> -> memref<1152x128xf32, #tpu.memory_space<hbm>>
        tpu.enqueue_indirect_dma source(%dma_start3A_176 : memref<1152x128xf32, #tpu.memory_space<hbm>>) target(%arg12 : memref<128x128xf32, #tpu.memory_space<vmem>>) offsets(%dma_start3A_173 : memref<128xi32, #tpu.memory_space<vmem>>) semaphore(%arg18 : memref<!tpu.dma_semaphore, #tpu.memory_space<semaphore_mem>>)
      } else {
      }
      %lt3A_143 = arith.cmpi slt, %add3A_130, %select_n3A : i32
      %convert_element_type3A_144 = arith.extui %lt3A_143 : i1 to i32
      %cond3A_145 = arith.constant 0 : i32
      %cond3A_146 = arith.cmpi ne, %convert_element_type3A_144, %cond3A_145 : i32
      scf.if %cond3A_146 {
        %gt3A = arith.constant 0 : i32
        %gt3A_167 = arith.cmpi sgt, %scan3A_118, %gt3A : i32
        %convert_element_type3A_168 = arith.extui %gt3A_167 : i1 to i32
        %cond3A_169 = arith.constant 0 : i32
        %cond3A_170 = arith.cmpi ne, %convert_element_type3A_168, %cond3A_169 : i32
        scf.if %cond3A_170 {
          %dma_wait3A_177 = arith.constant 0 : i32
          %dma_wait3A_178 = arith.constant 0 : i32
          %dma_wait3A_179 = tpu.memref_slice %arg8[%dma_wait3A_177, %dma_wait3A_178] : memref<5120x128xf32, #tpu.memory_space<vmem_shared>> -> memref<128x128xf32, #tpu.memory_space<vmem_shared>>
          %dma_wait3A_180 = arith.constant 0 : i32
          %dma_wait3A_181 = arith.constant 0 : i32
          %dma_wait3A_182 = tpu.memref_slice %arg8[%dma_wait3A_180, %dma_wait3A_181] : memref<5120x128xf32, #tpu.memory_space<vmem_shared>> -> memref<128x128xf32, #tpu.memory_space<vmem_shared>>
          tpu.wait_dma2 semaphore(%arg23 : memref<!tpu.dma_semaphore, #tpu.memory_space<semaphore_mem>>) src(%arg13 : memref<128x128xf32, #tpu.memory_space<vmem>>) dst(%dma_wait3A_182 : memref<128x128xf32, #tpu.memory_space<vmem_shared>>)
        } else {
        }
        %dma_start3A_171 = arith.constant 0 : i32
        %dma_start3A_172 = tpu.memref_slice %arg9[%add3A_130, %dma_start3A_171] : memref<23x128xi32, #tpu.memory_space<vmem>> -> memref<1x128xi32, #tpu.memory_space<vmem>>
        %dma_start3A_173 = tpu.memref_squeeze %dma_start3A_172 : memref<1x128xi32, #tpu.memory_space<vmem>> -> memref<128xi32, #tpu.memory_space<vmem>>
        %dma_start3A_174 = arith.constant 0 : i32
        %dma_start3A_175 = arith.constant 0 : i32
        %dma_start3A_176 = tpu.memref_slice %arg2[%dma_start3A_174, %dma_start3A_175] : memref<1152x128xf32, #tpu.memory_space<hbm>> -> memref<1152x128xf32, #tpu.memory_space<hbm>>
        tpu.enqueue_indirect_dma source(%dma_start3A_176 : memref<1152x128xf32, #tpu.memory_space<hbm>>) target(%arg13 : memref<128x128xf32, #tpu.memory_space<vmem>>) offsets(%dma_start3A_173 : memref<128xi32, #tpu.memory_space<vmem>>) semaphore(%arg19 : memref<!tpu.dma_semaphore, #tpu.memory_space<semaphore_mem>>)
      } else {
      }
      %lt3A_147 = arith.cmpi slt, %add3A_134, %select_n3A : i32
      %convert_element_type3A_148 = arith.extui %lt3A_147 : i1 to i32
      %cond3A_149 = arith.constant 0 : i32
      %cond3A_150 = arith.cmpi ne, %convert_element_type3A_148, %cond3A_149 : i32
      scf.if %cond3A_150 {
        %gt3A = arith.constant 0 : i32
        %gt3A_167 = arith.cmpi sgt, %scan3A_118, %gt3A : i32
        %convert_element_type3A_168 = arith.extui %gt3A_167 : i1 to i32
        %cond3A_169 = arith.constant 0 : i32
        %cond3A_170 = arith.cmpi ne, %convert_element_type3A_168, %cond3A_169 : i32
        scf.if %cond3A_170 {
          %dma_wait3A_177 = arith.constant 0 : i32
          %dma_wait3A_178 = arith.constant 0 : i32
          %dma_wait3A_179 = tpu.memref_slice %arg8[%dma_wait3A_177, %dma_wait3A_178] : memref<5120x128xf32, #tpu.memory_space<vmem_shared>> -> memref<128x128xf32, #tpu.memory_space<vmem_shared>>
          %dma_wait3A_180 = arith.constant 0 : i32
          %dma_wait3A_181 = arith.constant 0 : i32
          %dma_wait3A_182 = tpu.memref_slice %arg8[%dma_wait3A_180, %dma_wait3A_181] : memref<5120x128xf32, #tpu.memory_space<vmem_shared>> -> memref<128x128xf32, #tpu.memory_space<vmem_shared>>
          tpu.wait_dma2 semaphore(%arg24 : memref<!tpu.dma_semaphore, #tpu.memory_space<semaphore_mem>>) src(%arg14 : memref<128x128xf32, #tpu.memory_space<vmem>>) dst(%dma_wait3A_182 : memref<128x128xf32, #tpu.memory_space<vmem_shared>>)
        } else {
        }
        %dma_start3A_171 = arith.constant 0 : i32
        %dma_start3A_172 = tpu.memref_slice %arg9[%add3A_134, %dma_start3A_171] : memref<23x128xi32, #tpu.memory_space<vmem>> -> memref<1x128xi32, #tpu.memory_space<vmem>>
        %dma_start3A_173 = tpu.memref_squeeze %dma_start3A_172 : memref<1x128xi32, #tpu.memory_space<vmem>> -> memref<128xi32, #tpu.memory_space<vmem>>
        %dma_start3A_174 = arith.constant 0 : i32
        %dma_start3A_175 = arith.constant 0 : i32
        %dma_start3A_176 = tpu.memref_slice %arg2[%dma_start3A_174, %dma_start3A_175] : memref<1152x128xf32, #tpu.memory_space<hbm>> -> memref<1152x128xf32, #tpu.memory_space<hbm>>
        tpu.enqueue_indirect_dma source(%dma_start3A_176 : memref<1152x128xf32, #tpu.memory_space<hbm>>) target(%arg14 : memref<128x128xf32, #tpu.memory_space<vmem>>) offsets(%dma_start3A_173 : memref<128xi32, #tpu.memory_space<vmem>>) semaphore(%arg20 : memref<!tpu.dma_semaphore, #tpu.memory_space<semaphore_mem>>)
      } else {
      }
      %lt3A_151 = arith.cmpi slt, %add3A_122, %select_n3A : i32
      %convert_element_type3A_152 = arith.extui %lt3A_151 : i1 to i32
      %cond3A_153 = arith.constant 0 : i32
      %cond3A_154 = arith.cmpi ne, %convert_element_type3A_152, %cond3A_153 : i32
      scf.if %cond3A_154 {
        %dma_wait3A_167 = arith.constant 0 : i32
        %dma_wait3A_168 = arith.constant 0 : i32
        %dma_wait3A_169 = tpu.memref_slice %arg2[%dma_wait3A_167, %dma_wait3A_168] : memref<1152x128xf32, #tpu.memory_space<hbm>> -> memref<128x128xf32, #tpu.memory_space<hbm>>
        %dma_wait3A_170 = arith.constant 0 : i32
        %dma_wait3A_171 = arith.constant 0 : i32
        %dma_wait3A_172 = tpu.memref_slice %arg2[%dma_wait3A_170, %dma_wait3A_171] : memref<1152x128xf32, #tpu.memory_space<hbm>> -> memref<128x128xf32, #tpu.memory_space<hbm>>
        tpu.wait_dma2 semaphore(%arg17 : memref<!tpu.dma_semaphore, #tpu.memory_space<semaphore_mem>>) src(%dma_wait3A_172 : memref<128x128xf32, #tpu.memory_space<hbm>>) dst(%arg11 : memref<128x128xf32, #tpu.memory_space<vmem>>)
        %dma_start3A_173 = arith.constant 0 : i32
        %dma_start3A_174 = tpu.memref_slice %arg10[%add3A_122, %dma_start3A_173] : memref<23x128xi32, #tpu.memory_space<vmem>> -> memref<1x128xi32, #tpu.memory_space<vmem>>
        %dma_start3A_175 = tpu.memref_squeeze %dma_start3A_174 : memref<1x128xi32, #tpu.memory_space<vmem>> -> memref<128xi32, #tpu.memory_space<vmem>>
        %dma_start3A_176 = arith.constant 0 : i32
        %dma_start3A_177 = arith.constant 0 : i32
        %dma_start3A_178 = tpu.memref_slice %arg8[%dma_start3A_176, %dma_start3A_177] : memref<5120x128xf32, #tpu.memory_space<vmem_shared>> -> memref<5120x128xf32, #tpu.memory_space<vmem_shared>>
        tpu.enqueue_indirect_dma source(%arg11 : memref<128x128xf32, #tpu.memory_space<vmem>>) target(%dma_start3A_178 : memref<5120x128xf32, #tpu.memory_space<vmem_shared>>) offsets(%dma_start3A_175 : memref<128xi32, #tpu.memory_space<vmem>>) semaphore(%arg21 : memref<!tpu.dma_semaphore, #tpu.memory_space<semaphore_mem>>) {add = true}
      } else {
      }
      %lt3A_155 = arith.cmpi slt, %add3A_126, %select_n3A : i32
      %convert_element_type3A_156 = arith.extui %lt3A_155 : i1 to i32
      %cond3A_157 = arith.constant 0 : i32
      %cond3A_158 = arith.cmpi ne, %convert_element_type3A_156, %cond3A_157 : i32
      scf.if %cond3A_158 {
        %dma_wait3A_167 = arith.constant 0 : i32
        %dma_wait3A_168 = arith.constant 0 : i32
        %dma_wait3A_169 = tpu.memref_slice %arg2[%dma_wait3A_167, %dma_wait3A_168] : memref<1152x128xf32, #tpu.memory_space<hbm>> -> memref<128x128xf32, #tpu.memory_space<hbm>>
        %dma_wait3A_170 = arith.constant 0 : i32
        %dma_wait3A_171 = arith.constant 0 : i32
        %dma_wait3A_172 = tpu.memref_slice %arg2[%dma_wait3A_170, %dma_wait3A_171] : memref<1152x128xf32, #tpu.memory_space<hbm>> -> memref<128x128xf32, #tpu.memory_space<hbm>>
        tpu.wait_dma2 semaphore(%arg18 : memref<!tpu.dma_semaphore, #tpu.memory_space<semaphore_mem>>) src(%dma_wait3A_172 : memref<128x128xf32, #tpu.memory_space<hbm>>) dst(%arg12 : memref<128x128xf32, #tpu.memory_space<vmem>>)
        %dma_start3A_173 = arith.constant 0 : i32
        %dma_start3A_174 = tpu.memref_slice %arg10[%add3A_126, %dma_start3A_173] : memref<23x128xi32, #tpu.memory_space<vmem>> -> memref<1x128xi32, #tpu.memory_space<vmem>>
        %dma_start3A_175 = tpu.memref_squeeze %dma_start3A_174 : memref<1x128xi32, #tpu.memory_space<vmem>> -> memref<128xi32, #tpu.memory_space<vmem>>
        %dma_start3A_176 = arith.constant 0 : i32
        %dma_start3A_177 = arith.constant 0 : i32
        %dma_start3A_178 = tpu.memref_slice %arg8[%dma_start3A_176, %dma_start3A_177] : memref<5120x128xf32, #tpu.memory_space<vmem_shared>> -> memref<5120x128xf32, #tpu.memory_space<vmem_shared>>
        tpu.enqueue_indirect_dma source(%arg12 : memref<128x128xf32, #tpu.memory_space<vmem>>) target(%dma_start3A_178 : memref<5120x128xf32, #tpu.memory_space<vmem_shared>>) offsets(%dma_start3A_175 : memref<128xi32, #tpu.memory_space<vmem>>) semaphore(%arg22 : memref<!tpu.dma_semaphore, #tpu.memory_space<semaphore_mem>>) {add = true}
      } else {
      }
      %lt3A_159 = arith.cmpi slt, %add3A_130, %select_n3A : i32
      %convert_element_type3A_160 = arith.extui %lt3A_159 : i1 to i32
      %cond3A_161 = arith.constant 0 : i32
      %cond3A_162 = arith.cmpi ne, %convert_element_type3A_160, %cond3A_161 : i32
      scf.if %cond3A_162 {
        %dma_wait3A_167 = arith.constant 0 : i32
        %dma_wait3A_168 = arith.constant 0 : i32
        %dma_wait3A_169 = tpu.memref_slice %arg2[%dma_wait3A_167, %dma_wait3A_168] : memref<1152x128xf32, #tpu.memory_space<hbm>> -> memref<128x128xf32, #tpu.memory_space<hbm>>
        %dma_wait3A_170 = arith.constant 0 : i32
        %dma_wait3A_171 = arith.constant 0 : i32
        %dma_wait3A_172 = tpu.memref_slice %arg2[%dma_wait3A_170, %dma_wait3A_171] : memref<1152x128xf32, #tpu.memory_space<hbm>> -> memref<128x128xf32, #tpu.memory_space<hbm>>
        tpu.wait_dma2 semaphore(%arg19 : memref<!tpu.dma_semaphore, #tpu.memory_space<semaphore_mem>>) src(%dma_wait3A_172 : memref<128x128xf32, #tpu.memory_space<hbm>>) dst(%arg13 : memref<128x128xf32, #tpu.memory_space<vmem>>)
        %dma_start3A_173 = arith.constant 0 : i32
        %dma_start3A_174 = tpu.memref_slice %arg10[%add3A_130, %dma_start3A_173] : memref<23x128xi32, #tpu.memory_space<vmem>> -> memref<1x128xi32, #tpu.memory_space<vmem>>
        %dma_start3A_175 = tpu.memref_squeeze %dma_start3A_174 : memref<1x128xi32, #tpu.memory_space<vmem>> -> memref<128xi32, #tpu.memory_space<vmem>>
        %dma_start3A_176 = arith.constant 0 : i32
        %dma_start3A_177 = arith.constant 0 : i32
        %dma_start3A_178 = tpu.memref_slice %arg8[%dma_start3A_176, %dma_start3A_177] : memref<5120x128xf32, #tpu.memory_space<vmem_shared>> -> memref<5120x128xf32, #tpu.memory_space<vmem_shared>>
        tpu.enqueue_indirect_dma source(%arg13 : memref<128x128xf32, #tpu.memory_space<vmem>>) target(%dma_start3A_178 : memref<5120x128xf32, #tpu.memory_space<vmem_shared>>) offsets(%dma_start3A_175 : memref<128xi32, #tpu.memory_space<vmem>>) semaphore(%arg23 : memref<!tpu.dma_semaphore, #tpu.memory_space<semaphore_mem>>) {add = true}
      } else {
      }
      %lt3A_163 = arith.cmpi slt, %add3A_134, %select_n3A : i32
      %convert_element_type3A_164 = arith.extui %lt3A_163 : i1 to i32
      %cond3A_165 = arith.constant 0 : i32
      %cond3A_166 = arith.cmpi ne, %convert_element_type3A_164, %cond3A_165 : i32
      scf.if %cond3A_166 {
        %dma_wait3A_167 = arith.constant 0 : i32
        %dma_wait3A_168 = arith.constant 0 : i32
        %dma_wait3A_169 = tpu.memref_slice %arg2[%dma_wait3A_167, %dma_wait3A_168] : memref<1152x128xf32, #tpu.memory_space<hbm>> -> memref<128x128xf32, #tpu.memory_space<hbm>>
        %dma_wait3A_170 = arith.constant 0 : i32
        %dma_wait3A_171 = arith.constant 0 : i32
        %dma_wait3A_172 = tpu.memref_slice %arg2[%dma_wait3A_170, %dma_wait3A_171] : memref<1152x128xf32, #tpu.memory_space<hbm>> -> memref<128x128xf32, #tpu.memory_space<hbm>>
        tpu.wait_dma2 semaphore(%arg20 : memref<!tpu.dma_semaphore, #tpu.memory_space<semaphore_mem>>) src(%dma_wait3A_172 : memref<128x128xf32, #tpu.memory_space<hbm>>) dst(%arg14 : memref<128x128xf32, #tpu.memory_space<vmem>>)
        %dma_start3A_173 = arith.constant 0 : i32
        %dma_start3A_174 = tpu.memref_slice %arg10[%add3A_134, %dma_start3A_173] : memref<23x128xi32, #tpu.memory_space<vmem>> -> memref<1x128xi32, #tpu.memory_space<vmem>>
        %dma_start3A_175 = tpu.memref_squeeze %dma_start3A_174 : memref<1x128xi32, #tpu.memory_space<vmem>> -> memref<128xi32, #tpu.memory_space<vmem>>
        %dma_start3A_176 = arith.constant 0 : i32
        %dma_start3A_177 = arith.constant 0 : i32
        %dma_start3A_178 = tpu.memref_slice %arg8[%dma_start3A_176, %dma_start3A_177] : memref<5120x128xf32, #tpu.memory_space<vmem_shared>> -> memref<5120x128xf32, #tpu.memory_space<vmem_shared>>
        tpu.enqueue_indirect_dma source(%arg14 : memref<128x128xf32, #tpu.memory_space<vmem>>) target(%dma_start3A_178 : memref<5120x128xf32, #tpu.memory_space<vmem_shared>>) offsets(%dma_start3A_175 : memref<128xi32, #tpu.memory_space<vmem>>) semaphore(%arg24 : memref<!tpu.dma_semaphore, #tpu.memory_space<semaphore_mem>>) {add = true}
      } else {
      }
    }
    %scan3A_54 = arith.constant 6 : i32
    %scan3A_55 = arith.constant 0 : i32
    %scan3A_56 = arith.constant 0 : i32
    %scan3A_57 = arith.constant 640 : i32
    %scan3A_58 = arith.addi %scan3A_56, %scan3A_57 : i32
    %scan3A_59 = arith.constant 1 : i32
    scf.for %scan3A_118 = %scan3A_56 to %scan3A_58 step %scan3A_59  : i32 {
      %broadcast_in_dim3A_119 = arith.constant 0.000000e+00 : f32
      %broadcast_in_dim3A_120 = vector.broadcast %broadcast_in_dim3A_119 : f32 to vector<16xf32>
      %mul3A_121 = arith.constant 16 : i32
      %mul3A_122 = arith.muli %scan3A_118, %mul3A_121 : i32
      %swap3A = arith.index_cast %mul3A_122 : i32 to index
      %swap3A_123 = tpu.vector_load %arg16[%swap3A] {strides = array<i32>} : memref<10240xf32, #tpu.memory_space<vmem>>, vector<16xf32>,
      tpu.vector_store %arg16[%swap3A], %broadcast_in_dim3A_120 {strides = array<i32>} : memref<10240xf32, #tpu.memory_space<vmem>>, vector<16xf32>,
    }
    %scan3A_60 = arith.constant 640 : i32
    %broadcast_in_dim3A = arith.constant 1.000000e+00 : f32
    %broadcast_in_dim3A_61 = vector.broadcast %broadcast_in_dim3A : f32 to vector<16xf32>
    %mul3A_62 = arith.constant 10240 : i32
    %mul3A_63 = arith.muli %add3A, %mul3A_62 : i32
    %add3A_64 = arith.constant 0 : i32
    %add3A_65 = arith.addi %mul3A_63, %add3A_64 : i32
    "tpu.region"() ({
      %run_scoped3A = tpu.sem_alloc : memref<!tpu.dma_semaphore, #tpu.memory_space<semaphore_mem>>
      %dma_start3A_118 = tpu.memref_slice %arg5[%add3A_65] : memref<327680xi32, #tpu.memory_space<hbm>> -> memref<5120xi32, #tpu.memory_space<hbm>>
      %dma_start3A_119 = tpu.memref_slice %arg5[%add3A_65] : memref<327680xi32, #tpu.memory_space<hbm>> -> memref<5120xi32, #tpu.memory_space<hbm>>
      tpu.enqueue_dma source(%dma_start3A_119 : memref<5120xi32, #tpu.memory_space<hbm>>) target(%arg15 : memref<5120xi32, #tpu.memory_space<vmem>>) target_semaphore(%run_scoped3A : memref<!tpu.dma_semaphore, #tpu.memory_space<semaphore_mem>>)
      %dma_wait3A_120 = tpu.memref_slice %arg5[%add3A_65] : memref<327680xi32, #tpu.memory_space<hbm>> -> memref<5120xi32, #tpu.memory_space<hbm>>
      %dma_wait3A_121 = tpu.memref_slice %arg5[%add3A_65] : memref<327680xi32, #tpu.memory_space<hbm>> -> memref<5120xi32, #tpu.memory_space<hbm>>
      tpu.wait_dma2 semaphore(%run_scoped3A : memref<!tpu.dma_semaphore, #tpu.memory_space<semaphore_mem>>) src(%dma_wait3A_121 : memref<5120xi32, #tpu.memory_space<hbm>>) dst(%arg15 : memref<5120xi32, #tpu.memory_space<vmem>>)
      tpu.yield
    }) : () -> ()
    %scan3A_66 = arith.constant 0 : i32
    %scan3A_67 = arith.constant 0 : i32
    %scan3A_68 = arith.constant 320 : i32
    %scan3A_69 = arith.addi %scan3A_67, %scan3A_68 : i32
    %scan3A_70 = arith.constant 1 : i32
    scf.for %scan3A_118 = %scan3A_67 to %scan3A_69 step %scan3A_70  : i32 {
      %mul3A_119 = arith.constant 16 : i32
      %mul3A_120 = arith.muli %scan3A_118, %mul3A_119 : i32
      %get3A = arith.index_cast %mul3A_120 : i32 to index
      %get3A_121 = tpu.vector_load %arg15[%get3A] {strides = array<i32>} : memref<5120xi32, #tpu.memory_space<vmem>>, vector<16xi32>,
      tpu.vector_store_idx %arg16[%get3A_121], %broadcast_in_dim3A_61 {add = true} : memref<10240xf32, #tpu.memory_space<vmem>>[vector<16xi32>], vector<16xf32>,
    }
    %scan3A_71 = arith.constant 320 : i32
    %mul3A_72 = arith.constant 10240 : i32
    %mul3A_73 = arith.muli %add3A, %mul3A_72 : i32
    %add3A_74 = arith.constant 5120 : i32
    %add3A_75 = arith.addi %mul3A_73, %add3A_74 : i32
    "tpu.region"() ({
      %run_scoped3A = tpu.sem_alloc : memref<!tpu.dma_semaphore, #tpu.memory_space<semaphore_mem>>
      %dma_start3A_118 = tpu.memref_slice %arg5[%add3A_75] : memref<327680xi32, #tpu.memory_space<hbm>> -> memref<5120xi32, #tpu.memory_space<hbm>>
      %dma_start3A_119 = tpu.memref_slice %arg5[%add3A_75] : memref<327680xi32, #tpu.memory_space<hbm>> -> memref<5120xi32, #tpu.memory_space<hbm>>
      tpu.enqueue_dma source(%dma_start3A_119 : memref<5120xi32, #tpu.memory_space<hbm>>) target(%arg15 : memref<5120xi32, #tpu.memory_space<vmem>>) target_semaphore(%run_scoped3A : memref<!tpu.dma_semaphore, #tpu.memory_space<semaphore_mem>>)
      %dma_wait3A_120 = tpu.memref_slice %arg5[%add3A_75] : memref<327680xi32, #tpu.memory_space<hbm>> -> memref<5120xi32, #tpu.memory_space<hbm>>
      %dma_wait3A_121 = tpu.memref_slice %arg5[%add3A_75] : memref<327680xi32, #tpu.memory_space<hbm>> -> memref<5120xi32, #tpu.memory_space<hbm>>
      tpu.wait_dma2 semaphore(%run_scoped3A : memref<!tpu.dma_semaphore, #tpu.memory_space<semaphore_mem>>) src(%dma_wait3A_121 : memref<5120xi32, #tpu.memory_space<hbm>>) dst(%arg15 : memref<5120xi32, #tpu.memory_space<vmem>>)
      tpu.yield
    }) : () -> ()
    %scan3A_76 = arith.constant 0 : i32
    %scan3A_77 = arith.constant 0 : i32
    %scan3A_78 = arith.constant 320 : i32
    %scan3A_79 = arith.addi %scan3A_77, %scan3A_78 : i32
    %scan3A_80 = arith.constant 1 : i32
    scf.for %scan3A_118 = %scan3A_77 to %scan3A_79 step %scan3A_80  : i32 {
      %mul3A_119 = arith.constant 16 : i32
      %mul3A_120 = arith.muli %scan3A_118, %mul3A_119 : i32
      %get3A = arith.index_cast %mul3A_120 : i32 to index
      %get3A_121 = tpu.vector_load %arg15[%get3A] {strides = array<i32>} : memref<5120xi32, #tpu.memory_space<vmem>>, vector<16xi32>,
      tpu.vector_store_idx %arg16[%get3A_121], %broadcast_in_dim3A_61 {add = true} : memref<10240xf32, #tpu.memory_space<vmem>>[vector<16xi32>], vector<16xf32>,
    }
    %scan3A_81 = arith.constant 320 : i32
    %mul3A_82 = arith.constant 10240 : i32
    %mul3A_83 = arith.muli %add3A, %mul3A_82 : i32
    "tpu.region"() ({
      %run_scoped3A = tpu.sem_alloc : memref<!tpu.dma_semaphore, #tpu.memory_space<semaphore_mem>>
      %dma_start3A_118 = tpu.memref_slice %arg7[%mul3A_83] : memref<327680xf32, #tpu.memory_space<hbm>> -> memref<10240xf32, #tpu.memory_space<hbm>>
      %dma_start3A_119 = tpu.memref_slice %arg7[%mul3A_83] : memref<327680xf32, #tpu.memory_space<hbm>> -> memref<10240xf32, #tpu.memory_space<hbm>>
      tpu.enqueue_dma source(%arg16 : memref<10240xf32, #tpu.memory_space<vmem>>) target(%dma_start3A_119 : memref<10240xf32, #tpu.memory_space<hbm>>) target_semaphore(%run_scoped3A : memref<!tpu.dma_semaphore, #tpu.memory_space<semaphore_mem>>)
      %dma_wait3A_120 = tpu.memref_slice %arg7[%mul3A_83] : memref<327680xf32, #tpu.memory_space<hbm>> -> memref<10240xf32, #tpu.memory_space<hbm>>
      %dma_wait3A_121 = tpu.memref_slice %arg7[%mul3A_83] : memref<327680xf32, #tpu.memory_space<hbm>> -> memref<10240xf32, #tpu.memory_space<hbm>>
      tpu.wait_dma2 semaphore(%run_scoped3A : memref<!tpu.dma_semaphore, #tpu.memory_space<semaphore_mem>>) src(%arg16 : memref<10240xf32, #tpu.memory_space<vmem>>) dst(%dma_wait3A_121 : memref<10240xf32, #tpu.memory_space<hbm>>)
      tpu.yield
    }) : () -> ()
    %dma_wait3A_84 = arith.constant 0 : i32
    %dma_wait3A_85 = arith.constant 0 : i32
    %dma_wait3A_86 = tpu.memref_slice %arg8[%dma_wait3A_84, %dma_wait3A_85] : memref<5120x128xf32, #tpu.memory_space<vmem_shared>> -> memref<128x128xf32, #tpu.memory_space<vmem_shared>>
    %dma_wait3A_87 = arith.constant 0 : i32
    %dma_wait3A_88 = arith.constant 0 : i32
    %dma_wait3A_89 = tpu.memref_slice %arg8[%dma_wait3A_87, %dma_wait3A_88] : memref<5120x128xf32, #tpu.memory_space<vmem_shared>> -> memref<128x128xf32, #tpu.memory_space<vmem_shared>>
    tpu.wait_dma2 semaphore(%arg21 : memref<!tpu.dma_semaphore, #tpu.memory_space<semaphore_mem>>) src(%arg11 : memref<128x128xf32, #tpu.memory_space<vmem>>) dst(%dma_wait3A_89 : memref<128x128xf32, #tpu.memory_space<vmem_shared>>)
    %dma_wait3A_90 = arith.constant 0 : i32
    %dma_wait3A_91 = arith.constant 0 : i32
    %dma_wait3A_92 = tpu.memref_slice %arg8[%dma_wait3A_90, %dma_wait3A_91] : memref<5120x128xf32, #tpu.memory_space<vmem_shared>> -> memref<128x128xf32, #tpu.memory_space<vmem_shared>>
    %dma_wait3A_93 = arith.constant 0 : i32
    %dma_wait3A_94 = arith.constant 0 : i32
    %dma_wait3A_95 = tpu.memref_slice %arg8[%dma_wait3A_93, %dma_wait3A_94] : memref<5120x128xf32, #tpu.memory_space<vmem_shared>> -> memref<128x128xf32, #tpu.memory_space<vmem_shared>>
    tpu.wait_dma2 semaphore(%arg22 : memref<!tpu.dma_semaphore, #tpu.memory_space<semaphore_mem>>) src(%arg12 : memref<128x128xf32, #tpu.memory_space<vmem>>) dst(%dma_wait3A_95 : memref<128x128xf32, #tpu.memory_space<vmem_shared>>)
    %dma_wait3A_96 = arith.constant 0 : i32
    %dma_wait3A_97 = arith.constant 0 : i32
    %dma_wait3A_98 = tpu.memref_slice %arg8[%dma_wait3A_96, %dma_wait3A_97] : memref<5120x128xf32, #tpu.memory_space<vmem_shared>> -> memref<128x128xf32, #tpu.memory_space<vmem_shared>>
    %dma_wait3A_99 = arith.constant 0 : i32
    %dma_wait3A_100 = arith.constant 0 : i32
    %dma_wait3A_101 = tpu.memref_slice %arg8[%dma_wait3A_99, %dma_wait3A_100] : memref<5120x128xf32, #tpu.memory_space<vmem_shared>> -> memref<128x128xf32, #tpu.memory_space<vmem_shared>>
    tpu.wait_dma2 semaphore(%arg23 : memref<!tpu.dma_semaphore, #tpu.memory_space<semaphore_mem>>) src(%arg13 : memref<128x128xf32, #tpu.memory_space<vmem>>) dst(%dma_wait3A_101 : memref<128x128xf32, #tpu.memory_space<vmem_shared>>)
    %dma_wait3A_102 = arith.constant 0 : i32
    %dma_wait3A_103 = arith.constant 0 : i32
    %dma_wait3A_104 = tpu.memref_slice %arg8[%dma_wait3A_102, %dma_wait3A_103] : memref<5120x128xf32, #tpu.memory_space<vmem_shared>> -> memref<128x128xf32, #tpu.memory_space<vmem_shared>>
    %dma_wait3A_105 = arith.constant 0 : i32
    %dma_wait3A_106 = arith.constant 0 : i32
    %dma_wait3A_107 = tpu.memref_slice %arg8[%dma_wait3A_105, %dma_wait3A_106] : memref<5120x128xf32, #tpu.memory_space<vmem_shared>> -> memref<128x128xf32, #tpu.memory_space<vmem_shared>>
    tpu.wait_dma2 semaphore(%arg24 : memref<!tpu.dma_semaphore, #tpu.memory_space<semaphore_mem>>) src(%arg14 : memref<128x128xf32, #tpu.memory_space<vmem>>) dst(%dma_wait3A_107 : memref<128x128xf32, #tpu.memory_space<vmem_shared>>)
    %barrier3A_108 = arith.constant 0 : index
    tpu.barrier barrier_id(%barrier3A_108)
    %lt3A_109 = arith.constant 8 : i32
    %lt3A_110 = arith.cmpi slt, %arg1, %lt3A_109 : i32
    %convert_element_type3A_111 = arith.extui %lt3A_110 : i1 to i32
    %cond3A_112 = arith.constant 0 : i32
    %cond3A_113 = arith.cmpi ne, %convert_element_type3A_111, %cond3A_112 : i32
    scf.if %cond3A_113 {
      %mul3A_118 = arith.constant 5120 : i32
      %mul3A_119 = arith.muli %arg0, %mul3A_118 : i32
      %add3A_120 = arith.addi %mul3A_119, %mul3A_13 : i32
      "tpu.region"() ({
        %run_scoped3A = tpu.sem_alloc : memref<!tpu.dma_semaphore, #tpu.memory_space<semaphore_mem>>
        %dma_start3A_121 = arith.constant 0 : i32
        %dma_start3A_122 = tpu.memref_slice %arg6[%add3A_120, %dma_start3A_121] : memref<10240x128xf32, #tpu.memory_space<hbm>> -> memref<384x128xf32, #tpu.memory_space<hbm>>
        %dma_start3A_123 = arith.constant 0 : i32
        %dma_start3A_124 = tpu.memref_slice %arg8[%mul3A_13, %dma_start3A_123] : memref<5120x128xf32, #tpu.memory_space<vmem_shared>> -> memref<384x128xf32, #tpu.memory_space<vmem_shared>>
        tpu.enqueue_dma source(%dma_start3A_124 : memref<384x128xf32, #tpu.memory_space<vmem_shared>>) target(%dma_start3A_122 : memref<384x128xf32, #tpu.memory_space<hbm>>) target_semaphore(%run_scoped3A : memref<!tpu.dma_semaphore, #tpu.memory_space<semaphore_mem>>)
        %dma_wait3A_125 = arith.constant 0 : i32
        %dma_wait3A_126 = tpu.memref_slice %arg6[%add3A_120, %dma_wait3A_125] : memref<10240x128xf32, #tpu.memory_space<hbm>> -> memref<384x128xf32, #tpu.memory_space<hbm>>
        %dma_wait3A_127 = arith.constant 0 : i32
        %dma_wait3A_128 = tpu.memref_slice %arg8[%mul3A_13, %dma_wait3A_127] : memref<5120x128xf32, #tpu.memory_space<vmem_shared>> -> memref<384x128xf32, #tpu.memory_space<vmem_shared>>
        tpu.wait_dma2 semaphore(%run_scoped3A : memref<!tpu.dma_semaphore, #tpu.memory_space<semaphore_mem>>) src(%dma_wait3A_128 : memref<384x128xf32, #tpu.memory_space<vmem_shared>>) dst(%dma_wait3A_126 : memref<384x128xf32, #tpu.memory_space<hbm>>)
        tpu.yield
      }) : () -> ()
    } else {
    }
    %ge3A = arith.constant 8 : i32
    %ge3A_114 = arith.cmpi sge, %arg1, %ge3A : i32
    %convert_element_type3A_115 = arith.extui %ge3A_114 : i1 to i32
    %cond3A_116 = arith.constant 0 : i32
    %cond3A_117 = arith.cmpi ne, %convert_element_type3A_115, %cond3A_116 : i32
    scf.if %cond3A_117 {
      %mul3A_118 = arith.constant 5120 : i32
      %mul3A_119 = arith.muli %arg0, %mul3A_118 : i32
      %add3A_120 = arith.addi %mul3A_119, %mul3A_13 : i32
      "tpu.region"() ({
        %run_scoped3A = tpu.sem_alloc : memref<!tpu.dma_semaphore, #tpu.memory_space<semaphore_mem>>
        %dma_start3A_121 = arith.constant 0 : i32
        %dma_start3A_122 = tpu.memref_slice %arg6[%add3A_120, %dma_start3A_121] : memref<10240x128xf32, #tpu.memory_space<hbm>> -> memref<256x128xf32, #tpu.memory_space<hbm>>
        %dma_start3A_123 = arith.constant 0 : i32
        %dma_start3A_124 = tpu.memref_slice %arg8[%mul3A_13, %dma_start3A_123] : memref<5120x128xf32, #tpu.memory_space<vmem_shared>> -> memref<256x128xf32, #tpu.memory_space<vmem_shared>>
        tpu.enqueue_dma source(%dma_start3A_124 : memref<256x128xf32, #tpu.memory_space<vmem_shared>>) target(%dma_start3A_122 : memref<256x128xf32, #tpu.memory_space<hbm>>) target_semaphore(%run_scoped3A : memref<!tpu.dma_semaphore, #tpu.memory_space<semaphore_mem>>)
        %dma_wait3A_125 = arith.constant 0 : i32
        %dma_wait3A_126 = tpu.memref_slice %arg6[%add3A_120, %dma_wait3A_125] : memref<10240x128xf32, #tpu.memory_space<hbm>> -> memref<256x128xf32, #tpu.memory_space<hbm>>
        %dma_wait3A_127 = arith.constant 0 : i32
        %dma_wait3A_128 = tpu.memref_slice %arg8[%mul3A_13, %dma_wait3A_127] : memref<5120x128xf32, #tpu.memory_space<vmem_shared>> -> memref<256x128xf32, #tpu.memory_space<vmem_shared>>
        tpu.wait_dma2 semaphore(%run_scoped3A : memref<!tpu.dma_semaphore, #tpu.memory_space<semaphore_mem>>) src(%dma_wait3A_128 : memref<256x128xf32, #tpu.memory_space<vmem_shared>>) dst(%dma_wait3A_126 : memref<256x128xf32, #tpu.memory_space<hbm>>)
        tpu.yield
      }) : () -> ()
    } else {
    }
    return
  }
}

#map = affine_map<(d0, d1) -> (0, 0)>
#map1 = affine_map<(d0, d1) -> (0, 0, 0)>
module attributes {stable_mosaic.version = 14 : i64} {
  func.func @_sc_conv_body(%arg0: i32, %arg1: i32, %arg2: memref<10240x128xf32, #tpu.memory_space<hbm>>, %arg3: memref<32x160x64xi32, #tpu.memory_space<hbm>>, %arg4: memref<32x160x64xi32, #tpu.memory_space<hbm>>, %arg5: memref<20480x128xf32, #tpu.memory_space<hbm>>, %arg6: memref<10240x128xf32, #tpu.memory_space<vmem_shared>>, %arg7: memref<40x64xi32, #tpu.memory_space<vmem>>, %arg8: memref<40x64xi32, #tpu.memory_space<vmem>>, %arg9: memref<64x128xf32, #tpu.memory_space<vmem>>, %arg10: memref<64x128xf32, #tpu.memory_space<vmem>>, %arg11: memref<64x128xf32, #tpu.memory_space<vmem>>, %arg12: memref<64x128xf32, #tpu.memory_space<vmem>>, %arg13: memref<!tpu.dma_semaphore, #tpu.memory_space<semaphore_mem>>, %arg14: memref<!tpu.dma_semaphore, #tpu.memory_space<semaphore_mem>>, %arg15: memref<!tpu.dma_semaphore, #tpu.memory_space<semaphore_mem>>, %arg16: memref<!tpu.dma_semaphore, #tpu.memory_space<semaphore_mem>>, %arg17: memref<!tpu.dma_semaphore, #tpu.memory_space<semaphore_mem>>, %arg18: memref<!tpu.dma_semaphore, #tpu.memory_space<semaphore_mem>>, %arg19: memref<!tpu.dma_semaphore, #tpu.memory_space<semaphore_mem>>, %arg20: memref<!tpu.dma_semaphore, #tpu.memory_space<semaphore_mem>>) attributes {dimension_semantics = [#tpu.dimension_semantics<core_parallel>, #tpu.dimension_semantics<subcore_parallel>], iteration_bounds = array<i64: 2, 16>, scalar_prefetch = 0 : i64, scratch_operands = 15 : i64, tpu.core_type = #tpu.core_type<sc_vector_subcore>, window_params = [{transform_indices = #map}, {transform_indices = #map1}, {transform_indices = #map1}, {transform_indices = #map}]} {
    %mul3A = arith.constant 16 : i32
    %mul3A_0 = arith.muli %arg0, %mul3A : i32
    %add3A = arith.addi %mul3A_0, %arg1 : i32
    %mul3A_1 = arith.constant 640 : i32
    %mul3A_2 = arith.muli %arg1, %mul3A_1 : i32
    %scan3A = arith.constant 0 : i32
    %scan3A_3 = arith.constant 0 : i32
    %scan3A_4 = arith.constant 64 : i32
    %scan3A_5 = arith.addi %scan3A_3, %scan3A_4 : i32
    %scan3A_6 = arith.constant 1 : i32
    scf.for %scan3A_160 = %scan3A_3 to %scan3A_5 step %scan3A_6  : i32 {
      %broadcast_in_dim3A = arith.constant 0.000000e+00 : f32
      %broadcast_in_dim3A_161 = vector.broadcast %broadcast_in_dim3A : f32 to vector<16xf32>
      %swap3A = arith.index_cast %scan3A_160 : i32 to index
      %swap3A_162 = arith.constant 0 : index
      %swap3A_163 = tpu.vector_load %arg9[%swap3A, %swap3A_162] {strides = array<i32>} : memref<64x128xf32, #tpu.memory_space<vmem>>, vector<1x16xf32>,
      %swap3A_164 = vector.shape_cast %swap3A_163 : vector<1x16xf32> to vector<16xf32>
      %swap3A_165 = vector.shape_cast %broadcast_in_dim3A_161 : vector<16xf32> to vector<1x16xf32>
      tpu.vector_store %arg9[%swap3A, %swap3A_162], %swap3A_165 {strides = array<i32>} : memref<64x128xf32, #tpu.memory_space<vmem>>, vector<1x16xf32>,
      %broadcast_in_dim3A_166 = arith.constant 0.000000e+00 : f32
      %broadcast_in_dim3A_167 = vector.broadcast %broadcast_in_dim3A_166 : f32 to vector<16xf32>
      %swap3A_168 = arith.index_cast %scan3A_160 : i32 to index
      %swap3A_169 = arith.constant 16 : index
      %swap3A_170 = tpu.vector_load %arg9[%swap3A_168, %swap3A_169] {strides = array<i32>} : memref<64x128xf32, #tpu.memory_space<vmem>>, vector<1x16xf32>,
      %swap3A_171 = vector.shape_cast %swap3A_170 : vector<1x16xf32> to vector<16xf32>
      %swap3A_172 = vector.shape_cast %broadcast_in_dim3A_167 : vector<16xf32> to vector<1x16xf32>
      tpu.vector_store %arg9[%swap3A_168, %swap3A_169], %swap3A_172 {strides = array<i32>} : memref<64x128xf32, #tpu.memory_space<vmem>>, vector<1x16xf32>,
      %broadcast_in_dim3A_173 = arith.constant 0.000000e+00 : f32
      %broadcast_in_dim3A_174 = vector.broadcast %broadcast_in_dim3A_173 : f32 to vector<16xf32>
      %swap3A_175 = arith.index_cast %scan3A_160 : i32 to index
      %swap3A_176 = arith.constant 32 : index
      %swap3A_177 = tpu.vector_load %arg9[%swap3A_175, %swap3A_176] {strides = array<i32>} : memref<64x128xf32, #tpu.memory_space<vmem>>, vector<1x16xf32>,
      %swap3A_178 = vector.shape_cast %swap3A_177 : vector<1x16xf32> to vector<16xf32>
      %swap3A_179 = vector.shape_cast %broadcast_in_dim3A_174 : vector<16xf32> to vector<1x16xf32>
      tpu.vector_store %arg9[%swap3A_175, %swap3A_176], %swap3A_179 {strides = array<i32>} : memref<64x128xf32, #tpu.memory_space<vmem>>, vector<1x16xf32>,
      %broadcast_in_dim3A_180 = arith.constant 0.000000e+00 : f32
      %broadcast_in_dim3A_181 = vector.broadcast %broadcast_in_dim3A_180 : f32 to vector<16xf32>
      %swap3A_182 = arith.index_cast %scan3A_160 : i32 to index
      %swap3A_183 = arith.constant 48 : index
      %swap3A_184 = tpu.vector_load %arg9[%swap3A_182, %swap3A_183] {strides = array<i32>} : memref<64x128xf32, #tpu.memory_space<vmem>>, vector<1x16xf32>,
      %swap3A_185 = vector.shape_cast %swap3A_184 : vector<1x16xf32> to vector<16xf32>
      %swap3A_186 = vector.shape_cast %broadcast_in_dim3A_181 : vector<16xf32> to vector<1x16xf32>
      tpu.vector_store %arg9[%swap3A_182, %swap3A_183], %swap3A_186 {strides = array<i32>} : memref<64x128xf32, #tpu.memory_space<vmem>>, vector<1x16xf32>,
      %broadcast_in_dim3A_187 = arith.constant 0.000000e+00 : f32
      %broadcast_in_dim3A_188 = vector.broadcast %broadcast_in_dim3A_187 : f32 to vector<16xf32>
      %swap3A_189 = arith.index_cast %scan3A_160 : i32 to index
      %swap3A_190 = arith.constant 64 : index
      %swap3A_191 = tpu.vector_load %arg9[%swap3A_189, %swap3A_190] {strides = array<i32>} : memref<64x128xf32, #tpu.memory_space<vmem>>, vector<1x16xf32>,
      %swap3A_192 = vector.shape_cast %swap3A_191 : vector<1x16xf32> to vector<16xf32>
      %swap3A_193 = vector.shape_cast %broadcast_in_dim3A_188 : vector<16xf32> to vector<1x16xf32>
      tpu.vector_store %arg9[%swap3A_189, %swap3A_190], %swap3A_193 {strides = array<i32>} : memref<64x128xf32, #tpu.memory_space<vmem>>, vector<1x16xf32>,
      %broadcast_in_dim3A_194 = arith.constant 0.000000e+00 : f32
      %broadcast_in_dim3A_195 = vector.broadcast %broadcast_in_dim3A_194 : f32 to vector<16xf32>
      %swap3A_196 = arith.index_cast %scan3A_160 : i32 to index
      %swap3A_197 = arith.constant 80 : index
      %swap3A_198 = tpu.vector_load %arg9[%swap3A_196, %swap3A_197] {strides = array<i32>} : memref<64x128xf32, #tpu.memory_space<vmem>>, vector<1x16xf32>,
      %swap3A_199 = vector.shape_cast %swap3A_198 : vector<1x16xf32> to vector<16xf32>
      %swap3A_200 = vector.shape_cast %broadcast_in_dim3A_195 : vector<16xf32> to vector<1x16xf32>
      tpu.vector_store %arg9[%swap3A_196, %swap3A_197], %swap3A_200 {strides = array<i32>} : memref<64x128xf32, #tpu.memory_space<vmem>>, vector<1x16xf32>,
      %broadcast_in_dim3A_201 = arith.constant 0.000000e+00 : f32
      %broadcast_in_dim3A_202 = vector.broadcast %broadcast_in_dim3A_201 : f32 to vector<16xf32>
      %swap3A_203 = arith.index_cast %scan3A_160 : i32 to index
      %swap3A_204 = arith.constant 96 : index
      %swap3A_205 = tpu.vector_load %arg9[%swap3A_203, %swap3A_204] {strides = array<i32>} : memref<64x128xf32, #tpu.memory_space<vmem>>, vector<1x16xf32>,
      %swap3A_206 = vector.shape_cast %swap3A_205 : vector<1x16xf32> to vector<16xf32>
      %swap3A_207 = vector.shape_cast %broadcast_in_dim3A_202 : vector<16xf32> to vector<1x16xf32>
      tpu.vector_store %arg9[%swap3A_203, %swap3A_204], %swap3A_207 {strides = array<i32>} : memref<64x128xf32, #tpu.memory_space<vmem>>, vector<1x16xf32>,
      %broadcast_in_dim3A_208 = arith.constant 0.000000e+00 : f32
      %broadcast_in_dim3A_209 = vector.broadcast %broadcast_in_dim3A_208 : f32 to vector<16xf32>
      %swap3A_210 = arith.index_cast %scan3A_160 : i32 to index
      %swap3A_211 = arith.constant 112 : index
      %swap3A_212 = tpu.vector_load %arg9[%swap3A_210, %swap3A_211] {strides = array<i32>} : memref<64x128xf32, #tpu.memory_space<vmem>>, vector<1x16xf32>,
      %swap3A_213 = vector.shape_cast %swap3A_212 : vector<1x16xf32> to vector<16xf32>
      %swap3A_214 = vector.shape_cast %broadcast_in_dim3A_209 : vector<16xf32> to vector<1x16xf32>
      tpu.vector_store %arg9[%swap3A_210, %swap3A_211], %swap3A_214 {strides = array<i32>} : memref<64x128xf32, #tpu.memory_space<vmem>>, vector<1x16xf32>,
    }
    %scan3A_7 = arith.constant 64 : i32
    %add3A_8 = arith.constant 0 : i32
    %add3A_9 = arith.addi %mul3A_2, %add3A_8 : i32
    %dma_start3A = arith.constant 0 : i32
    %dma_start3A_10 = tpu.memref_slice %arg6[%add3A_9, %dma_start3A] : memref<10240x128xf32, #tpu.memory_space<vmem_shared>> -> memref<64x128xf32, #tpu.memory_space<vmem_shared>>
    %dma_start3A_11 = arith.constant 0 : i32
    %dma_start3A_12 = tpu.memref_slice %arg6[%add3A_9, %dma_start3A_11] : memref<10240x128xf32, #tpu.memory_space<vmem_shared>> -> memref<64x128xf32, #tpu.memory_space<vmem_shared>>
    tpu.enqueue_dma source(%arg9 : memref<64x128xf32, #tpu.memory_space<vmem>>) target(%dma_start3A_12 : memref<64x128xf32, #tpu.memory_space<vmem_shared>>) target_semaphore(%arg17 : memref<!tpu.dma_semaphore, #tpu.memory_space<semaphore_mem>>)
    %add3A_13 = arith.constant 64 : i32
    %add3A_14 = arith.addi %mul3A_2, %add3A_13 : i32
    %dma_start3A_15 = arith.constant 0 : i32
    %dma_start3A_16 = tpu.memref_slice %arg6[%add3A_14, %dma_start3A_15] : memref<10240x128xf32, #tpu.memory_space<vmem_shared>> -> memref<64x128xf32, #tpu.memory_space<vmem_shared>>
    %dma_start3A_17 = arith.constant 0 : i32
    %dma_start3A_18 = tpu.memref_slice %arg6[%add3A_14, %dma_start3A_17] : memref<10240x128xf32, #tpu.memory_space<vmem_shared>> -> memref<64x128xf32, #tpu.memory_space<vmem_shared>>
    tpu.enqueue_dma source(%arg9 : memref<64x128xf32, #tpu.memory_space<vmem>>) target(%dma_start3A_18 : memref<64x128xf32, #tpu.memory_space<vmem_shared>>) target_semaphore(%arg18 : memref<!tpu.dma_semaphore, #tpu.memory_space<semaphore_mem>>)
    %add3A_19 = arith.constant 128 : i32
    %add3A_20 = arith.addi %mul3A_2, %add3A_19 : i32
    %dma_start3A_21 = arith.constant 0 : i32
    %dma_start3A_22 = tpu.memref_slice %arg6[%add3A_20, %dma_start3A_21] : memref<10240x128xf32, #tpu.memory_space<vmem_shared>> -> memref<64x128xf32, #tpu.memory_space<vmem_shared>>
    %dma_start3A_23 = arith.constant 0 : i32
    %dma_start3A_24 = tpu.memref_slice %arg6[%add3A_20, %dma_start3A_23] : memref<10240x128xf32, #tpu.memory_space<vmem_shared>> -> memref<64x128xf32, #tpu.memory_space<vmem_shared>>
    tpu.enqueue_dma source(%arg9 : memref<64x128xf32, #tpu.memory_space<vmem>>) target(%dma_start3A_24 : memref<64x128xf32, #tpu.memory_space<vmem_shared>>) target_semaphore(%arg19 : memref<!tpu.dma_semaphore, #tpu.memory_space<semaphore_mem>>)
    %add3A_25 = arith.constant 192 : i32
    %add3A_26 = arith.addi %mul3A_2, %add3A_25 : i32
    %dma_start3A_27 = arith.constant 0 : i32
    %dma_start3A_28 = tpu.memref_slice %arg6[%add3A_26, %dma_start3A_27] : memref<10240x128xf32, #tpu.memory_space<vmem_shared>> -> memref<64x128xf32, #tpu.memory_space<vmem_shared>>
    %dma_start3A_29 = arith.constant 0 : i32
    %dma_start3A_30 = tpu.memref_slice %arg6[%add3A_26, %dma_start3A_29] : memref<10240x128xf32, #tpu.memory_space<vmem_shared>> -> memref<64x128xf32, #tpu.memory_space<vmem_shared>>
    tpu.enqueue_dma source(%arg9 : memref<64x128xf32, #tpu.memory_space<vmem>>) target(%dma_start3A_30 : memref<64x128xf32, #tpu.memory_space<vmem_shared>>) target_semaphore(%arg20 : memref<!tpu.dma_semaphore, #tpu.memory_space<semaphore_mem>>)
    %add3A_31 = arith.constant 256 : i32
    %add3A_32 = arith.addi %mul3A_2, %add3A_31 : i32
    %dma_start3A_33 = arith.constant 0 : i32
    %dma_start3A_34 = tpu.memref_slice %arg6[%add3A_32, %dma_start3A_33] : memref<10240x128xf32, #tpu.memory_space<vmem_shared>> -> memref<64x128xf32, #tpu.memory_space<vmem_shared>>
    %dma_start3A_35 = arith.constant 0 : i32
    %dma_start3A_36 = tpu.memref_slice %arg6[%add3A_32, %dma_start3A_35] : memref<10240x128xf32, #tpu.memory_space<vmem_shared>> -> memref<64x128xf32, #tpu.memory_space<vmem_shared>>
    tpu.enqueue_dma source(%arg9 : memref<64x128xf32, #tpu.memory_space<vmem>>) target(%dma_start3A_36 : memref<64x128xf32, #tpu.memory_space<vmem_shared>>) target_semaphore(%arg17 : memref<!tpu.dma_semaphore, #tpu.memory_space<semaphore_mem>>)
    %add3A_37 = arith.constant 320 : i32
    %add3A_38 = arith.addi %mul3A_2, %add3A_37 : i32
    %dma_start3A_39 = arith.constant 0 : i32
    %dma_start3A_40 = tpu.memref_slice %arg6[%add3A_38, %dma_start3A_39] : memref<10240x128xf32, #tpu.memory_space<vmem_shared>> -> memref<64x128xf32, #tpu.memory_space<vmem_shared>>
    %dma_start3A_41 = arith.constant 0 : i32
    %dma_start3A_42 = tpu.memref_slice %arg6[%add3A_38, %dma_start3A_41] : memref<10240x128xf32, #tpu.memory_space<vmem_shared>> -> memref<64x128xf32, #tpu.memory_space<vmem_shared>>
    tpu.enqueue_dma source(%arg9 : memref<64x128xf32, #tpu.memory_space<vmem>>) target(%dma_start3A_42 : memref<64x128xf32, #tpu.memory_space<vmem_shared>>) target_semaphore(%arg18 : memref<!tpu.dma_semaphore, #tpu.memory_space<semaphore_mem>>)
    %add3A_43 = arith.constant 384 : i32
    %add3A_44 = arith.addi %mul3A_2, %add3A_43 : i32
    %dma_start3A_45 = arith.constant 0 : i32
    %dma_start3A_46 = tpu.memref_slice %arg6[%add3A_44, %dma_start3A_45] : memref<10240x128xf32, #tpu.memory_space<vmem_shared>> -> memref<64x128xf32, #tpu.memory_space<vmem_shared>>
    %dma_start3A_47 = arith.constant 0 : i32
    %dma_start3A_48 = tpu.memref_slice %arg6[%add3A_44, %dma_start3A_47] : memref<10240x128xf32, #tpu.memory_space<vmem_shared>> -> memref<64x128xf32, #tpu.memory_space<vmem_shared>>
    tpu.enqueue_dma source(%arg9 : memref<64x128xf32, #tpu.memory_space<vmem>>) target(%dma_start3A_48 : memref<64x128xf32, #tpu.memory_space<vmem_shared>>) target_semaphore(%arg19 : memref<!tpu.dma_semaphore, #tpu.memory_space<semaphore_mem>>)
    %add3A_49 = arith.constant 448 : i32
    %add3A_50 = arith.addi %mul3A_2, %add3A_49 : i32
    %dma_start3A_51 = arith.constant 0 : i32
    %dma_start3A_52 = tpu.memref_slice %arg6[%add3A_50, %dma_start3A_51] : memref<10240x128xf32, #tpu.memory_space<vmem_shared>> -> memref<64x128xf32, #tpu.memory_space<vmem_shared>>
    %dma_start3A_53 = arith.constant 0 : i32
    %dma_start3A_54 = tpu.memref_slice %arg6[%add3A_50, %dma_start3A_53] : memref<10240x128xf32, #tpu.memory_space<vmem_shared>> -> memref<64x128xf32, #tpu.memory_space<vmem_shared>>
    tpu.enqueue_dma source(%arg9 : memref<64x128xf32, #tpu.memory_space<vmem>>) target(%dma_start3A_54 : memref<64x128xf32, #tpu.memory_space<vmem_shared>>) target_semaphore(%arg20 : memref<!tpu.dma_semaphore, #tpu.memory_space<semaphore_mem>>)
    %add3A_55 = arith.constant 512 : i32
    %add3A_56 = arith.addi %mul3A_2, %add3A_55 : i32
    %dma_start3A_57 = arith.constant 0 : i32
    %dma_start3A_58 = tpu.memref_slice %arg6[%add3A_56, %dma_start3A_57] : memref<10240x128xf32, #tpu.memory_space<vmem_shared>> -> memref<64x128xf32, #tpu.memory_space<vmem_shared>>
    %dma_start3A_59 = arith.constant 0 : i32
    %dma_start3A_60 = tpu.memref_slice %arg6[%add3A_56, %dma_start3A_59] : memref<10240x128xf32, #tpu.memory_space<vmem_shared>> -> memref<64x128xf32, #tpu.memory_space<vmem_shared>>
    tpu.enqueue_dma source(%arg9 : memref<64x128xf32, #tpu.memory_space<vmem>>) target(%dma_start3A_60 : memref<64x128xf32, #tpu.memory_space<vmem_shared>>) target_semaphore(%arg17 : memref<!tpu.dma_semaphore, #tpu.memory_space<semaphore_mem>>)
    %add3A_61 = arith.constant 576 : i32
    %add3A_62 = arith.addi %mul3A_2, %add3A_61 : i32
    %dma_start3A_63 = arith.constant 0 : i32
    %dma_start3A_64 = tpu.memref_slice %arg6[%add3A_62, %dma_start3A_63] : memref<10240x128xf32, #tpu.memory_space<vmem_shared>> -> memref<64x128xf32, #tpu.memory_space<vmem_shared>>
    %dma_start3A_65 = arith.constant 0 : i32
    %dma_start3A_66 = tpu.memref_slice %arg6[%add3A_62, %dma_start3A_65] : memref<10240x128xf32, #tpu.memory_space<vmem_shared>> -> memref<64x128xf32, #tpu.memory_space<vmem_shared>>
    tpu.enqueue_dma source(%arg9 : memref<64x128xf32, #tpu.memory_space<vmem>>) target(%dma_start3A_66 : memref<64x128xf32, #tpu.memory_space<vmem_shared>>) target_semaphore(%arg18 : memref<!tpu.dma_semaphore, #tpu.memory_space<semaphore_mem>>)
    %dma_wait3A = arith.constant 0 : i32
    %dma_wait3A_67 = arith.constant 0 : i32
    %dma_wait3A_68 = tpu.memref_slice %arg6[%dma_wait3A, %dma_wait3A_67] : memref<10240x128xf32, #tpu.memory_space<vmem_shared>> -> memref<64x128xf32, #tpu.memory_space<vmem_shared>>
    %dma_wait3A_69 = arith.constant 0 : i32
    %dma_wait3A_70 = arith.constant 0 : i32
    %dma_wait3A_71 = tpu.memref_slice %arg6[%dma_wait3A_69, %dma_wait3A_70] : memref<10240x128xf32, #tpu.memory_space<vmem_shared>> -> memref<64x128xf32, #tpu.memory_space<vmem_shared>>
    tpu.wait_dma2 semaphore(%arg17 : memref<!tpu.dma_semaphore, #tpu.memory_space<semaphore_mem>>) src(%arg9 : memref<64x128xf32, #tpu.memory_space<vmem>>) dst(%dma_wait3A_71 : memref<64x128xf32, #tpu.memory_space<vmem_shared>>)
    %dma_wait3A_72 = arith.constant 0 : i32
    %dma_wait3A_73 = arith.constant 0 : i32
    %dma_wait3A_74 = tpu.memref_slice %arg6[%dma_wait3A_72, %dma_wait3A_73] : memref<10240x128xf32, #tpu.memory_space<vmem_shared>> -> memref<64x128xf32, #tpu.memory_space<vmem_shared>>
    %dma_wait3A_75 = arith.constant 0 : i32
    %dma_wait3A_76 = arith.constant 0 : i32
    %dma_wait3A_77 = tpu.memref_slice %arg6[%dma_wait3A_75, %dma_wait3A_76] : memref<10240x128xf32, #tpu.memory_space<vmem_shared>> -> memref<64x128xf32, #tpu.memory_space<vmem_shared>>
    tpu.wait_dma2 semaphore(%arg18 : memref<!tpu.dma_semaphore, #tpu.memory_space<semaphore_mem>>) src(%arg9 : memref<64x128xf32, #tpu.memory_space<vmem>>) dst(%dma_wait3A_77 : memref<64x128xf32, #tpu.memory_space<vmem_shared>>)
    %dma_wait3A_78 = arith.constant 0 : i32
    %dma_wait3A_79 = arith.constant 0 : i32
    %dma_wait3A_80 = tpu.memref_slice %arg6[%dma_wait3A_78, %dma_wait3A_79] : memref<10240x128xf32, #tpu.memory_space<vmem_shared>> -> memref<64x128xf32, #tpu.memory_space<vmem_shared>>
    %dma_wait3A_81 = arith.constant 0 : i32
    %dma_wait3A_82 = arith.constant 0 : i32
    %dma_wait3A_83 = tpu.memref_slice %arg6[%dma_wait3A_81, %dma_wait3A_82] : memref<10240x128xf32, #tpu.memory_space<vmem_shared>> -> memref<64x128xf32, #tpu.memory_space<vmem_shared>>
    tpu.wait_dma2 semaphore(%arg19 : memref<!tpu.dma_semaphore, #tpu.memory_space<semaphore_mem>>) src(%arg9 : memref<64x128xf32, #tpu.memory_space<vmem>>) dst(%dma_wait3A_83 : memref<64x128xf32, #tpu.memory_space<vmem_shared>>)
    %dma_wait3A_84 = arith.constant 0 : i32
    %dma_wait3A_85 = arith.constant 0 : i32
    %dma_wait3A_86 = tpu.memref_slice %arg6[%dma_wait3A_84, %dma_wait3A_85] : memref<10240x128xf32, #tpu.memory_space<vmem_shared>> -> memref<64x128xf32, #tpu.memory_space<vmem_shared>>
    %dma_wait3A_87 = arith.constant 0 : i32
    %dma_wait3A_88 = arith.constant 0 : i32
    %dma_wait3A_89 = tpu.memref_slice %arg6[%dma_wait3A_87, %dma_wait3A_88] : memref<10240x128xf32, #tpu.memory_space<vmem_shared>> -> memref<64x128xf32, #tpu.memory_space<vmem_shared>>
    tpu.wait_dma2 semaphore(%arg20 : memref<!tpu.dma_semaphore, #tpu.memory_space<semaphore_mem>>) src(%arg9 : memref<64x128xf32, #tpu.memory_space<vmem>>) dst(%dma_wait3A_89 : memref<64x128xf32, #tpu.memory_space<vmem_shared>>)
    %dma_wait3A_90 = arith.constant 0 : i32
    %dma_wait3A_91 = arith.constant 0 : i32
    %dma_wait3A_92 = tpu.memref_slice %arg6[%dma_wait3A_90, %dma_wait3A_91] : memref<10240x128xf32, #tpu.memory_space<vmem_shared>> -> memref<64x128xf32, #tpu.memory_space<vmem_shared>>
    %dma_wait3A_93 = arith.constant 0 : i32
    %dma_wait3A_94 = arith.constant 0 : i32
    %dma_wait3A_95 = tpu.memref_slice %arg6[%dma_wait3A_93, %dma_wait3A_94] : memref<10240x128xf32, #tpu.memory_space<vmem_shared>> -> memref<64x128xf32, #tpu.memory_space<vmem_shared>>
    tpu.wait_dma2 semaphore(%arg17 : memref<!tpu.dma_semaphore, #tpu.memory_space<semaphore_mem>>) src(%arg9 : memref<64x128xf32, #tpu.memory_space<vmem>>) dst(%dma_wait3A_95 : memref<64x128xf32, #tpu.memory_space<vmem_shared>>)
    %dma_wait3A_96 = arith.constant 0 : i32
    %dma_wait3A_97 = arith.constant 0 : i32
    %dma_wait3A_98 = tpu.memref_slice %arg6[%dma_wait3A_96, %dma_wait3A_97] : memref<10240x128xf32, #tpu.memory_space<vmem_shared>> -> memref<64x128xf32, #tpu.memory_space<vmem_shared>>
    %dma_wait3A_99 = arith.constant 0 : i32
    %dma_wait3A_100 = arith.constant 0 : i32
    %dma_wait3A_101 = tpu.memref_slice %arg6[%dma_wait3A_99, %dma_wait3A_100] : memref<10240x128xf32, #tpu.memory_space<vmem_shared>> -> memref<64x128xf32, #tpu.memory_space<vmem_shared>>
    tpu.wait_dma2 semaphore(%arg18 : memref<!tpu.dma_semaphore, #tpu.memory_space<semaphore_mem>>) src(%arg9 : memref<64x128xf32, #tpu.memory_space<vmem>>) dst(%dma_wait3A_101 : memref<64x128xf32, #tpu.memory_space<vmem_shared>>)
    %dma_wait3A_102 = arith.constant 0 : i32
    %dma_wait3A_103 = arith.constant 0 : i32
    %dma_wait3A_104 = tpu.memref_slice %arg6[%dma_wait3A_102, %dma_wait3A_103] : memref<10240x128xf32, #tpu.memory_space<vmem_shared>> -> memref<64x128xf32, #tpu.memory_space<vmem_shared>>
    %dma_wait3A_105 = arith.constant 0 : i32
    %dma_wait3A_106 = arith.constant 0 : i32
    %dma_wait3A_107 = tpu.memref_slice %arg6[%dma_wait3A_105, %dma_wait3A_106] : memref<10240x128xf32, #tpu.memory_space<vmem_shared>> -> memref<64x128xf32, #tpu.memory_space<vmem_shared>>
    tpu.wait_dma2 semaphore(%arg19 : memref<!tpu.dma_semaphore, #tpu.memory_space<semaphore_mem>>) src(%arg9 : memref<64x128xf32, #tpu.memory_space<vmem>>) dst(%dma_wait3A_107 : memref<64x128xf32, #tpu.memory_space<vmem_shared>>)
    %dma_wait3A_108 = arith.constant 0 : i32
    %dma_wait3A_109 = arith.constant 0 : i32
    %dma_wait3A_110 = tpu.memref_slice %arg6[%dma_wait3A_108, %dma_wait3A_109] : memref<10240x128xf32, #tpu.memory_space<vmem_shared>> -> memref<64x128xf32, #tpu.memory_space<vmem_shared>>
    %dma_wait3A_111 = arith.constant 0 : i32
    %dma_wait3A_112 = arith.constant 0 : i32
    %dma_wait3A_113 = tpu.memref_slice %arg6[%dma_wait3A_111, %dma_wait3A_112] : memref<10240x128xf32, #tpu.memory_space<vmem_shared>> -> memref<64x128xf32, #tpu.memory_space<vmem_shared>>
    tpu.wait_dma2 semaphore(%arg20 : memref<!tpu.dma_semaphore, #tpu.memory_space<semaphore_mem>>) src(%arg9 : memref<64x128xf32, #tpu.memory_space<vmem>>) dst(%dma_wait3A_113 : memref<64x128xf32, #tpu.memory_space<vmem_shared>>)
    %dma_wait3A_114 = arith.constant 0 : i32
    %dma_wait3A_115 = arith.constant 0 : i32
    %dma_wait3A_116 = tpu.memref_slice %arg6[%dma_wait3A_114, %dma_wait3A_115] : memref<10240x128xf32, #tpu.memory_space<vmem_shared>> -> memref<64x128xf32, #tpu.memory_space<vmem_shared>>
    %dma_wait3A_117 = arith.constant 0 : i32
    %dma_wait3A_118 = arith.constant 0 : i32
    %dma_wait3A_119 = tpu.memref_slice %arg6[%dma_wait3A_117, %dma_wait3A_118] : memref<10240x128xf32, #tpu.memory_space<vmem_shared>> -> memref<64x128xf32, #tpu.memory_space<vmem_shared>>
    tpu.wait_dma2 semaphore(%arg17 : memref<!tpu.dma_semaphore, #tpu.memory_space<semaphore_mem>>) src(%arg9 : memref<64x128xf32, #tpu.memory_space<vmem>>) dst(%dma_wait3A_119 : memref<64x128xf32, #tpu.memory_space<vmem_shared>>)
    %dma_wait3A_120 = arith.constant 0 : i32
    %dma_wait3A_121 = arith.constant 0 : i32
    %dma_wait3A_122 = tpu.memref_slice %arg6[%dma_wait3A_120, %dma_wait3A_121] : memref<10240x128xf32, #tpu.memory_space<vmem_shared>> -> memref<64x128xf32, #tpu.memory_space<vmem_shared>>
    %dma_wait3A_123 = arith.constant 0 : i32
    %dma_wait3A_124 = arith.constant 0 : i32
    %dma_wait3A_125 = tpu.memref_slice %arg6[%dma_wait3A_123, %dma_wait3A_124] : memref<10240x128xf32, #tpu.memory_space<vmem_shared>> -> memref<64x128xf32, #tpu.memory_space<vmem_shared>>
    tpu.wait_dma2 semaphore(%arg18 : memref<!tpu.dma_semaphore, #tpu.memory_space<semaphore_mem>>) src(%arg9 : memref<64x128xf32, #tpu.memory_space<vmem>>) dst(%dma_wait3A_125 : memref<64x128xf32, #tpu.memory_space<vmem_shared>>)
    %barrier3A = arith.constant 0 : index
    tpu.barrier barrier_id(%barrier3A)
    %scan3A_126 = arith.constant 0 : i32
    %scan3A_127 = arith.constant 0 : i32
    %scan3A_128 = arith.constant 4 : i32
    %scan3A_129 = arith.addi %scan3A_127, %scan3A_128 : i32
    %scan3A_130 = arith.constant 1 : i32
    scf.for %scan3A_160 = %scan3A_127 to %scan3A_129 step %scan3A_130  : i32 {
      %gt3A = arith.constant 0 : i32
      %gt3A_161 = arith.cmpi sgt, %scan3A_160, %gt3A : i32
      %convert_element_type3A = arith.extui %gt3A_161 : i1 to i32
      %cond3A = arith.constant 0 : i32
      %cond3A_162 = arith.cmpi ne, %convert_element_type3A, %cond3A : i32
      scf.if %cond3A_162 {
        %dma_wait3A_177 = arith.constant 0 : i32
        %dma_wait3A_178 = arith.constant 0 : i32
        %dma_wait3A_179 = tpu.memref_slice %arg6[%dma_wait3A_177, %dma_wait3A_178] : memref<10240x128xf32, #tpu.memory_space<vmem_shared>> -> memref<64x128xf32, #tpu.memory_space<vmem_shared>>
        %dma_wait3A_180 = arith.constant 0 : i32
        %dma_wait3A_181 = arith.constant 0 : i32
        %dma_wait3A_182 = tpu.memref_slice %arg6[%dma_wait3A_180, %dma_wait3A_181] : memref<10240x128xf32, #tpu.memory_space<vmem_shared>> -> memref<64x128xf32, #tpu.memory_space<vmem_shared>>
        tpu.wait_dma2 semaphore(%arg17 : memref<!tpu.dma_semaphore, #tpu.memory_space<semaphore_mem>>) src(%arg9 : memref<64x128xf32, #tpu.memory_space<vmem>>) dst(%dma_wait3A_182 : memref<64x128xf32, #tpu.memory_space<vmem_shared>>)
        %dma_wait3A_183 = arith.constant 0 : i32
        %dma_wait3A_184 = arith.constant 0 : i32
        %dma_wait3A_185 = tpu.memref_slice %arg6[%dma_wait3A_183, %dma_wait3A_184] : memref<10240x128xf32, #tpu.memory_space<vmem_shared>> -> memref<64x128xf32, #tpu.memory_space<vmem_shared>>
        %dma_wait3A_186 = arith.constant 0 : i32
        %dma_wait3A_187 = arith.constant 0 : i32
        %dma_wait3A_188 = tpu.memref_slice %arg6[%dma_wait3A_186, %dma_wait3A_187] : memref<10240x128xf32, #tpu.memory_space<vmem_shared>> -> memref<64x128xf32, #tpu.memory_space<vmem_shared>>
        tpu.wait_dma2 semaphore(%arg18 : memref<!tpu.dma_semaphore, #tpu.memory_space<semaphore_mem>>) src(%arg10 : memref<64x128xf32, #tpu.memory_space<vmem>>) dst(%dma_wait3A_188 : memref<64x128xf32, #tpu.memory_space<vmem_shared>>)
        %dma_wait3A_189 = arith.constant 0 : i32
        %dma_wait3A_190 = arith.constant 0 : i32
        %dma_wait3A_191 = tpu.memref_slice %arg6[%dma_wait3A_189, %dma_wait3A_190] : memref<10240x128xf32, #tpu.memory_space<vmem_shared>> -> memref<64x128xf32, #tpu.memory_space<vmem_shared>>
        %dma_wait3A_192 = arith.constant 0 : i32
        %dma_wait3A_193 = arith.constant 0 : i32
        %dma_wait3A_194 = tpu.memref_slice %arg6[%dma_wait3A_192, %dma_wait3A_193] : memref<10240x128xf32, #tpu.memory_space<vmem_shared>> -> memref<64x128xf32, #tpu.memory_space<vmem_shared>>
        tpu.wait_dma2 semaphore(%arg19 : memref<!tpu.dma_semaphore, #tpu.memory_space<semaphore_mem>>) src(%arg11 : memref<64x128xf32, #tpu.memory_space<vmem>>) dst(%dma_wait3A_194 : memref<64x128xf32, #tpu.memory_space<vmem_shared>>)
        %dma_wait3A_195 = arith.constant 0 : i32
        %dma_wait3A_196 = arith.constant 0 : i32
        %dma_wait3A_197 = tpu.memref_slice %arg6[%dma_wait3A_195, %dma_wait3A_196] : memref<10240x128xf32, #tpu.memory_space<vmem_shared>> -> memref<64x128xf32, #tpu.memory_space<vmem_shared>>
        %dma_wait3A_198 = arith.constant 0 : i32
        %dma_wait3A_199 = arith.constant 0 : i32
        %dma_wait3A_200 = tpu.memref_slice %arg6[%dma_wait3A_198, %dma_wait3A_199] : memref<10240x128xf32, #tpu.memory_space<vmem_shared>> -> memref<64x128xf32, #tpu.memory_space<vmem_shared>>
        tpu.wait_dma2 semaphore(%arg20 : memref<!tpu.dma_semaphore, #tpu.memory_space<semaphore_mem>>) src(%arg12 : memref<64x128xf32, #tpu.memory_space<vmem>>) dst(%dma_wait3A_200 : memref<64x128xf32, #tpu.memory_space<vmem_shared>>)
      } else {
      }
      %mul3A_163 = arith.constant 2 : i32
      %mul3A_164 = arith.muli %scan3A_160, %mul3A_163 : i32
      %mul3A_165 = arith.constant 20 : i32
      %mul3A_166 = arith.muli %mul3A_164, %mul3A_165 : i32
      "tpu.region"() ({
        %run_scoped3A = tpu.sem_alloc : memref<!tpu.dma_semaphore, #tpu.memory_space<semaphore_mem>>
        %dma_start3A_177 = arith.constant 0 : i32
        %dma_start3A_178 = tpu.memref_slice %arg3[%add3A, %mul3A_166, %dma_start3A_177] : memref<32x160x64xi32, #tpu.memory_space<hbm>> -> memref<1x40x64xi32, #tpu.memory_space<hbm>>
        %dma_start3A_179 = tpu.memref_squeeze %dma_start3A_178 : memref<1x40x64xi32, #tpu.memory_space<hbm>> -> memref<40x64xi32, #tpu.memory_space<hbm>>
        %dma_start3A_180 = arith.constant 0 : i32
        %dma_start3A_181 = tpu.memref_slice %arg3[%add3A, %mul3A_166, %dma_start3A_180] : memref<32x160x64xi32, #tpu.memory_space<hbm>> -> memref<1x40x64xi32, #tpu.memory_space<hbm>>
        %dma_start3A_182 = tpu.memref_squeeze %dma_start3A_181 : memref<1x40x64xi32, #tpu.memory_space<hbm>> -> memref<40x64xi32, #tpu.memory_space<hbm>>
        tpu.enqueue_dma source(%dma_start3A_182 : memref<40x64xi32, #tpu.memory_space<hbm>>) target(%arg7 : memref<40x64xi32, #tpu.memory_space<vmem>>) target_semaphore(%run_scoped3A : memref<!tpu.dma_semaphore, #tpu.memory_space<semaphore_mem>>)
        %dma_wait3A_183 = arith.constant 0 : i32
        %dma_wait3A_184 = tpu.memref_slice %arg3[%add3A, %mul3A_166, %dma_wait3A_183] : memref<32x160x64xi32, #tpu.memory_space<hbm>> -> memref<1x40x64xi32, #tpu.memory_space<hbm>>
        %dma_wait3A_185 = tpu.memref_squeeze %dma_wait3A_184 : memref<1x40x64xi32, #tpu.memory_space<hbm>> -> memref<40x64xi32, #tpu.memory_space<hbm>>
        %dma_wait3A_186 = arith.constant 0 : i32
        %dma_wait3A_187 = tpu.memref_slice %arg3[%add3A, %mul3A_166, %dma_wait3A_186] : memref<32x160x64xi32, #tpu.memory_space<hbm>> -> memref<1x40x64xi32, #tpu.memory_space<hbm>>
        %dma_wait3A_188 = tpu.memref_squeeze %dma_wait3A_187 : memref<1x40x64xi32, #tpu.memory_space<hbm>> -> memref<40x64xi32, #tpu.memory_space<hbm>>
        tpu.wait_dma2 semaphore(%run_scoped3A : memref<!tpu.dma_semaphore, #tpu.memory_space<semaphore_mem>>) src(%dma_wait3A_188 : memref<40x64xi32, #tpu.memory_space<hbm>>) dst(%arg7 : memref<40x64xi32, #tpu.memory_space<vmem>>)
        tpu.yield
      }) : () -> ()
      %mul3A_167 = arith.constant 2 : i32
      %mul3A_168 = arith.muli %scan3A_160, %mul3A_167 : i32
      %mul3A_169 = arith.constant 20 : i32
      %mul3A_170 = arith.muli %mul3A_168, %mul3A_169 : i32
      "tpu.region"() ({
        %run_scoped3A = tpu.sem_alloc : memref<!tpu.dma_semaphore, #tpu.memory_space<semaphore_mem>>
        %dma_start3A_177 = arith.constant 0 : i32
        %dma_start3A_178 = tpu.memref_slice %arg4[%add3A, %mul3A_170, %dma_start3A_177] : memref<32x160x64xi32, #tpu.memory_space<hbm>> -> memref<1x40x64xi32, #tpu.memory_space<hbm>>
        %dma_start3A_179 = tpu.memref_squeeze %dma_start3A_178 : memref<1x40x64xi32, #tpu.memory_space<hbm>> -> memref<40x64xi32, #tpu.memory_space<hbm>>
        %dma_start3A_180 = arith.constant 0 : i32
        %dma_start3A_181 = tpu.memref_slice %arg4[%add3A, %mul3A_170, %dma_start3A_180] : memref<32x160x64xi32, #tpu.memory_space<hbm>> -> memref<1x40x64xi32, #tpu.memory_space<hbm>>
        %dma_start3A_182 = tpu.memref_squeeze %dma_start3A_181 : memref<1x40x64xi32, #tpu.memory_space<hbm>> -> memref<40x64xi32, #tpu.memory_space<hbm>>
        tpu.enqueue_dma source(%dma_start3A_182 : memref<40x64xi32, #tpu.memory_space<hbm>>) target(%arg8 : memref<40x64xi32, #tpu.memory_space<vmem>>) target_semaphore(%run_scoped3A : memref<!tpu.dma_semaphore, #tpu.memory_space<semaphore_mem>>)
        %dma_wait3A_183 = arith.constant 0 : i32
        %dma_wait3A_184 = tpu.memref_slice %arg4[%add3A, %mul3A_170, %dma_wait3A_183] : memref<32x160x64xi32, #tpu.memory_space<hbm>> -> memref<1x40x64xi32, #tpu.memory_space<hbm>>
        %dma_wait3A_185 = tpu.memref_squeeze %dma_wait3A_184 : memref<1x40x64xi32, #tpu.memory_space<hbm>> -> memref<40x64xi32, #tpu.memory_space<hbm>>
        %dma_wait3A_186 = arith.constant 0 : i32
        %dma_wait3A_187 = tpu.memref_slice %arg4[%add3A, %mul3A_170, %dma_wait3A_186] : memref<32x160x64xi32, #tpu.memory_space<hbm>> -> memref<1x40x64xi32, #tpu.memory_space<hbm>>
        %dma_wait3A_188 = tpu.memref_squeeze %dma_wait3A_187 : memref<1x40x64xi32, #tpu.memory_space<hbm>> -> memref<40x64xi32, #tpu.memory_space<hbm>>
        tpu.wait_dma2 semaphore(%run_scoped3A : memref<!tpu.dma_semaphore, #tpu.memory_space<semaphore_mem>>) src(%dma_wait3A_188 : memref<40x64xi32, #tpu.memory_space<hbm>>) dst(%arg8 : memref<40x64xi32, #tpu.memory_space<vmem>>)
        tpu.yield
      }) : () -> ()
      %scan3A_171 = arith.constant 0 : i32
      %scan3A_172 = arith.constant 0 : i32
      %scan3A_173 = arith.constant 10 : i32
      %scan3A_174 = arith.addi %scan3A_172, %scan3A_173 : i32
      %scan3A_175 = arith.constant 1 : i32
      scf.for %scan3A_177 = %scan3A_172 to %scan3A_174 step %scan3A_175  : i32 {
        %gt3A_178 = arith.constant 0 : i32
        %gt3A_179 = arith.cmpi sgt, %scan3A_177, %gt3A_178 : i32
        %convert_element_type3A_180 = arith.extui %gt3A_179 : i1 to i32
        %cond3A_181 = arith.constant 0 : i32
        %cond3A_182 = arith.cmpi ne, %convert_element_type3A_180, %cond3A_181 : i32
        scf.if %cond3A_182 {
          %dma_wait3A_302 = arith.constant 0 : i32
          %dma_wait3A_303 = arith.constant 0 : i32
          %dma_wait3A_304 = tpu.memref_slice %arg6[%dma_wait3A_302, %dma_wait3A_303] : memref<10240x128xf32, #tpu.memory_space<vmem_shared>> -> memref<64x128xf32, #tpu.memory_space<vmem_shared>>
          %dma_wait3A_305 = arith.constant 0 : i32
          %dma_wait3A_306 = arith.constant 0 : i32
          %dma_wait3A_307 = tpu.memref_slice %arg6[%dma_wait3A_305, %dma_wait3A_306] : memref<10240x128xf32, #tpu.memory_space<vmem_shared>> -> memref<64x128xf32, #tpu.memory_space<vmem_shared>>
          tpu.wait_dma2 semaphore(%arg17 : memref<!tpu.dma_semaphore, #tpu.memory_space<semaphore_mem>>) src(%arg9 : memref<64x128xf32, #tpu.memory_space<vmem>>) dst(%dma_wait3A_307 : memref<64x128xf32, #tpu.memory_space<vmem_shared>>)
        } else {
        }
        %mul3A_183 = arith.constant 4 : i32
        %mul3A_184 = arith.muli %mul3A_183, %scan3A_177 : i32
        %add3A_185 = arith.constant 0 : i32
        %add3A_186 = arith.addi %mul3A_184, %add3A_185 : i32
        %dma_start3A_187 = arith.constant 0 : i32
        %dma_start3A_188 = tpu.memref_slice %arg7[%add3A_186, %dma_start3A_187] : memref<40x64xi32, #tpu.memory_space<vmem>> -> memref<1x64xi32, #tpu.memory_space<vmem>>
        %dma_start3A_189 = tpu.memref_squeeze %dma_start3A_188 : memref<1x64xi32, #tpu.memory_space<vmem>> -> memref<64xi32, #tpu.memory_space<vmem>>
        %dma_start3A_190 = arith.constant 0 : i32
        %dma_start3A_191 = arith.constant 0 : i32
        %dma_start3A_192 = tpu.memref_slice %arg2[%dma_start3A_190, %dma_start3A_191] : memref<10240x128xf32, #tpu.memory_space<hbm>> -> memref<10240x128xf32, #tpu.memory_space<hbm>>
        tpu.enqueue_indirect_dma source(%dma_start3A_192 : memref<10240x128xf32, #tpu.memory_space<hbm>>) target(%arg9 : memref<64x128xf32, #tpu.memory_space<vmem>>) offsets(%dma_start3A_189 : memref<64xi32, #tpu.memory_space<vmem>>) semaphore(%arg13 : memref<!tpu.dma_semaphore, #tpu.memory_space<semaphore_mem>>)
        %gt3A_193 = arith.constant 0 : i32
        %gt3A_194 = arith.cmpi sgt, %scan3A_177, %gt3A_193 : i32
        %convert_element_type3A_195 = arith.extui %gt3A_194 : i1 to i32
        %cond3A_196 = arith.constant 0 : i32
        %cond3A_197 = arith.cmpi ne, %convert_element_type3A_195, %cond3A_196 : i32
        scf.if %cond3A_197 {
          %dma_wait3A_302 = arith.constant 0 : i32
          %dma_wait3A_303 = arith.constant 0 : i32
          %dma_wait3A_304 = tpu.memref_slice %arg6[%dma_wait3A_302, %dma_wait3A_303] : memref<10240x128xf32, #tpu.memory_space<vmem_shared>> -> memref<64x128xf32, #tpu.memory_space<vmem_shared>>
          %dma_wait3A_305 = arith.constant 0 : i32
          %dma_wait3A_306 = arith.constant 0 : i32
          %dma_wait3A_307 = tpu.memref_slice %arg6[%dma_wait3A_305, %dma_wait3A_306] : memref<10240x128xf32, #tpu.memory_space<vmem_shared>> -> memref<64x128xf32, #tpu.memory_space<vmem_shared>>
          tpu.wait_dma2 semaphore(%arg18 : memref<!tpu.dma_semaphore, #tpu.memory_space<semaphore_mem>>) src(%arg10 : memref<64x128xf32, #tpu.memory_space<vmem>>) dst(%dma_wait3A_307 : memref<64x128xf32, #tpu.memory_space<vmem_shared>>)
        } else {
        }
        %mul3A_198 = arith.constant 4 : i32
        %mul3A_199 = arith.muli %mul3A_198, %scan3A_177 : i32
        %add3A_200 = arith.constant 1 : i32
        %add3A_201 = arith.addi %mul3A_199, %add3A_200 : i32
        %dma_start3A_202 = arith.constant 0 : i32
        %dma_start3A_203 = tpu.memref_slice %arg7[%add3A_201, %dma_start3A_202] : memref<40x64xi32, #tpu.memory_space<vmem>> -> memref<1x64xi32, #tpu.memory_space<vmem>>
        %dma_start3A_204 = tpu.memref_squeeze %dma_start3A_203 : memref<1x64xi32, #tpu.memory_space<vmem>> -> memref<64xi32, #tpu.memory_space<vmem>>
        %dma_start3A_205 = arith.constant 0 : i32
        %dma_start3A_206 = arith.constant 0 : i32
        %dma_start3A_207 = tpu.memref_slice %arg2[%dma_start3A_205, %dma_start3A_206] : memref<10240x128xf32, #tpu.memory_space<hbm>> -> memref<10240x128xf32, #tpu.memory_space<hbm>>
        tpu.enqueue_indirect_dma source(%dma_start3A_207 : memref<10240x128xf32, #tpu.memory_space<hbm>>) target(%arg10 : memref<64x128xf32, #tpu.memory_space<vmem>>) offsets(%dma_start3A_204 : memref<64xi32, #tpu.memory_space<vmem>>) semaphore(%arg14 : memref<!tpu.dma_semaphore, #tpu.memory_space<semaphore_mem>>)
        %gt3A_208 = arith.constant 0 : i32
        %gt3A_209 = arith.cmpi sgt, %scan3A_177, %gt3A_208 : i32
        %convert_element_type3A_210 = arith.extui %gt3A_209 : i1 to i32
        %cond3A_211 = arith.constant 0 : i32
        %cond3A_212 = arith.cmpi ne, %convert_element_type3A_210, %cond3A_211 : i32
        scf.if %cond3A_212 {
          %dma_wait3A_302 = arith.constant 0 : i32
          %dma_wait3A_303 = arith.constant 0 : i32
          %dma_wait3A_304 = tpu.memref_slice %arg6[%dma_wait3A_302, %dma_wait3A_303] : memref<10240x128xf32, #tpu.memory_space<vmem_shared>> -> memref<64x128xf32, #tpu.memory_space<vmem_shared>>
          %dma_wait3A_305 = arith.constant 0 : i32
          %dma_wait3A_306 = arith.constant 0 : i32
          %dma_wait3A_307 = tpu.memref_slice %arg6[%dma_wait3A_305, %dma_wait3A_306] : memref<10240x128xf32, #tpu.memory_space<vmem_shared>> -> memref<64x128xf32, #tpu.memory_space<vmem_shared>>
          tpu.wait_dma2 semaphore(%arg19 : memref<!tpu.dma_semaphore, #tpu.memory_space<semaphore_mem>>) src(%arg11 : memref<64x128xf32, #tpu.memory_space<vmem>>) dst(%dma_wait3A_307 : memref<64x128xf32, #tpu.memory_space<vmem_shared>>)
        } else {
        }
        %mul3A_213 = arith.constant 4 : i32
        %mul3A_214 = arith.muli %mul3A_213, %scan3A_177 : i32
        %add3A_215 = arith.constant 2 : i32
        %add3A_216 = arith.addi %mul3A_214, %add3A_215 : i32
        %dma_start3A_217 = arith.constant 0 : i32
        %dma_start3A_218 = tpu.memref_slice %arg7[%add3A_216, %dma_start3A_217] : memref<40x64xi32, #tpu.memory_space<vmem>> -> memref<1x64xi32, #tpu.memory_space<vmem>>
        %dma_start3A_219 = tpu.memref_squeeze %dma_start3A_218 : memref<1x64xi32, #tpu.memory_space<vmem>> -> memref<64xi32, #tpu.memory_space<vmem>>
        %dma_start3A_220 = arith.constant 0 : i32
        %dma_start3A_221 = arith.constant 0 : i32
        %dma_start3A_222 = tpu.memref_slice %arg2[%dma_start3A_220, %dma_start3A_221] : memref<10240x128xf32, #tpu.memory_space<hbm>> -> memref<10240x128xf32, #tpu.memory_space<hbm>>
        tpu.enqueue_indirect_dma source(%dma_start3A_222 : memref<10240x128xf32, #tpu.memory_space<hbm>>) target(%arg11 : memref<64x128xf32, #tpu.memory_space<vmem>>) offsets(%dma_start3A_219 : memref<64xi32, #tpu.memory_space<vmem>>) semaphore(%arg15 : memref<!tpu.dma_semaphore, #tpu.memory_space<semaphore_mem>>)
        %gt3A_223 = arith.constant 0 : i32
        %gt3A_224 = arith.cmpi sgt, %scan3A_177, %gt3A_223 : i32
        %convert_element_type3A_225 = arith.extui %gt3A_224 : i1 to i32
        %cond3A_226 = arith.constant 0 : i32
        %cond3A_227 = arith.cmpi ne, %convert_element_type3A_225, %cond3A_226 : i32
        scf.if %cond3A_227 {
          %dma_wait3A_302 = arith.constant 0 : i32
          %dma_wait3A_303 = arith.constant 0 : i32
          %dma_wait3A_304 = tpu.memref_slice %arg6[%dma_wait3A_302, %dma_wait3A_303] : memref<10240x128xf32, #tpu.memory_space<vmem_shared>> -> memref<64x128xf32, #tpu.memory_space<vmem_shared>>
          %dma_wait3A_305 = arith.constant 0 : i32
          %dma_wait3A_306 = arith.constant 0 : i32
          %dma_wait3A_307 = tpu.memref_slice %arg6[%dma_wait3A_305, %dma_wait3A_306] : memref<10240x128xf32, #tpu.memory_space<vmem_shared>> -> memref<64x128xf32, #tpu.memory_space<vmem_shared>>
          tpu.wait_dma2 semaphore(%arg20 : memref<!tpu.dma_semaphore, #tpu.memory_space<semaphore_mem>>) src(%arg12 : memref<64x128xf32, #tpu.memory_space<vmem>>) dst(%dma_wait3A_307 : memref<64x128xf32, #tpu.memory_space<vmem_shared>>)
        } else {
        }
        %mul3A_228 = arith.constant 4 : i32
        %mul3A_229 = arith.muli %mul3A_228, %scan3A_177 : i32
        %add3A_230 = arith.constant 3 : i32
        %add3A_231 = arith.addi %mul3A_229, %add3A_230 : i32
        %dma_start3A_232 = arith.constant 0 : i32
        %dma_start3A_233 = tpu.memref_slice %arg7[%add3A_231, %dma_start3A_232] : memref<40x64xi32, #tpu.memory_space<vmem>> -> memref<1x64xi32, #tpu.memory_space<vmem>>
        %dma_start3A_234 = tpu.memref_squeeze %dma_start3A_233 : memref<1x64xi32, #tpu.memory_space<vmem>> -> memref<64xi32, #tpu.memory_space<vmem>>
        %dma_start3A_235 = arith.constant 0 : i32
        %dma_start3A_236 = arith.constant 0 : i32
        %dma_start3A_237 = tpu.memref_slice %arg2[%dma_start3A_235, %dma_start3A_236] : memref<10240x128xf32, #tpu.memory_space<hbm>> -> memref<10240x128xf32, #tpu.memory_space<hbm>>
        tpu.enqueue_indirect_dma source(%dma_start3A_237 : memref<10240x128xf32, #tpu.memory_space<hbm>>) target(%arg12 : memref<64x128xf32, #tpu.memory_space<vmem>>) offsets(%dma_start3A_234 : memref<64xi32, #tpu.memory_space<vmem>>) semaphore(%arg16 : memref<!tpu.dma_semaphore, #tpu.memory_space<semaphore_mem>>)
        %dma_wait3A_238 = arith.constant 0 : i32
        %dma_wait3A_239 = arith.constant 0 : i32
        %dma_wait3A_240 = tpu.memref_slice %arg2[%dma_wait3A_238, %dma_wait3A_239] : memref<10240x128xf32, #tpu.memory_space<hbm>> -> memref<64x128xf32, #tpu.memory_space<hbm>>
        %dma_wait3A_241 = arith.constant 0 : i32
        %dma_wait3A_242 = arith.constant 0 : i32
        %dma_wait3A_243 = tpu.memref_slice %arg2[%dma_wait3A_241, %dma_wait3A_242] : memref<10240x128xf32, #tpu.memory_space<hbm>> -> memref<64x128xf32, #tpu.memory_space<hbm>>
        tpu.wait_dma2 semaphore(%arg13 : memref<!tpu.dma_semaphore, #tpu.memory_space<semaphore_mem>>) src(%dma_wait3A_243 : memref<64x128xf32, #tpu.memory_space<hbm>>) dst(%arg9 : memref<64x128xf32, #tpu.memory_space<vmem>>)
        %mul3A_244 = arith.constant 4 : i32
        %mul3A_245 = arith.muli %mul3A_244, %scan3A_177 : i32
        %add3A_246 = arith.constant 0 : i32
        %add3A_247 = arith.addi %mul3A_245, %add3A_246 : i32
        %dma_start3A_248 = arith.constant 0 : i32
        %dma_start3A_249 = tpu.memref_slice %arg8[%add3A_247, %dma_start3A_248] : memref<40x64xi32, #tpu.memory_space<vmem>> -> memref<1x64xi32, #tpu.memory_space<vmem>>
        %dma_start3A_250 = tpu.memref_squeeze %dma_start3A_249 : memref<1x64xi32, #tpu.memory_space<vmem>> -> memref<64xi32, #tpu.memory_space<vmem>>
        %dma_start3A_251 = arith.constant 0 : i32
        %dma_start3A_252 = arith.constant 0 : i32
        %dma_start3A_253 = tpu.memref_slice %arg6[%dma_start3A_251, %dma_start3A_252] : memref<10240x128xf32, #tpu.memory_space<vmem_shared>> -> memref<10240x128xf32, #tpu.memory_space<vmem_shared>>
        tpu.enqueue_indirect_dma source(%arg9 : memref<64x128xf32, #tpu.memory_space<vmem>>) target(%dma_start3A_253 : memref<10240x128xf32, #tpu.memory_space<vmem_shared>>) offsets(%dma_start3A_250 : memref<64xi32, #tpu.memory_space<vmem>>) semaphore(%arg17 : memref<!tpu.dma_semaphore, #tpu.memory_space<semaphore_mem>>) {add = true}
        %dma_wait3A_254 = arith.constant 0 : i32
        %dma_wait3A_255 = arith.constant 0 : i32
        %dma_wait3A_256 = tpu.memref_slice %arg2[%dma_wait3A_254, %dma_wait3A_255] : memref<10240x128xf32, #tpu.memory_space<hbm>> -> memref<64x128xf32, #tpu.memory_space<hbm>>
        %dma_wait3A_257 = arith.constant 0 : i32
        %dma_wait3A_258 = arith.constant 0 : i32
        %dma_wait3A_259 = tpu.memref_slice %arg2[%dma_wait3A_257, %dma_wait3A_258] : memref<10240x128xf32, #tpu.memory_space<hbm>> -> memref<64x128xf32, #tpu.memory_space<hbm>>
        tpu.wait_dma2 semaphore(%arg14 : memref<!tpu.dma_semaphore, #tpu.memory_space<semaphore_mem>>) src(%dma_wait3A_259 : memref<64x128xf32, #tpu.memory_space<hbm>>) dst(%arg10 : memref<64x128xf32, #tpu.memory_space<vmem>>)
        %mul3A_260 = arith.constant 4 : i32
        %mul3A_261 = arith.muli %mul3A_260, %scan3A_177 : i32
        %add3A_262 = arith.constant 1 : i32
        %add3A_263 = arith.addi %mul3A_261, %add3A_262 : i32
        %dma_start3A_264 = arith.constant 0 : i32
        %dma_start3A_265 = tpu.memref_slice %arg8[%add3A_263, %dma_start3A_264] : memref<40x64xi32, #tpu.memory_space<vmem>> -> memref<1x64xi32, #tpu.memory_space<vmem>>
        %dma_start3A_266 = tpu.memref_squeeze %dma_start3A_265 : memref<1x64xi32, #tpu.memory_space<vmem>> -> memref<64xi32, #tpu.memory_space<vmem>>
        %dma_start3A_267 = arith.constant 0 : i32
        %dma_start3A_268 = arith.constant 0 : i32
        %dma_start3A_269 = tpu.memref_slice %arg6[%dma_start3A_267, %dma_start3A_268] : memref<10240x128xf32, #tpu.memory_space<vmem_shared>> -> memref<10240x128xf32, #tpu.memory_space<vmem_shared>>
        tpu.enqueue_indirect_dma source(%arg10 : memref<64x128xf32, #tpu.memory_space<vmem>>) target(%dma_start3A_269 : memref<10240x128xf32, #tpu.memory_space<vmem_shared>>) offsets(%dma_start3A_266 : memref<64xi32, #tpu.memory_space<vmem>>) semaphore(%arg18 : memref<!tpu.dma_semaphore, #tpu.memory_space<semaphore_mem>>) {add = true}
        %dma_wait3A_270 = arith.constant 0 : i32
        %dma_wait3A_271 = arith.constant 0 : i32
        %dma_wait3A_272 = tpu.memref_slice %arg2[%dma_wait3A_270, %dma_wait3A_271] : memref<10240x128xf32, #tpu.memory_space<hbm>> -> memref<64x128xf32, #tpu.memory_space<hbm>>
        %dma_wait3A_273 = arith.constant 0 : i32
        %dma_wait3A_274 = arith.constant 0 : i32
        %dma_wait3A_275 = tpu.memref_slice %arg2[%dma_wait3A_273, %dma_wait3A_274] : memref<10240x128xf32, #tpu.memory_space<hbm>> -> memref<64x128xf32, #tpu.memory_space<hbm>>
        tpu.wait_dma2 semaphore(%arg15 : memref<!tpu.dma_semaphore, #tpu.memory_space<semaphore_mem>>) src(%dma_wait3A_275 : memref<64x128xf32, #tpu.memory_space<hbm>>) dst(%arg11 : memref<64x128xf32, #tpu.memory_space<vmem>>)
        %mul3A_276 = arith.constant 4 : i32
        %mul3A_277 = arith.muli %mul3A_276, %scan3A_177 : i32
        %add3A_278 = arith.constant 2 : i32
        %add3A_279 = arith.addi %mul3A_277, %add3A_278 : i32
        %dma_start3A_280 = arith.constant 0 : i32
        %dma_start3A_281 = tpu.memref_slice %arg8[%add3A_279, %dma_start3A_280] : memref<40x64xi32, #tpu.memory_space<vmem>> -> memref<1x64xi32, #tpu.memory_space<vmem>>
        %dma_start3A_282 = tpu.memref_squeeze %dma_start3A_281 : memref<1x64xi32, #tpu.memory_space<vmem>> -> memref<64xi32, #tpu.memory_space<vmem>>
        %dma_start3A_283 = arith.constant 0 : i32
        %dma_start3A_284 = arith.constant 0 : i32
        %dma_start3A_285 = tpu.memref_slice %arg6[%dma_start3A_283, %dma_start3A_284] : memref<10240x128xf32, #tpu.memory_space<vmem_shared>> -> memref<10240x128xf32, #tpu.memory_space<vmem_shared>>
        tpu.enqueue_indirect_dma source(%arg11 : memref<64x128xf32, #tpu.memory_space<vmem>>) target(%dma_start3A_285 : memref<10240x128xf32, #tpu.memory_space<vmem_shared>>) offsets(%dma_start3A_282 : memref<64xi32, #tpu.memory_space<vmem>>) semaphore(%arg19 : memref<!tpu.dma_semaphore, #tpu.memory_space<semaphore_mem>>) {add = true}
        %dma_wait3A_286 = arith.constant 0 : i32
        %dma_wait3A_287 = arith.constant 0 : i32
        %dma_wait3A_288 = tpu.memref_slice %arg2[%dma_wait3A_286, %dma_wait3A_287] : memref<10240x128xf32, #tpu.memory_space<hbm>> -> memref<64x128xf32, #tpu.memory_space<hbm>>
        %dma_wait3A_289 = arith.constant 0 : i32
        %dma_wait3A_290 = arith.constant 0 : i32
        %dma_wait3A_291 = tpu.memref_slice %arg2[%dma_wait3A_289, %dma_wait3A_290] : memref<10240x128xf32, #tpu.memory_space<hbm>> -> memref<64x128xf32, #tpu.memory_space<hbm>>
        tpu.wait_dma2 semaphore(%arg16 : memref<!tpu.dma_semaphore, #tpu.memory_space<semaphore_mem>>) src(%dma_wait3A_291 : memref<64x128xf32, #tpu.memory_space<hbm>>) dst(%arg12 : memref<64x128xf32, #tpu.memory_space<vmem>>)
        %mul3A_292 = arith.constant 4 : i32
        %mul3A_293 = arith.muli %mul3A_292, %scan3A_177 : i32
        %add3A_294 = arith.constant 3 : i32
        %add3A_295 = arith.addi %mul3A_293, %add3A_294 : i32
        %dma_start3A_296 = arith.constant 0 : i32
        %dma_start3A_297 = tpu.memref_slice %arg8[%add3A_295, %dma_start3A_296] : memref<40x64xi32, #tpu.memory_space<vmem>> -> memref<1x64xi32, #tpu.memory_space<vmem>>
        %dma_start3A_298 = tpu.memref_squeeze %dma_start3A_297 : memref<1x64xi32, #tpu.memory_space<vmem>> -> memref<64xi32, #tpu.memory_space<vmem>>
        %dma_start3A_299 = arith.constant 0 : i32
        %dma_start3A_300 = arith.constant 0 : i32
        %dma_start3A_301 = tpu.memref_slice %arg6[%dma_start3A_299, %dma_start3A_300] : memref<10240x128xf32, #tpu.memory_space<vmem_shared>> -> memref<10240x128xf32, #tpu.memory_space<vmem_shared>>
        tpu.enqueue_indirect_dma source(%arg12 : memref<64x128xf32, #tpu.memory_space<vmem>>) target(%dma_start3A_301 : memref<10240x128xf32, #tpu.memory_space<vmem_shared>>) offsets(%dma_start3A_298 : memref<64xi32, #tpu.memory_space<vmem>>) semaphore(%arg20 : memref<!tpu.dma_semaphore, #tpu.memory_space<semaphore_mem>>) {add = true}
      }
      %scan3A_176 = arith.constant 10 : i32
    }
    %scan3A_131 = arith.constant 4 : i32
    %dma_wait3A_132 = arith.constant 0 : i32
    %dma_wait3A_133 = arith.constant 0 : i32
    %dma_wait3A_134 = tpu.memref_slice %arg6[%dma_wait3A_132, %dma_wait3A_133] : memref<10240x128xf32, #tpu.memory_space<vmem_shared>> -> memref<64x128xf32, #tpu.memory_space<vmem_shared>>
    %dma_wait3A_135 = arith.constant 0 : i32
    %dma_wait3A_136 = arith.constant 0 : i32
    %dma_wait3A_137 = tpu.memref_slice %arg6[%dma_wait3A_135, %dma_wait3A_136] : memref<10240x128xf32, #tpu.memory_space<vmem_shared>> -> memref<64x128xf32, #tpu.memory_space<vmem_shared>>
    tpu.wait_dma2 semaphore(%arg17 : memref<!tpu.dma_semaphore, #tpu.memory_space<semaphore_mem>>) src(%arg9 : memref<64x128xf32, #tpu.memory_space<vmem>>) dst(%dma_wait3A_137 : memref<64x128xf32, #tpu.memory_space<vmem_shared>>)
    %dma_wait3A_138 = arith.constant 0 : i32
    %dma_wait3A_139 = arith.constant 0 : i32
    %dma_wait3A_140 = tpu.memref_slice %arg6[%dma_wait3A_138, %dma_wait3A_139] : memref<10240x128xf32, #tpu.memory_space<vmem_shared>> -> memref<64x128xf32, #tpu.memory_space<vmem_shared>>
    %dma_wait3A_141 = arith.constant 0 : i32
    %dma_wait3A_142 = arith.constant 0 : i32
    %dma_wait3A_143 = tpu.memref_slice %arg6[%dma_wait3A_141, %dma_wait3A_142] : memref<10240x128xf32, #tpu.memory_space<vmem_shared>> -> memref<64x128xf32, #tpu.memory_space<vmem_shared>>
    tpu.wait_dma2 semaphore(%arg18 : memref<!tpu.dma_semaphore, #tpu.memory_space<semaphore_mem>>) src(%arg10 : memref<64x128xf32, #tpu.memory_space<vmem>>) dst(%dma_wait3A_143 : memref<64x128xf32, #tpu.memory_space<vmem_shared>>)
    %dma_wait3A_144 = arith.constant 0 : i32
    %dma_wait3A_145 = arith.constant 0 : i32
    %dma_wait3A_146 = tpu.memref_slice %arg6[%dma_wait3A_144, %dma_wait3A_145] : memref<10240x128xf32, #tpu.memory_space<vmem_shared>> -> memref<64x128xf32, #tpu.memory_space<vmem_shared>>
    %dma_wait3A_147 = arith.constant 0 : i32
    %dma_wait3A_148 = arith.constant 0 : i32
    %dma_wait3A_149 = tpu.memref_slice %arg6[%dma_wait3A_147, %dma_wait3A_148] : memref<10240x128xf32, #tpu.memory_space<vmem_shared>> -> memref<64x128xf32, #tpu.memory_space<vmem_shared>>
    tpu.wait_dma2 semaphore(%arg19 : memref<!tpu.dma_semaphore, #tpu.memory_space<semaphore_mem>>) src(%arg11 : memref<64x128xf32, #tpu.memory_space<vmem>>) dst(%dma_wait3A_149 : memref<64x128xf32, #tpu.memory_space<vmem_shared>>)
    %dma_wait3A_150 = arith.constant 0 : i32
    %dma_wait3A_151 = arith.constant 0 : i32
    %dma_wait3A_152 = tpu.memref_slice %arg6[%dma_wait3A_150, %dma_wait3A_151] : memref<10240x128xf32, #tpu.memory_space<vmem_shared>> -> memref<64x128xf32, #tpu.memory_space<vmem_shared>>
    %dma_wait3A_153 = arith.constant 0 : i32
    %dma_wait3A_154 = arith.constant 0 : i32
    %dma_wait3A_155 = tpu.memref_slice %arg6[%dma_wait3A_153, %dma_wait3A_154] : memref<10240x128xf32, #tpu.memory_space<vmem_shared>> -> memref<64x128xf32, #tpu.memory_space<vmem_shared>>
    tpu.wait_dma2 semaphore(%arg20 : memref<!tpu.dma_semaphore, #tpu.memory_space<semaphore_mem>>) src(%arg12 : memref<64x128xf32, #tpu.memory_space<vmem>>) dst(%dma_wait3A_155 : memref<64x128xf32, #tpu.memory_space<vmem_shared>>)
    %barrier3A_156 = arith.constant 0 : index
    tpu.barrier barrier_id(%barrier3A_156)
    %mul3A_157 = arith.constant 10240 : i32
    %mul3A_158 = arith.muli %arg0, %mul3A_157 : i32
    %add3A_159 = arith.addi %mul3A_158, %mul3A_2 : i32
    "tpu.region"() ({
      %run_scoped3A = tpu.sem_alloc : memref<!tpu.dma_semaphore, #tpu.memory_space<semaphore_mem>>
      %dma_start3A_160 = arith.constant 0 : i32
      %dma_start3A_161 = tpu.memref_slice %arg5[%add3A_159, %dma_start3A_160] : memref<20480x128xf32, #tpu.memory_space<hbm>> -> memref<640x128xf32, #tpu.memory_space<hbm>>
      %dma_start3A_162 = arith.constant 0 : i32
      %dma_start3A_163 = tpu.memref_slice %arg6[%mul3A_2, %dma_start3A_162] : memref<10240x128xf32, #tpu.memory_space<vmem_shared>> -> memref<640x128xf32, #tpu.memory_space<vmem_shared>>
      tpu.enqueue_dma source(%dma_start3A_163 : memref<640x128xf32, #tpu.memory_space<vmem_shared>>) target(%dma_start3A_161 : memref<640x128xf32, #tpu.memory_space<hbm>>) target_semaphore(%run_scoped3A : memref<!tpu.dma_semaphore, #tpu.memory_space<semaphore_mem>>)
      %dma_wait3A_164 = arith.constant 0 : i32
      %dma_wait3A_165 = tpu.memref_slice %arg5[%add3A_159, %dma_wait3A_164] : memref<20480x128xf32, #tpu.memory_space<hbm>> -> memref<640x128xf32, #tpu.memory_space<hbm>>
      %dma_wait3A_166 = arith.constant 0 : i32
      %dma_wait3A_167 = tpu.memref_slice %arg6[%mul3A_2, %dma_wait3A_166] : memref<10240x128xf32, #tpu.memory_space<vmem_shared>> -> memref<640x128xf32, #tpu.memory_space<vmem_shared>>
      tpu.wait_dma2 semaphore(%run_scoped3A : memref<!tpu.dma_semaphore, #tpu.memory_space<semaphore_mem>>) src(%dma_wait3A_167 : memref<640x128xf32, #tpu.memory_space<vmem_shared>>) dst(%dma_wait3A_165 : memref<640x128xf32, #tpu.memory_space<hbm>>)
      tpu.yield
    }) : () -> ()
    return
  }
}

module attributes {stable_mosaic.version = 14 : i64} {
  func.func @_tc1_body(%arg0: memref<10240x128xf32, #tpu.memory_space<vmem>>, %arg1: memref<10240x32xf32, #tpu.memory_space<vmem>>, %arg2: memref<128x128xf32, #tpu.memory_space<vmem>>, %arg3: memref<10240x128xf32, #tpu.memory_space<vmem>>, %arg4: memref<10240x1xf32, #tpu.memory_space<vmem>>) attributes {dimension_semantics = [], scalar_prefetch = 0 : i64, scratch_operands = 0 : i64, tpu.core_type = #tpu.core_type<tc>} {
    %get3A = arith.constant 0 : index
    %get3A_0 = arith.constant 0 : index
    %get3A_1 = vector.load %arg1[%get3A, %get3A_0] : memref<10240x32xf32, #tpu.memory_space<vmem>>, vector<10240x32xf32>
    %reduce_sum3A = arith.constant dense<0.000000e+00> : vector<10240xf32>
    %reduce_sum3A_2 = vector.multi_reduction <add>, %get3A_1, %reduce_sum3A [1] : vector<10240x32xf32> to vector<10240xf32>
    %broadcast_in_dim3A = vector.shape_cast %reduce_sum3A_2 : vector<10240xf32> to vector<10240x1xf32>
    %swap3A = arith.constant 0 : index
    %swap3A_3 = arith.constant 0 : index
    %swap3A_4 = vector.load %arg4[%swap3A, %swap3A_3] : memref<10240x1xf32, #tpu.memory_space<vmem>>, vector<10240x1xf32>
    tpu.vector_store %arg4[%swap3A, %swap3A_3], %broadcast_in_dim3A {strides = array<i32>} : memref<10240x1xf32, #tpu.memory_space<vmem>>, vector<10240x1xf32>,
    %get3A_5 = arith.constant 0 : index
    %get3A_6 = arith.constant 0 : index
    %get3A_7 = vector.load %arg0[%get3A_5, %get3A_6] : memref<10240x128xf32, #tpu.memory_space<vmem>>, vector<10240x128xf32>
    %get3A_8 = arith.constant 0 : index
    %get3A_9 = arith.constant 0 : index
    %get3A_10 = vector.load %arg2[%get3A_8, %get3A_9] : memref<128x128xf32, #tpu.memory_space<vmem>>, vector<128x128xf32>
    %dot_general3A = arith.constant dense<0.000000e+00> : vector<10240x128xf32>
    %dot_general3A_11 = tpu.matmul %get3A_7, %get3A_10, %dot_general3A {dimension_numbers = #tpu.dot_dimension_numbers<[1], [0], [0], [1], [0, 0, 1, 1], [], []>, transpose_lhs_hint = false} : vector<10240x128xf32>, vector<128x128xf32>, vector<10240x128xf32> -> vector<10240x128xf32>
    %add3A = arith.constant 1.000000e+00 : f32
    %add3A_12 = vector.broadcast %add3A : f32 to vector<10240x1xf32>
    %add3A_13 = arith.addf %broadcast_in_dim3A, %add3A_12 : vector<10240x1xf32>
    %rsqrt3A = math.rsqrt %add3A_13 : vector<10240x1xf32>
    %mul3A = vector.broadcast %rsqrt3A : vector<10240x1xf32> to vector<10240x128xf32>
    %mul3A_14 = arith.mulf %dot_general3A_11, %mul3A : vector<10240x128xf32>
    %swap3A_15 = arith.constant 0 : index
    %swap3A_16 = arith.constant 0 : index
    %swap3A_17 = vector.load %arg3[%swap3A_15, %swap3A_16] : memref<10240x128xf32, #tpu.memory_space<vmem>>, vector<10240x128xf32>
    tpu.vector_store %arg3[%swap3A_15, %swap3A_16], %mul3A_14 {strides = array<i32>} : memref<10240x128xf32, #tpu.memory_space<vmem>>, vector<10240x128xf32>,
    return
  }
}

module attributes {stable_mosaic.version = 14 : i64} {
  func.func @_tc2_body(%arg0: memref<20480x128xf32, #tpu.memory_space<vmem>>, %arg1: memref<10240x128xf32, #tpu.memory_space<vmem>>, %arg2: memref<10240x1xf32, #tpu.memory_space<vmem>>, %arg3: memref<1x128xf32, #tpu.memory_space<vmem>>, %arg4: memref<1x128xf32, #tpu.memory_space<vmem>>, %arg5: memref<1x128xf32, #tpu.memory_space<vmem>>, %arg6: memref<128x128xf32, #tpu.memory_space<vmem>>, %arg7: memref<10240x128xf32, #tpu.memory_space<vmem>>) attributes {dimension_semantics = [], scalar_prefetch = 0 : i64, scratch_operands = 0 : i64, tpu.core_type = #tpu.core_type<tc>} {
    %get3A = arith.constant 0 : index
    %get3A_0 = arith.constant 0 : index
    %get3A_1 = vector.load %arg2[%get3A, %get3A_0] : memref<10240x1xf32, #tpu.memory_space<vmem>>, vector<10240x1xf32>
    %add3A = arith.constant 1.000000e+00 : f32
    %add3A_2 = vector.broadcast %add3A : f32 to vector<10240x1xf32>
    %add3A_3 = arith.addf %get3A_1, %add3A_2 : vector<10240x1xf32>
    %rsqrt3A = math.rsqrt %add3A_3 : vector<10240x1xf32>
    %get3A_4 = arith.constant 0 : index
    %get3A_5 = arith.constant 0 : index
    %get3A_6 = vector.load %arg0[%get3A_4, %get3A_5] : memref<20480x128xf32, #tpu.memory_space<vmem>>, vector<20480x128xf32>
    %reshape3A = vector.shape_cast %get3A_6 : vector<20480x128xf32> to vector<2x10240x128xf32>
    %slice3A = vector.extract_strided_slice %reshape3A {offsets = [0, 0, 0], sizes = [1, 10240, 128], strides = [1, 1, 1]} : vector<2x10240x128xf32> to vector<1x10240x128xf32>
    %squeeze3A = vector.shape_cast %slice3A : vector<1x10240x128xf32> to vector<10240x128xf32>
    %slice3A_7 = vector.extract_strided_slice %reshape3A {offsets = [1, 0, 0], sizes = [1, 10240, 128], strides = [1, 1, 1]} : vector<2x10240x128xf32> to vector<1x10240x128xf32>
    %squeeze3A_8 = vector.shape_cast %slice3A_7 : vector<1x10240x128xf32> to vector<10240x128xf32>
    %add3A_9 = arith.addf %squeeze3A, %squeeze3A_8 : vector<10240x128xf32>
    %get3A_10 = arith.constant 0 : index
    %get3A_11 = arith.constant 0 : index
    %get3A_12 = vector.load %arg1[%get3A_10, %get3A_11] : memref<10240x128xf32, #tpu.memory_space<vmem>>, vector<10240x128xf32>
    %add3A_13 = arith.addf %add3A_9, %get3A_12 : vector<10240x128xf32>
    %mul3A = vector.broadcast %rsqrt3A : vector<10240x1xf32> to vector<10240x128xf32>
    %mul3A_14 = arith.mulf %add3A_13, %mul3A : vector<10240x128xf32>
    %get3A_15 = arith.constant 0 : index
    %get3A_16 = arith.constant 0 : index
    %get3A_17 = vector.load %arg3[%get3A_15, %get3A_16] : memref<1x128xf32, #tpu.memory_space<vmem>>, vector<1x128xf32>
    %add3A_18 = vector.broadcast %get3A_17 : vector<1x128xf32> to vector<10240x128xf32>
    %add3A_19 = arith.addf %mul3A_14, %add3A_18 : vector<10240x128xf32>
    %iota3A = tpu.iota {dimensions = array<i32: 0>} : vector<10240x1xi32>
    %lt3A = arith.constant 10000 : i32
    %lt3A_20 = vector.broadcast %lt3A : i32 to vector<10240x1xi32>
    %lt3A_21 = arith.cmpi slt, %iota3A, %lt3A_20 : vector<10240x1xi32>
    %convert_element_type3A = arith.extui %lt3A_21 : vector<10240x1xi1> to vector<10240x1xi32>
    %convert_element_type3A_22 = arith.sitofp %convert_element_type3A : vector<10240x1xi32> to vector<10240x1xf32>
    %mul3A_23 = vector.broadcast %convert_element_type3A_22 : vector<10240x1xf32> to vector<10240x128xf32>
    %mul3A_24 = arith.mulf %add3A_19, %mul3A_23 : vector<10240x128xf32>
    %reduce_sum3A = arith.constant dense<0.000000e+00> : vector<128xf32>
    %reduce_sum3A_25 = vector.multi_reduction <add>, %mul3A_24, %reduce_sum3A [0] : vector<10240x128xf32> to vector<128xf32>
    %broadcast_in_dim3A = vector.shape_cast %reduce_sum3A_25 : vector<128xf32> to vector<1x128xf32>
    %div3A = arith.constant 1.000000e+04 : f32
    %div3A_26 = vector.broadcast %div3A : f32 to vector<1x128xf32>
    %div3A_27 = arith.divf %broadcast_in_dim3A, %div3A_26 : vector<1x128xf32>
    %sub3A = vector.broadcast %div3A_27 : vector<1x128xf32> to vector<10240x128xf32>
    %sub3A_28 = arith.subf %add3A_19, %sub3A : vector<10240x128xf32>
    %mul3A_29 = vector.broadcast %convert_element_type3A_22 : vector<10240x1xf32> to vector<10240x128xf32>
    %mul3A_30 = arith.mulf %sub3A_28, %mul3A_29 : vector<10240x128xf32>
    %mul3A_31 = arith.mulf %mul3A_30, %mul3A_30 : vector<10240x128xf32>
    %reduce_sum3A_32 = arith.constant dense<0.000000e+00> : vector<128xf32>
    %reduce_sum3A_33 = vector.multi_reduction <add>, %mul3A_31, %reduce_sum3A_32 [0] : vector<10240x128xf32> to vector<128xf32>
    %broadcast_in_dim3A_34 = vector.shape_cast %reduce_sum3A_33 : vector<128xf32> to vector<1x128xf32>
    %div3A_35 = arith.constant 1.000000e+04 : f32
    %div3A_36 = vector.broadcast %div3A_35 : f32 to vector<1x128xf32>
    %div3A_37 = arith.divf %broadcast_in_dim3A_34, %div3A_36 : vector<1x128xf32>
    %sub3A_38 = vector.broadcast %div3A_27 : vector<1x128xf32> to vector<10240x128xf32>
    %sub3A_39 = arith.subf %add3A_19, %sub3A_38 : vector<10240x128xf32>
    %add3A_40 = arith.constant 9.99999974E-6 : f32
    %add3A_41 = vector.broadcast %add3A_40 : f32 to vector<1x128xf32>
    %add3A_42 = arith.addf %div3A_37, %add3A_41 : vector<1x128xf32>
    %rsqrt3A_43 = math.rsqrt %add3A_42 : vector<1x128xf32>
    %mul3A_44 = vector.broadcast %rsqrt3A_43 : vector<1x128xf32> to vector<10240x128xf32>
    %mul3A_45 = arith.mulf %sub3A_39, %mul3A_44 : vector<10240x128xf32>
    %get3A_46 = arith.constant 0 : index
    %get3A_47 = arith.constant 0 : index
    %get3A_48 = vector.load %arg4[%get3A_46, %get3A_47] : memref<1x128xf32, #tpu.memory_space<vmem>>, vector<1x128xf32>
    %mul3A_49 = vector.broadcast %get3A_48 : vector<1x128xf32> to vector<10240x128xf32>
    %mul3A_50 = arith.mulf %mul3A_45, %mul3A_49 : vector<10240x128xf32>
    %get3A_51 = arith.constant 0 : index
    %get3A_52 = arith.constant 0 : index
    %get3A_53 = vector.load %arg5[%get3A_51, %get3A_52] : memref<1x128xf32, #tpu.memory_space<vmem>>, vector<1x128xf32>
    %add3A_54 = vector.broadcast %get3A_53 : vector<1x128xf32> to vector<10240x128xf32>
    %add3A_55 = arith.addf %mul3A_50, %add3A_54 : vector<10240x128xf32>
    %max3A = arith.constant 0.000000e+00 : f32
    %max3A_56 = vector.broadcast %max3A : f32 to vector<10240x128xf32>
    %max3A_57 = arith.maximumf %add3A_55, %max3A_56 : vector<10240x128xf32>
    %mul3A_58 = vector.broadcast %convert_element_type3A_22 : vector<10240x1xf32> to vector<10240x128xf32>
    %mul3A_59 = arith.mulf %max3A_57, %mul3A_58 : vector<10240x128xf32>
    %get3A_60 = arith.constant 0 : index
    %get3A_61 = arith.constant 0 : index
    %get3A_62 = vector.load %arg6[%get3A_60, %get3A_61] : memref<128x128xf32, #tpu.memory_space<vmem>>, vector<128x128xf32>
    %dot_general3A = arith.constant dense<0.000000e+00> : vector<10240x128xf32>
    %dot_general3A_63 = tpu.matmul %mul3A_59, %get3A_62, %dot_general3A {dimension_numbers = #tpu.dot_dimension_numbers<[1], [0], [0], [1], [0, 0, 1, 1], [], []>, transpose_lhs_hint = false} : vector<10240x128xf32>, vector<128x128xf32>, vector<10240x128xf32> -> vector<10240x128xf32>
    %mul3A_64 = vector.broadcast %rsqrt3A : vector<10240x1xf32> to vector<10240x128xf32>
    %mul3A_65 = arith.mulf %dot_general3A_63, %mul3A_64 : vector<10240x128xf32>
    %swap3A = arith.constant 0 : index
    %swap3A_66 = arith.constant 0 : index
    %swap3A_67 = vector.load %arg7[%swap3A, %swap3A_66] : memref<10240x128xf32, #tpu.memory_space<vmem>>, vector<10240x128xf32>
    tpu.vector_store %arg7[%swap3A, %swap3A_66], %mul3A_65 {strides = array<i32>} : memref<10240x128xf32, #tpu.memory_space<vmem>>, vector<10240x128xf32>,
    return
  }
}

module attributes {stable_mosaic.version = 14 : i64} {
  func.func @_tc3_body(%arg0: memref<20480x128xf32, #tpu.memory_space<vmem>>, %arg1: memref<10240x128xf32, #tpu.memory_space<vmem>>, %arg2: memref<10240x1xf32, #tpu.memory_space<vmem>>, %arg3: memref<1x128xf32, #tpu.memory_space<vmem>>, %arg4: memref<1x128xf32, #tpu.memory_space<vmem>>, %arg5: memref<1x128xf32, #tpu.memory_space<vmem>>, %arg6: memref<10240x1xi32, #tpu.memory_space<vmem>>, %arg7: memref<128x128xf32, #tpu.memory_space<vmem>>, %arg8: memref<1x128xf32, #tpu.memory_space<vmem>>, %arg9: memref<64x128xf32, #tpu.memory_space<vmem>>) attributes {dimension_semantics = [], scalar_prefetch = 0 : i64, scratch_operands = 0 : i64, tpu.core_type = #tpu.core_type<tc>} {
    %get3A = arith.constant 0 : index
    %get3A_0 = arith.constant 0 : index
    %get3A_1 = vector.load %arg0[%get3A, %get3A_0] : memref<20480x128xf32, #tpu.memory_space<vmem>>, vector<20480x128xf32>
    %reshape3A = vector.shape_cast %get3A_1 : vector<20480x128xf32> to vector<2x10240x128xf32>
    %slice3A = vector.extract_strided_slice %reshape3A {offsets = [0, 0, 0], sizes = [1, 10240, 128], strides = [1, 1, 1]} : vector<2x10240x128xf32> to vector<1x10240x128xf32>
    %squeeze3A = vector.shape_cast %slice3A : vector<1x10240x128xf32> to vector<10240x128xf32>
    %slice3A_2 = vector.extract_strided_slice %reshape3A {offsets = [1, 0, 0], sizes = [1, 10240, 128], strides = [1, 1, 1]} : vector<2x10240x128xf32> to vector<1x10240x128xf32>
    %squeeze3A_3 = vector.shape_cast %slice3A_2 : vector<1x10240x128xf32> to vector<10240x128xf32>
    %add3A = arith.addf %squeeze3A, %squeeze3A_3 : vector<10240x128xf32>
    %get3A_4 = arith.constant 0 : index
    %get3A_5 = arith.constant 0 : index
    %get3A_6 = vector.load %arg1[%get3A_4, %get3A_5] : memref<10240x128xf32, #tpu.memory_space<vmem>>, vector<10240x128xf32>
    %add3A_7 = arith.addf %add3A, %get3A_6 : vector<10240x128xf32>
    %get3A_8 = arith.constant 0 : index
    %get3A_9 = arith.constant 0 : index
    %get3A_10 = vector.load %arg2[%get3A_8, %get3A_9] : memref<10240x1xf32, #tpu.memory_space<vmem>>, vector<10240x1xf32>
    %add3A_11 = arith.constant 1.000000e+00 : f32
    %add3A_12 = vector.broadcast %add3A_11 : f32 to vector<10240x1xf32>
    %add3A_13 = arith.addf %get3A_10, %add3A_12 : vector<10240x1xf32>
    %rsqrt3A = math.rsqrt %add3A_13 : vector<10240x1xf32>
    %mul3A = vector.broadcast %rsqrt3A : vector<10240x1xf32> to vector<10240x128xf32>
    %mul3A_14 = arith.mulf %add3A_7, %mul3A : vector<10240x128xf32>
    %get3A_15 = arith.constant 0 : index
    %get3A_16 = arith.constant 0 : index
    %get3A_17 = vector.load %arg3[%get3A_15, %get3A_16] : memref<1x128xf32, #tpu.memory_space<vmem>>, vector<1x128xf32>
    %add3A_18 = vector.broadcast %get3A_17 : vector<1x128xf32> to vector<10240x128xf32>
    %add3A_19 = arith.addf %mul3A_14, %add3A_18 : vector<10240x128xf32>
    %iota3A = tpu.iota {dimensions = array<i32: 0>} : vector<10240x1xi32>
    %lt3A = arith.constant 10000 : i32
    %lt3A_20 = vector.broadcast %lt3A : i32 to vector<10240x1xi32>
    %lt3A_21 = arith.cmpi slt, %iota3A, %lt3A_20 : vector<10240x1xi32>
    %convert_element_type3A = arith.extui %lt3A_21 : vector<10240x1xi1> to vector<10240x1xi32>
    %convert_element_type3A_22 = arith.sitofp %convert_element_type3A : vector<10240x1xi32> to vector<10240x1xf32>
    %mul3A_23 = vector.broadcast %convert_element_type3A_22 : vector<10240x1xf32> to vector<10240x128xf32>
    %mul3A_24 = arith.mulf %add3A_19, %mul3A_23 : vector<10240x128xf32>
    %reduce_sum3A = arith.constant dense<0.000000e+00> : vector<128xf32>
    %reduce_sum3A_25 = vector.multi_reduction <add>, %mul3A_24, %reduce_sum3A [0] : vector<10240x128xf32> to vector<128xf32>
    %broadcast_in_dim3A = vector.shape_cast %reduce_sum3A_25 : vector<128xf32> to vector<1x128xf32>
    %div3A = arith.constant 1.000000e+04 : f32
    %div3A_26 = vector.broadcast %div3A : f32 to vector<1x128xf32>
    %div3A_27 = arith.divf %broadcast_in_dim3A, %div3A_26 : vector<1x128xf32>
    %sub3A = vector.broadcast %div3A_27 : vector<1x128xf32> to vector<10240x128xf32>
    %sub3A_28 = arith.subf %add3A_19, %sub3A : vector<10240x128xf32>
    %mul3A_29 = vector.broadcast %convert_element_type3A_22 : vector<10240x1xf32> to vector<10240x128xf32>
    %mul3A_30 = arith.mulf %sub3A_28, %mul3A_29 : vector<10240x128xf32>
    %mul3A_31 = arith.mulf %mul3A_30, %mul3A_30 : vector<10240x128xf32>
    %reduce_sum3A_32 = arith.constant dense<0.000000e+00> : vector<128xf32>
    %reduce_sum3A_33 = vector.multi_reduction <add>, %mul3A_31, %reduce_sum3A_32 [0] : vector<10240x128xf32> to vector<128xf32>
    %broadcast_in_dim3A_34 = vector.shape_cast %reduce_sum3A_33 : vector<128xf32> to vector<1x128xf32>
    %div3A_35 = arith.constant 1.000000e+04 : f32
    %div3A_36 = vector.broadcast %div3A_35 : f32 to vector<1x128xf32>
    %div3A_37 = arith.divf %broadcast_in_dim3A_34, %div3A_36 : vector<1x128xf32>
    %sub3A_38 = vector.broadcast %div3A_27 : vector<1x128xf32> to vector<10240x128xf32>
    %sub3A_39 = arith.subf %add3A_19, %sub3A_38 : vector<10240x128xf32>
    %add3A_40 = arith.constant 9.99999974E-6 : f32
    %add3A_41 = vector.broadcast %add3A_40 : f32 to vector<1x128xf32>
    %add3A_42 = arith.addf %div3A_37, %add3A_41 : vector<1x128xf32>
    %rsqrt3A_43 = math.rsqrt %add3A_42 : vector<1x128xf32>
    %mul3A_44 = vector.broadcast %rsqrt3A_43 : vector<1x128xf32> to vector<10240x128xf32>
    %mul3A_45 = arith.mulf %sub3A_39, %mul3A_44 : vector<10240x128xf32>
    %get3A_46 = arith.constant 0 : index
    %get3A_47 = arith.constant 0 : index
    %get3A_48 = vector.load %arg4[%get3A_46, %get3A_47] : memref<1x128xf32, #tpu.memory_space<vmem>>, vector<1x128xf32>
    %mul3A_49 = vector.broadcast %get3A_48 : vector<1x128xf32> to vector<10240x128xf32>
    %mul3A_50 = arith.mulf %mul3A_45, %mul3A_49 : vector<10240x128xf32>
    %get3A_51 = arith.constant 0 : index
    %get3A_52 = arith.constant 0 : index
    %get3A_53 = vector.load %arg5[%get3A_51, %get3A_52] : memref<1x128xf32, #tpu.memory_space<vmem>>, vector<1x128xf32>
    %add3A_54 = vector.broadcast %get3A_53 : vector<1x128xf32> to vector<10240x128xf32>
    %add3A_55 = arith.addf %mul3A_50, %add3A_54 : vector<10240x128xf32>
    %max3A = arith.constant 0.000000e+00 : f32
    %max3A_56 = vector.broadcast %max3A : f32 to vector<10240x128xf32>
    %max3A_57 = arith.maximumf %add3A_55, %max3A_56 : vector<10240x128xf32>
    %iota3A_58 = tpu.iota {dimensions = array<i32: 1>} : vector<10240x64xi32>
    %get3A_59 = arith.constant 0 : index
    %get3A_60 = arith.constant 0 : index
    %get3A_61 = vector.load %arg6[%get3A_59, %get3A_60] : memref<10240x1xi32, #tpu.memory_space<vmem>>, vector<10240x1xi32>
    %eq3A = vector.broadcast %get3A_61 : vector<10240x1xi32> to vector<10240x64xi32>
    %eq3A_62 = arith.cmpi eq, %eq3A, %iota3A_58 : vector<10240x64xi32>
    %convert_element_type3A_63 = arith.extui %eq3A_62 : vector<10240x64xi1> to vector<10240x64xi32>
    %convert_element_type3A_64 = arith.sitofp %convert_element_type3A_63 : vector<10240x64xi32> to vector<10240x64xf32>
    %dot_general3A = arith.constant dense<0.000000e+00> : vector<64x128xf32>
    %dot_general3A_65 = tpu.matmul %convert_element_type3A_64, %max3A_57, %dot_general3A {dimension_numbers = #tpu.dot_dimension_numbers<[0], [0], [1], [1], [0, 1, 1, 1], [], []>, transpose_lhs_hint = false} : vector<10240x64xf32>, vector<10240x128xf32>, vector<64x128xf32> -> vector<64x128xf32>
    %broadcast_in_dim3A_66 = arith.constant 1.000000e+00 : f32
    %broadcast_in_dim3A_67 = vector.broadcast %broadcast_in_dim3A_66 : f32 to vector<10240x1xf32>
    %dot_general3A_68 = arith.constant dense<0.000000e+00> : vector<64x1xf32>
    %dot_general3A_69 = tpu.matmul %convert_element_type3A_64, %broadcast_in_dim3A_67, %dot_general3A_68 {dimension_numbers = #tpu.dot_dimension_numbers<[0], [0], [1], [1], [0, 1, 1, 1], [], []>, transpose_lhs_hint = false} : vector<10240x64xf32>, vector<10240x1xf32>, vector<64x1xf32> -> vector<64x1xf32>
    %max3A_70 = arith.constant 1.000000e+00 : f32
    %max3A_71 = vector.broadcast %max3A_70 : f32 to vector<64x1xf32>
    %max3A_72 = arith.maximumf %dot_general3A_69, %max3A_71 : vector<64x1xf32>
    %div3A_73 = vector.broadcast %max3A_72 : vector<64x1xf32> to vector<64x128xf32>
    %div3A_74 = arith.divf %dot_general3A_65, %div3A_73 : vector<64x128xf32>
    %get3A_75 = arith.constant 0 : index
    %get3A_76 = arith.constant 0 : index
    %get3A_77 = vector.load %arg7[%get3A_75, %get3A_76] : memref<128x128xf32, #tpu.memory_space<vmem>>, vector<128x128xf32>
    %dot_general3A_78 = arith.constant dense<0.000000e+00> : vector<64x128xf32>
    %dot_general3A_79 = tpu.matmul %div3A_74, %get3A_77, %dot_general3A_78 {dimension_numbers = #tpu.dot_dimension_numbers<[1], [0], [0], [1], [0, 0, 1, 1], [], []>, transpose_lhs_hint = false} : vector<64x128xf32>, vector<128x128xf32>, vector<64x128xf32> -> vector<64x128xf32>
    %get3A_80 = arith.constant 0 : index
    %get3A_81 = arith.constant 0 : index
    %get3A_82 = vector.load %arg8[%get3A_80, %get3A_81] : memref<1x128xf32, #tpu.memory_space<vmem>>, vector<1x128xf32>
    %add3A_83 = vector.broadcast %get3A_82 : vector<1x128xf32> to vector<64x128xf32>
    %add3A_84 = arith.addf %dot_general3A_79, %add3A_83 : vector<64x128xf32>
    %swap3A = arith.constant 0 : index
    %swap3A_85 = arith.constant 0 : index
    %swap3A_86 = vector.load %arg9[%swap3A, %swap3A_85] : memref<64x128xf32, #tpu.memory_space<vmem>>, vector<64x128xf32>
    tpu.vector_store %arg9[%swap3A, %swap3A_85], %add3A_84 {strides = array<i32>} : memref<64x128xf32, #tpu.memory_space<vmem>>, vector<64x128xf32>,
    return
  }
}

</mosaic_0001>

<sc_bundles>
// kernel: kernel.11.cloned.1.call-start
scs
__scs_entry_jumppad:
0x0: {  	(pc) =	sbr.rel $0x88, $3  }
0x1: {  	(tag) =	ssettag $0x0;
	lr =	simm.s32 $0x1  }
0x2: {  	[smem:$0x3F93] =	sst lr;
	_ =	strace $0xD0000000  }
0x3: {  	_ = 	snop  }
0x4: {  	_ = 	snop  }
0x5: {  	_ = 	snop  }
0x6: {  	_ = 	snop  }
0x7: {  	_ = 	snop  }
__scs_overlays_trampoline_lowered:
0x8: {  	[smem:$0x3FA2] =	sst s0  }
0x9: {  	[smem:$0x3FA3] =	sst s1  }
0xa: {  	[smem:$0x3FA4] =	sst s2  }
0xb: {  	[smem:$0x3FA5] =	sst s3  }
0xc: {  	[smem:$0x3FA6] =	sst s4  }
0xd: {  	[smem:$0x3FA7] =	sst s5  }
0xe: {  	[smem:$0x3FA8] =	sst s6  }
0xf: {  	[smem:$0x3FA9] =	sst s7  }
0x10: {  	[smem:$0x3FAA] =	sst s8  }
0x11: {  	[smem:$0x3FAB] =	sst s9;
	s0 =	simm.s32 @!p0 $0x0  }
0x12: {  	s1 =	sld [smem:$0x3F91];
	s0 =	simm.s32 @p0 $0x1  }
0x13: {  	[smem:$0x3FAC] =	sst s0;
	s0 =	simm.s32 @!p1 $0x0  }
0x14: {  	s2 =	sld [smem:$0x3F90];
	s0 =	simm.s32 @p1 $0x1  }
0x15: {  	[smem:$0x3FAD] =	sst s0;
	s0 =	simm.s32 @!p2 $0x0  }
0x16: {  	s3 =	sld [smem:$0x3FDB];
	s0 =	simm.s32 @p2 $0x1  }
0x17: {  	s4 =	simm.s32 $0x1BF5;
	[smem:$0x3FAF] =	sst s0  }
0x18: {  	s0 =	sld [smem:$0x3F92];
	_ =	swait.ge [sflag:s4], $0x0  }
0x19: {  	s7 =	sld [smem:$0x3F93]  }
0x1a: {  	s8 =	sadd.s32 $0xFFFFE003, lr  }
0x1b: {  	s9 =	sadd.s32 $0xFFFFFEF7, lr;
	s5 =	simm.s32 $0xFFFFFFFF;
	p2 =	slt.u32 s8, $0xFFFFF086  }
0x1c: {  	p1 =	slt.u32 s9, $0xF7A;
	s5 =	simm.s32 @!p2 $0x0  }
0x1d: {  	s5 =	simm.s32 @p1 $0x1;
	p0 =	seq.s32 s7, s2  }
0x1e: {  	s7 =	smul.u32 @!p0 $0xF7A, s2;
	p2 =	seq.s32 @!p0 s5, $0x0  }
0x1f: {  	s9 =	smul.u32 $0xF7A, s1;
	s8 =	simm.s32 @!p0 $0x1BF5;
	p2 =	por !p2, p0  }
0x20: {  	[sflag:s8] =	ssyncset.s32 @!p0 $0xFFFFF086;
	s6 =	sadd.s32 @!p0 s3, s7;
	s7 =	simm.s32 @!p0 $0x108  }
0x21: {  	s3 =	sadd.s32 s3, s9;
	s6 =	sadd.s32 @!p0 $0x88, s6;
	s7 =	simm.s32 @p2 $0x1082  }
0x22: {  	[simem:s7], [sflag:s8] =	dma.local @!p0 [hbm:s6], $0xF7A  }
0x23: {  	s9 =	sor.u32 $0xD0000000, s2;
	s6 =	simm.s32 $0x108;
	_ =	swait.ge @!p0 [sflag:s8], $0x0  }
0x24: {  	s3 =	sadd.s32 $0x88, s3;
	s6 =	simm.s32 @!p1 $0x1082;
	[sflag:s4] =	ssyncset.s32 $0xFFFFF086  }
0x25: {  	[simem:s6], [sflag:s4] =	dma.local [hbm:s3], $0xF7A  }
0x26: {  	[smem:$0x3F93] =	sst s1;
	(tag) =	ssettag s2;
	_ =	strace s9  }
0x27: {  	s1 =	sld [smem:$0x3FA3]  }
0x28: {  	s2 =	sld [smem:$0x3FA4]  }
0x29: {  	s4 =	sld [smem:$0x3FA6]  }
0x2a: {  	p0 =	seq.s32 s5, $0x0;
	s5 =	sld [smem:$0x3FA7]  }
0x2b: {  	s6 =	sld [smem:$0x3FA8]  }
0x2c: {  	s7 =	sld [smem:$0x3FA9]  }
0x2d: {  	s3 =	simm.s32 $0x108;
	s8 =	sld [smem:$0x3FAA]  }
0x2e: {  	s3 =	simm.s32 @!p0 $0x1082;
	s9 =	sld [smem:$0x3FAB]  }
0x2f: {  	lr =	sadd.s32 s0, s3;
	s0 =	sld [smem:$0x3FA2]  }
0x30: {  	s3 =	sld [smem:$0x3FA5]  }
0x31: {  	[smem:$0x3FAE] =	sst s10  }
0x32: {  	s10 =	sld [smem:$0x3FAC];
	_ =	sdelay $0x3  }
0x33: {  	p0 =	seq.s32 s10, $0x1;
	s10 =	sld [smem:$0x3FAE];
	_ =	sdelay $0x3  }
0x34: {  	[smem:$0x3FAE] =	sst s10  }
0x35: {  	s10 =	sld [smem:$0x3FAD];
	_ =	sdelay $0x3  }
0x36: {  	p1 =	seq.s32 s10, $0x1;
	s10 =	sld [smem:$0x3FAE];
	_ =	sdelay $0x3  }
0x37: {  	[smem:$0x3FAE] =	sst s10  }
0x38: {  	s10 =	sld [smem:$0x3FAF]  }
0x39: {  	_ = 	snop;
	(pc) =	sbr.ind lr, $3  }
0x3a: {  	_ = 	snop  }
0x3b: {  	_ = 	snop  }
0x3c: {  	p2 =	seq.s32 s10, $0x1;
	s10 =	sld [smem:$0x3FAE]  }
0x3d: {  	_ =	shalt  }
0x3e: {  	_ =	shalt  }
0x3f: {  	_ =	shalt  }
0x40: {  	_ =	shalt  }
0x41: {  	_ =	shalt  }
0x42: {  	_ =	shalt  }
0x43: {  	_ =	shalt  }
0x44: {  	_ =	shalt  }
0x45: {  	_ =	shalt  }
0x46: {  	_ =	shalt  }
0x47: {  	_ =	shalt  }
0x48: {  	_ =	shalt  }
0x49: {  	_ =	shalt  }
0x4a: {  	_ =	shalt  }
0x4b: {  	_ =	shalt  }
0x4c: {  	_ =	shalt  }
0x4d: {  	_ =	shalt  }
0x4e: {  	_ =	shalt  }
0x4f: {  	_ =	shalt  }
0x50: {  	_ =	shalt  }
0x51: {  	_ =	shalt  }
0x52: {  	_ =	shalt  }
0x53: {  	_ =	shalt  }
0x54: {  	_ =	shalt  }
0x55: {  	_ =	shalt  }
0x56: {  	_ =	shalt  }
0x57: {  	_ =	shalt  }
0x58: {  	_ =	shalt  }
0x59: {  	_ =	shalt  }
0x5a: {  	_ =	shalt  }
0x5b: {  	_ =	shalt  }
0x5c: {  	_ =	shalt  }
0x5d: {  	_ =	shalt  }
0x5e: {  	_ =	shalt  }
0x5f: {  	_ =	shalt  }
0x60: {  	_ =	shalt  }
0x61: {  	_ =	shalt  }
0x62: {  	_ =	shalt  }
0x63: {  	_ =	shalt  }
0x64: {  	_ =	shalt  }
0x65: {  	_ =	shalt  }
0x66: {  	_ =	shalt  }
0x67: {  	_ =	shalt  }
0x68: {  	_ =	shalt  }
0x69: {  	_ =	shalt  }
0x6a: {  	_ =	shalt  }
0x6b: {  	_ =	shalt  }
0x6c: {  	_ =	shalt  }
0x6d: {  	_ =	shalt  }
0x6e: {  	_ =	shalt  }
0x6f: {  	_ =	shalt  }
0x70: {  	_ =	shalt  }
0x71: {  	_ =	shalt  }
0x72: {  	_ =	shalt  }
0x73: {  	_ =	shalt  }
0x74: {  	_ =	shalt  }
0x75: {  	_ =	shalt  }
0x76: {  	_ =	shalt  }
0x77: {  	_ =	shalt  }
0x78: {  	_ =	shalt  }
0x79: {  	_ =	shalt  }
0x7a: {  	_ =	shalt  }
0x7b: {  	_ =	shalt  }
0x7c: {  	_ =	shalt  }
0x7d: {  	_ =	shalt  }
0x7e: {  	_ =	shalt  }
0x7f: {  	_ =	shalt  }
0x80: {  	_ =	shalt  }
0x81: {  	_ =	shalt  }
0x82: {  	_ =	shalt  }
0x83: {  	_ =	shalt  }
0x84: {  	_ =	shalt  }
0x85: {  	_ =	shalt  }
0x86: {  	_ =	shalt  }
0x87: {  	_ =	shalt  }
.Lfunc_end0:
.L_simem_size_0:
called_computation.1_lowered:
.L_overlay_start_0:
0x88: {  	s2 =	sld [smem:$0x3FD9]  }
0x89: {  	s3 =	sld [smem:$0x3FFE];
	_ =	sdelay $0x1  }
0x8a: {  	s1 =	srdreg.scid  }
0x8b: {  	s0 =	sand.u32 $0x1, s1  }
0x8c: {  	s16 =	sshll.u32 s0, $0xA;
	s2 =	sadd.s32 s3, s2  }
0x8d: {  	s2 =	sadd.s32 s2, s16  }
0x8e: {  	[smem:$0x3FBA] =	sst s2  }
0x8f: {  	_ = 	snop  }
0x90: {  	(tm) =	ssettm $0x1  }
0x91: {  	s17 =	sld [smem:$0x3FFB];
	_ =	sdelay $0x3  }
0x92: {  	_ =	strace s17  }
0x93: {  	s2 =	sld [smem:$0x3FFC];
	_ =	sdelay $0x3  }
0x94: {  	_ =	strace s2  }
0x95: {  	s2 =	sld [smem:$0x3FFD];
	_ =	sdelay $0x3  }
0x96: {  	_ =	strace s2  }
0x97: {  	_ =	strace $0x8FFFFFFF  }
0x98: {  	s18 =	sld [smem:$0x3FDB];
	_ =	sdelay $0x1  }
0x99: {  	s19 =	simm.s32 $_scs_section_size  }
0x9a: {  	s4 =	simm.s32 $_size__tile_overlayer_lowered;
	s5 =	simm.s32 $_tile_overlayer_lowered  }
0x9b: {  	s22 =	simm.s32 $0x1BFF;
	s21 =	sshll.u32 s5, $0x1;
	s2 =	sadd.s32 s19, s18  }
0x9c: {  	s6 =	simm.s32 $0x0;
	s20 =	sshll.u32 s4, $0x1;
	s4 =	sadd.s32 s21, s2  }
0x9d: {  	[timem:s6], [sflag:s22] =	dma.local [hbm:s4], s20  }
0x9e: {  	_ =	swait.ge [sflag:s22], s20  }
0x9f: {  	s3 =	ssub.s32 $0x0, s20;
	[sflag:s22] =	ssyncset.done $0x0  }
0xa0: {  	[sflag:s22] =	ssyncadd.s32 s3;
	_ =	sdelay $0x1  }
0xa1: {  	s23 =	simm.s32 $0x1B8B  }
0xa2: {  	_ =	swait.ge [sflag:s23], $0x1  }
0xa3: {  	[sflag:s23] =	ssyncset.done $0x0  }
0xa4: {  	s25 =	simm.s32 $0x1B8E;
	s24 =	sld [smem:$0x3FFE];
	[sflag:s23] =	ssyncadd.s32 $0xFFFFFFFF  }
0xa5: {  	s26 =	simm.s32 $execute0_lowered;
	[smem:$0x3FD2] =	sst s25  }
0xa6: {  	s4 =	sshll.u32 s26, $0x1;
	_ =	strace $0x80000049;
	[dreg:$0x1] =	wrdreg $0xFFFFFFFF  }
0xa7: {  	s28 =	simm.s32 $_size_execute0_lowered;
	s2 =	sadd.s32 s2, s4;
	[dreg:$0x0] =	wrdreg $0x0  }
0xa8: {  	s4 =	sshll.u32 s28, $0x1;
	[dreg:$0x2] =	wrdreg s2  }
0xa9: {  	[dreg:$0x3] =	wrdreg s4  }
0xaa: {  	[dreg:$0x4] =	wrdreg $0xC0  }
0xab: {  	_ =	task [dreg:s6], $0x5FFFF  }
0xac: {  	[dreg:$0x1] =	wrdreg $0xFFFFFFFF  }
0xad: {  	[dreg:$0x0] =	wrdreg $0x60  }
0xae: {  	[dreg:$0x2] =	wrdreg s24  }
0xaf: {  	[dreg:$0x3] =	wrdreg $0x0  }
0xb0: {  	[dreg:$0x4] =	wrdreg $0x9  }
0xb1: {  	_ =	task.clear_ibuf [dreg:s6], $0x5FFFF;
	_ =	strace $0x90000049  }
0xb2: {  	s29 =	simm.s32 $0x9;
	_ =	strace $0x8000004B  }
0xb3: {  	_ =	swait.ge [sflag:s29], $0x1  }
0xb4: {  	[sflag:s29] =	ssyncadd.s32 $0xFFFFFFFF  }
0xb5: {  	_ =	strace $0x9000004B  }
0xb6: {  	_ =	sfence  }
0xb7: {  	s30 =	sld [smem:$0x0];
	_ =	sdelay $0x2  }
0xb8: {  	s31 =	sshll.u32 s1, $0xD;
	s1 =	sshrl.u32 s1, $0x2  }
0xb9: {  	s3 =	sand.u32 $0x4000, s31;
	s1 =	sadd.s32 s1, s30  }
0xba: {  	s0 =	sor.u32 s3, s0;
	s1 =	sshll.u32 s1, $0x11  }
0xbb: {  	s0 =	sor.u32 s1, s0  }
0xbc: {  	s0 =	sadd.s32 $0x8F2B, s0  }
0xbd: {  	[sflag:s0] =	ssyncadd.remote.s32 $0x1  }
0xbe: {  	_ =	sfence.sel $0xFFFF  }
0xbf: {  	[dreg:$0x0] =	wrdreg $0xFFFFFFFF;
	(pc) =	sbr.abs _section_cstart, $3  }
0xc0: {  	[dreg:$0x1] =	wrdreg $0xFFFFFFFF  }
0xc1: {  	_ =	task.clear_ibuf [dreg:s6], $0x2FFFF;
	_ =	strace $0x9FFFFFFF  }
0xc2: {  	(tm) =	ssettm $0x7FFFFFFF  }
0xc3: {  	_ =	shalt  }
tec
execute0_lowered:
.L_overlay_start_1:
0x0: {  	(tag) =	ssettag $0x1  }
0x1: {  	s0 =	rddreg [dreg:$0x0]  }
0x2: {  	s2 =	rddreg [dreg:$0x1]  }
0x3: {  	s1 =	srdreg.scid;
	s9 =	stileid.u32;
	s18 =	simm.s32 $0x0  }
0x4: {  	s28 =	simm.s32 $0x15400;
	s29 =	simm.s32 $0x40;
	s31 =	simm.s32 $0x18800  }
0x5: {  	s10 =	simm.s32 $0x1;
	s11 =	simm.s32 $0x2;
	s12 =	simm.s32 $0x15480  }
0x6: {  	s13 =	simm.s32 $0x3;
	s1 =	sand.u32 $0x1, s1;
	s3 =	smul.u32 $0x2800, s9  }
0x7: {  	[smem:$0x7FF] =	sst s18;
	s4 =	sadd.s32 $0x3A00, s0;
	s8 =	smul.u32 $0x50000, s9  }
0x8: {  	s5 =	sadd.s32 $0x59A00, s0;
	s6 =	sadd.s32 $0x45A00, s0;
	s7 =	smul.u32 $0x28000, s1  }
0x9: {  	_ =	strace $0x8000004A;
	s14 =	ssub.s32 $0x2, s1;
	s15 =	sshrl.u32 s8, $0x2  }
0xa: {  	s1 =	sshll.u32 s1, $0x4;
	s16 =	sshrl.u32 s14, $0x1;
	s19 =	sadd.s32 s15, s2  }
0xb: {  	s3 =	sadd.s32 s3, s7;
	s7 =	sadd.s32 $0x2000, s19;
	[dreg:$0x4] =	wrdreg s19  }
0xc: {  	s1 =	sor.u32 s9, s1;
	s17 =	sadd.s32 $0x4000, s19;
	[dreg:$0x5] =	wrdreg s7  }
0xd: {  	s8 =	simm.s32 $0x14180;
	s20 =	sadd.s32 $0x6000, s19;
	[dreg:$0x6] =	wrdreg s17  }
0xe: {  	s9 =	simm.s32 $0x1C800;
	s21 =	sadd.s32 $0x8000, s19;
	[dreg:$0x7] =	wrdreg s20  }
0xf: {  	s15 =	simm.s32 $0x4;
	s22 =	sadd.s32 $0xA000, s19;
	[dreg:$0x8] =	wrdreg s21  }
0x10: {  	s0 =	sadd.s32 s3, s0;
	s23 =	sadd.s32 $0xC000, s19;
	[dreg:$0x9] =	wrdreg s22  }
0x11: {  	s3 =	ssub.s32 s14, s16;
	s24 =	sadd.s32 $0xE000, s19;
	[dreg:$0xa] =	wrdreg s23  }
0x12: {  	s25 =	sadd.s32 $0x10000, s19;
	s26 =	sadd.s32 $0x12000, s19;
	[dreg:$0xb] =	wrdreg s24  }
0x13: {  	s14 =	simm.s32 $0x15500;
	s16 =	simm.s32 $0x15580;
	[dreg:$0xc] =	wrdreg s25  }
0x14: {  	[dreg:$0xd] =	wrdreg s26;
	s17 =	smul.u32 $0x5000, s1;
	s0 =	sadd.s32 $0x6DA00, s0  }
0x15: {  	s30 =	smax.u32 s3, $0x1;
	s20 =	simm.s32 $0x16800;
	s21 =	simm.s32 $0x5  }
0x16: {  	s22 =	simm.s32 $0x6;
	s23 =	simm.s32 $0x7;
	s24 =	simm.s32 $0x8  }
0x17: {  	s25 =	simm.s32 $0x14000;
	s26 =	simm.s32 $0x9;
	[dreg:$0xe] =	wrdreg s0  }
0x18: {  	v0 =	vimm.f32 $0.0e+00;
	s1 =	simm.s32 $0x1A800;
	[dreg:$0xf] =	wrdreg s30;
	s0 =	simm.s32 $0x14100  }
.LBB2_1:
0x19: {  	[dreg:$0x3] =	wrdreg s18;
	s3 =	simm.s32 $0x0;
	s7 =	simm.s32 $0x200  }
.LBB2_2:
0x1a: {  	p0 =	sne.s32 s7, $0x7E00;
	[tilespmem:s3+$0x16870] =	vst v0  }
0x1b: {  	[tilespmem:s3+$0x16800] =	vst v0  }
0x1c: {  	[tilespmem:s3+$0x16810] =	vst v0  }
.Ltmp0:
0x1d: {  	[tilespmem:s3+$0x16820] =	vst v0;
	(pc) =	sbr.rel @p0 .LBB2_2-.Ltmp0, $4  }
0x1e: {  	[tilespmem:s3+$0x16830] =	vst v0  }
0x1f: {  	[tilespmem:s3+$0x16840] =	vst v0  }
0x20: {  	[tilespmem:s3+$0x16850] =	vst v0  }
0x21: {  	[tilespmem:s3+$0x16860] =	vst v0;
	s3 =	sshra.s32 s7, $0x2;
	s7 =	sadd.s32 $0x200, s7  }
0x22: {  	[tilespmem:s3+$0x16870] =	vst v0  }
0x23: {  	[tilespmem:s3+$0x16800] =	vst v0  }
0x24: {  	[tilespmem:s3+$0x16810] =	vst v0  }
0x25: {  	[tilespmem:s3+$0x16820] =	vst v0  }
0x26: {  	[tilespmem:s3+$0x16830] =	vst v0  }
0x27: {  	[tilespmem:s3+$0x16840] =	vst v0  }
0x28: {  	[tilespmem:s3+$0x16850] =	vst v0  }
0x29: {  	[tilespmem:s3+$0x16860] =	vst v0  }
0x2a: {  	[spmem:s19] =	stream.linear.scatter [tilespmem:s20], [sflag:$0x5], $0x2000, $0x38;
	[tilespmem:$0x1E800] =	vst v63  }
0x2b: {  	s30 =	rddreg [dreg:$0x5]  }
0x2c: {  	[spmem:s30] =	stream.linear.scatter [tilespmem:s20], [sflag:$0x6], $0x2000, $0x38;
	[tilespmem:$0x1E800] =	vst v63  }
0x2d: {  	s7 =	rddreg [dreg:$0x6]  }
0x2e: {  	[spmem:s7] =	stream.linear.scatter [tilespmem:s20], [sflag:$0x7], $0x2000, $0x38;
	[tilespmem:$0x1E800] =	vst v63  }
0x2f: {  	s18 =	rddreg [dreg:$0x7]  }
0x30: {  	[spmem:s18] =	stream.linear.scatter [tilespmem:s20], [sflag:$0x8], $0x2000, $0x38;
	[tilespmem:$0x1E800] =	vst v63  }
0x31: {  	s19 =	rddreg [dreg:$0x8]  }
0x32: {  	[spmem:s19] =	stream.linear.scatter [tilespmem:s20], [sflag:$0x5], $0x2000, $0x38;
	[tilespmem:$0x1E800] =	vst v63  }
0x33: {  	s30 =	rddreg [dreg:$0x9]  }
0x34: {  	[spmem:s30] =	stream.linear.scatter [tilespmem:s20], [sflag:$0x6], $0x2000, $0x38;
	[tilespmem:$0x1E800] =	vst v63  }
0x35: {  	s7 =	rddreg [dreg:$0xa]  }
0x36: {  	[spmem:s7] =	stream.linear.scatter [tilespmem:s20], [sflag:$0x7], $0x2000, $0x38;
	[tilespmem:$0x1E800] =	vst v63  }
0x37: {  	s18 =	rddreg [dreg:$0xb]  }
0x38: {  	[spmem:s18] =	stream.linear.scatter [tilespmem:s20], [sflag:$0x8], $0x2000, $0x38;
	[tilespmem:$0x1E800] =	vst v63  }
0x39: {  	s19 =	rddreg [dreg:$0xc]  }
0x3a: {  	[spmem:s19] =	stream.linear.scatter [tilespmem:s20], [sflag:$0x5], $0x2000, $0x38;
	[tilespmem:$0x1E800] =	vst v63  }
0x3b: {  	s30 =	rddreg [dreg:$0xd]  }
0x3c: {  	[spmem:s30] =	stream.linear.scatter [tilespmem:s20], [sflag:$0x6], $0x2000, $0x38;
	[tilespmem:$0x1E800] =	vst v63  }
0x3d: {  	_ =	swait.ge [sflag:s21], $0x2000  }
0x3e: {  	[sflag:s21] =	ssyncset.done $0x0  }
0x3f: {  	[sflag:s21] =	ssyncadd.s32 $0xFFFFE000  }
0x40: {  	_ =	swait.ge [sflag:s22], $0x2000  }
0x41: {  	[sflag:s22] =	ssyncset.done $0x0  }
0x42: {  	[sflag:s22] =	ssyncadd.s32 $0xFFFFE000  }
0x43: {  	_ =	swait.ge [sflag:s23], $0x2000  }
0x44: {  	[sflag:s23] =	ssyncset.done $0x0  }
0x45: {  	[sflag:s23] =	ssyncadd.s32 $0xFFFFE000  }
0x46: {  	_ =	swait.ge [sflag:s24], $0x2000  }
0x47: {  	[sflag:s24] =	ssyncset.done $0x0  }
0x48: {  	[sflag:s24] =	ssyncadd.s32 $0xFFFFE000  }
0x49: {  	_ =	swait.ge [sflag:s21], $0x2000  }
0x4a: {  	[sflag:s21] =	ssyncset.done $0x0  }
0x4b: {  	[sflag:s21] =	ssyncadd.s32 $0xFFFFE000  }
0x4c: {  	_ =	swait.ge [sflag:s22], $0x2000  }
0x4d: {  	[sflag:s22] =	ssyncset.done $0x0  }
0x4e: {  	[sflag:s22] =	ssyncadd.s32 $0xFFFFE000  }
0x4f: {  	_ =	swait.ge [sflag:s23], $0x2000  }
0x50: {  	[sflag:s23] =	ssyncset.done $0x0  }
0x51: {  	[sflag:s23] =	ssyncadd.s32 $0xFFFFE000  }
0x52: {  	_ =	swait.ge [sflag:s24], $0x2000  }
0x53: {  	[sflag:s24] =	ssyncset.done $0x0  }
0x54: {  	[sflag:s24] =	ssyncadd.s32 $0xFFFFE000  }
0x55: {  	_ =	swait.ge [sflag:s21], $0x2000  }
0x56: {  	[sflag:s21] =	ssyncset.done $0x0  }
0x57: {  	[sflag:s21] =	ssyncadd.s32 $0xFFFFE000  }
0x58: {  	_ =	swait.ge [sflag:s22], $0x2000  }
0x59: {  	[sflag:s22] =	ssyncset.done $0x0  }
0x5a: {  	[sflag:s22] =	ssyncadd.s32 $0xFFFFE000  }
0x5b: {  	s18 =	simm.s32 $0x0;
	s19 =	simm.s32 $0x0;
	[bflag:$0x0] =	sbarrier.arrive $0xFFFF  }
.LBB2_4:
0x5c: {  	p0 =	seq.s32 s19, $0x0  }
0x5d: {  	s3 =	simm.s32 @!p0 $0x5  }
0x5e: {  	_ =	swait.ge @!p0 [sflag:s3], $0x2000  }
0x5f: {  	[sflag:s3] =	ssyncset.done @!p0 $0x0  }
0x60: {  	[sflag:s3] =	ssyncadd.s32 @!p0 $0xFFFFE000;
	s3 =	simm.s32 @!p0 $0x6  }
0x61: {  	_ =	swait.ge @!p0 [sflag:s3], $0x2000  }
0x62: {  	[sflag:s3] =	ssyncset.done @!p0 $0x0  }
0x63: {  	[sflag:s3] =	ssyncadd.s32 @!p0 $0xFFFFE000;
	s3 =	simm.s32 @!p0 $0x7  }
0x64: {  	_ =	swait.ge @!p0 [sflag:s3], $0x2000  }
0x65: {  	s7 =	smul.u32 $0x1400, s19;
	[sflag:s3] =	ssyncset.done @!p0 $0x0  }
0x66: {  	[sflag:s3] =	ssyncadd.s32 @!p0 $0xFFFFE000;
	s3 =	simm.s32 @!p0 $0x8  }
0x67: {  	s7 =	sadd.s32 s17, s7;
	_ =	swait.ge @!p0 [sflag:s3], $0x2000  }
0x68: {  	s7 =	sshrl.u32 s7, $0x3;
	[sflag:s3] =	ssyncset.done @!p0 $0x0  }
0x69: {  	s30 =	sadd.s32 s5, s7;
	[sflag:s3] =	ssyncadd.s32 @!p0 $0xFFFFE000  }
0x6a: {  	[tilespmem:s25], [sflag:$0x9] =	stream.linear.gather [hbm4b:s30+s18], $0x1400, $0x38;
	[tilespmem:$0x1E800] =	vst v63  }
0x6b: {  	_ =	swait.ge [sflag:s26], $0x1400  }
0x6c: {  	[sflag:s26] =	ssyncset.done $0x0  }
0x6d: {  	s30 =	sadd.s32 s6, s7;
	[sflag:s26] =	ssyncadd.s32 $0xFFFFEC00  }
0x6e: {  	[tilespmem:s28], [sflag:$0x9] =	stream.linear.gather [hbm4b:s30+s18], $0x1400, $0x38;
	[tilespmem:$0x1E800] =	vst v63  }
0x6f: {  	_ =	swait.ge [sflag:s26], $0x1400  }
0x70: {  	[sflag:s26] =	ssyncset.done $0x0  }
0x71: {  	[sflag:s26] =	ssyncadd.s32 $0xFFFFEC00  }
0x72: {  	[tilespmem:s20], [sflag:$0x1] =	stream.indirect.gather [hbm4b:s4+s29], $0x80, s25, s29, $0xb8;
	[tilespmem:$0x1E800] =	vst v63  }
0x73: {  	s7 =	simm.s32 $0x14080  }
0x74: {  	[tilespmem:s31], [sflag:$0x2] =	stream.indirect.gather [hbm4b:s4+s29], $0x80, s7, s29, $0xb8;
	[tilespmem:$0x1E800] =	vst v63  }
0x75: {  	_ = 	snop  }
0x76: {  	[tilespmem:s1], [sflag:$0x3] =	stream.indirect.gather [hbm4b:s4+s29], $0x80, s0, s29, $0xb8;
	[tilespmem:$0x1E800] =	vst v63  }
0x77: {  	_ = 	snop  }
0x78: {  	[tilespmem:s9], [sflag:$0x4] =	stream.indirect.gather [hbm4b:s4+s29], $0x80, s8, s29, $0xb8;
	[tilespmem:$0x1E800] =	vst v63  }
0x79: {  	_ =	swait.ge [sflag:s10], $0x2000  }
0x7a: {  	[sflag:s10] =	ssyncset.done $0x0  }
0x7b: {  	[sflag:s10] =	ssyncadd.s32 $0xFFFFE000  }
0x7c: {  	[spmem:s2] =	stream.indirect.scatter.add.f32 [tilespmem:s20], [sflag:$0x5], $0x80, s28, s29, $0xb8;
	[tilespmem:$0x1E800] =	vst v63  }
0x7d: {  	_ =	swait.ge [sflag:s11], $0x2000  }
0x7e: {  	[sflag:s11] =	ssyncset.done $0x0  }
0x7f: {  	[sflag:s11] =	ssyncadd.s32 $0xFFFFE000  }
0x80: {  	[spmem:s2] =	stream.indirect.scatter.add.f32 [tilespmem:s31], [sflag:$0x6], $0x80, s12, s29, $0xb8;
	[tilespmem:$0x1E800] =	vst v63  }
0x81: {  	_ =	swait.ge [sflag:s13], $0x2000  }
0x82: {  	[sflag:s13] =	ssyncset.done $0x0  }
0x83: {  	[sflag:s13] =	ssyncadd.s32 $0xFFFFE000  }
0x84: {  	[spmem:s2] =	stream.indirect.scatter.add.f32 [tilespmem:s1], [sflag:$0x7], $0x80, s14, s29, $0xb8;
	[tilespmem:$0x1E800] =	vst v63  }
0x85: {  	_ =	swait.ge [sflag:s15], $0x2000  }
0x86: {  	[sflag:s15] =	ssyncset.done $0x0  }
0x87: {  	[sflag:s15] =	ssyncadd.s32 $0xFFFFE000  }
0x88: {  	[spmem:s2] =	stream.indirect.scatter.add.f32 [tilespmem:s9], [sflag:$0x8], $0x80, s16, s29, $0xb8;
	[tilespmem:$0x1E800] =	vst v63  }
0x89: {  	_ =	swait.ge [sflag:s21], $0x2000  }
0x8a: {  	[sflag:s21] =	ssyncset.done $0x0  }
0x8b: {  	s30 =	simm.s32 $0x14200;
	[sflag:s21] =	ssyncadd.s32 $0xFFFFE000  }
0x8c: {  	[tilespmem:s20], [sflag:$0x1] =	stream.indirect.gather [hbm4b:s4+s29], $0x80, s30, s29, $0xb8;
	[tilespmem:$0x1E800] =	vst v63  }
0x8d: {  	_ =	swait.ge [sflag:s22], $0x2000  }
0x8e: {  	[sflag:s22] =	ssyncset.done $0x0  }
0x8f: {  	s7 =	simm.s32 $0x14280;
	[sflag:s22] =	ssyncadd.s32 $0xFFFFE000  }
0x90: {  	[tilespmem:s31], [sflag:$0x2] =	stream.indirect.gather [hbm4b:s4+s29], $0x80, s7, s29, $0xb8;
	[tilespmem:$0x1E800] =	vst v63  }
0x91: {  	_ =	swait.ge [sflag:s23], $0x2000  }
0x92: {  	[sflag:s23] =	ssyncset.done $0x0  }
0x93: {  	s30 =	simm.s32 $0x14300;
	[sflag:s23] =	ssyncadd.s32 $0xFFFFE000  }
0x94: {  	[tilespmem:s1], [sflag:$0x3] =	stream.indirect.gather [hbm4b:s4+s29], $0x80, s30, s29, $0xb8;
	[tilespmem:$0x1E800] =	vst v63  }
0x95: {  	_ =	swait.ge [sflag:s24], $0x2000  }
0x96: {  	[sflag:s24] =	ssyncset.done $0x0  }
0x97: {  	s7 =	simm.s32 $0x14380;
	[sflag:s24] =	ssyncadd.s32 $0xFFFFE000  }
0x98: {  	[tilespmem:s9], [sflag:$0x4] =	stream.indirect.gather [hbm4b:s4+s29], $0x80, s7, s29, $0xb8;
	[tilespmem:$0x1E800] =	vst v63  }
0x99: {  	_ =	swait.ge [sflag:s10], $0x2000  }
0x9a: {  	[sflag:s10] =	ssyncset.done $0x0  }
0x9b: {  	s30 =	simm.s32 $0x15600;
	[sflag:s10] =	ssyncadd.s32 $0xFFFFE000  }
0x9c: {  	[spmem:s2] =	stream.indirect.scatter.add.f32 [tilespmem:s20], [sflag:$0x5], $0x80, s30, s29, $0xb8;
	[tilespmem:$0x1E800] =	vst v63  }
0x9d: {  	_ =	swait.ge [sflag:s11], $0x2000  }
0x9e: {  	[sflag:s11] =	ssyncset.done $0x0  }
0x9f: {  	s7 =	simm.s32 $0x15680;
	[sflag:s11] =	ssyncadd.s32 $0xFFFFE000  }
0xa0: {  	[spmem:s2] =	stream.indirect.scatter.add.f32 [tilespmem:s31], [sflag:$0x6], $0x80, s7, s29, $0xb8;
	[tilespmem:$0x1E800] =	vst v63  }
0xa1: {  	_ =	swait.ge [sflag:s13], $0x2000  }
0xa2: {  	[sflag:s13] =	ssyncset.done $0x0  }
0xa3: {  	s30 =	simm.s32 $0x15700;
	[sflag:s13] =	ssyncadd.s32 $0xFFFFE000  }
0xa4: {  	[spmem:s2] =	stream.indirect.scatter.add.f32 [tilespmem:s1], [sflag:$0x7], $0x80, s30, s29, $0xb8;
	[tilespmem:$0x1E800] =	vst v63  }
0xa5: {  	_ =	swait.ge [sflag:s15], $0x2000  }
0xa6: {  	[sflag:s15] =	ssyncset.done $0x0  }
0xa7: {  	s3 =	simm.s32 $0x15780;
	s7 =	simm.s32 $0x800;
	[sflag:s15] =	ssyncadd.s32 $0xFFFFE000  }
.LBB2_5:
0xa8: {  	[spmem:s2] =	stream.indirect.scatter.add.f32 [tilespmem:s9], [sflag:$0x8], $0x80, s3, s29, $0xb8;
	[tilespmem:$0x1E800] =	vst v63  }
0xa9: {  	s3 =	smov.u32 s7  }
0xaa: {  	p0 =	sne.s32 s7, $0x4000;
	s7 =	sadd.s32 $0x800, s7;
	_ =	swait.ge [sflag:s21], $0x2000  }
0xab: {  	s3 =	sshra.s32 s3, $0x2;
	[sflag:s21] =	ssyncset.done $0x0  }
0xac: {  	s30 =	sadd.s32 $0x14200, s3;
	[sflag:s21] =	ssyncadd.s32 $0xFFFFE000  }
0xad: {  	[tilespmem:s20], [sflag:$0x1] =	stream.indirect.gather [hbm4b:s4+s29], $0x80, s30, s29, $0xb8;
	[tilespmem:$0x1E800] =	vst v63  }
0xae: {  	_ =	swait.ge [sflag:s22], $0x2000  }
0xaf: {  	[sflag:s22] =	ssyncset.done $0x0  }
0xb0: {  	s30 =	sadd.s32 $0x14280, s3;
	[sflag:s22] =	ssyncadd.s32 $0xFFFFE000  }
0xb1: {  	[tilespmem:s31], [sflag:$0x2] =	stream.indirect.gather [hbm4b:s4+s29], $0x80, s30, s29, $0xb8;
	[tilespmem:$0x1E800] =	vst v63  }
0xb2: {  	_ =	swait.ge [sflag:s23], $0x2000  }
0xb3: {  	[sflag:s23] =	ssyncset.done $0x0  }
0xb4: {  	s30 =	sadd.s32 $0x14300, s3;
	[sflag:s23] =	ssyncadd.s32 $0xFFFFE000  }
0xb5: {  	[tilespmem:s1], [sflag:$0x3] =	stream.indirect.gather [hbm4b:s4+s29], $0x80, s30, s29, $0xb8;
	[tilespmem:$0x1E800] =	vst v63  }
0xb6: {  	_ =	swait.ge [sflag:s24], $0x2000  }
0xb7: {  	[sflag:s24] =	ssyncset.done $0x0  }
0xb8: {  	s30 =	sadd.s32 $0x14380, s3;
	[sflag:s24] =	ssyncadd.s32 $0xFFFFE000  }
0xb9: {  	[tilespmem:s9], [sflag:$0x4] =	stream.indirect.gather [hbm4b:s4+s29], $0x80, s30, s29, $0xb8;
	[tilespmem:$0x1E800] =	vst v63  }
0xba: {  	_ =	swait.ge [sflag:s10], $0x2000  }
0xbb: {  	[sflag:s10] =	ssyncset.done $0x0  }
0xbc: {  	s30 =	sadd.s32 $0x15600, s3;
	[sflag:s10] =	ssyncadd.s32 $0xFFFFE000  }
0xbd: {  	[spmem:s2] =	stream.indirect.scatter.add.f32 [tilespmem:s20], [sflag:$0x5], $0x80, s30, s29, $0xb8;
	[tilespmem:$0x1E800] =	vst v63  }
0xbe: {  	_ =	swait.ge [sflag:s11], $0x2000  }
0xbf: {  	[sflag:s11] =	ssyncset.done $0x0  }
0xc0: {  	s30 =	sadd.s32 $0x15680, s3;
	[sflag:s11] =	ssyncadd.s32 $0xFFFFE000  }
0xc1: {  	[spmem:s2] =	stream.indirect.scatter.add.f32 [tilespmem:s31], [sflag:$0x6], $0x80, s30, s29, $0xb8;
	[tilespmem:$0x1E800] =	vst v63  }
0xc2: {  	_ =	swait.ge [sflag:s13], $0x2000  }
0xc3: {  	[sflag:s13] =	ssyncset.done $0x0  }
.Ltmp1:
0xc4: {  	s30 =	sadd.s32 $0x15700, s3;
	[sflag:s13] =	ssyncadd.s32 $0xFFFFE000;
	(pc) =	sbr.rel @p0 .LBB2_5-.Ltmp1, $4  }
0xc5: {  	[spmem:s2] =	stream.indirect.scatter.add.f32 [tilespmem:s1], [sflag:$0x7], $0x80, s30, s29, $0xb8;
	[tilespmem:$0x1E800] =	vst v63  }
0xc6: {  	_ =	swait.ge [sflag:s15], $0x2000  }
0xc7: {  	[sflag:s15] =	ssyncset.done $0x0  }
0xc8: {  	s3 =	sadd.s32 $0x15780, s3;
	[sflag:s15] =	ssyncadd.s32 $0xFFFFE000  }
0xc9: {  	s19 =	sadd.s32 $0x1, s19  }
0xca: {  	p0 =	sne.s32 s19, $0x4  }
.Ltmp2:
0xcb: {  	_ = 	snop;
	(pc) =	sbr.rel @p0 .LBB2_4-.Ltmp2, $2  }
0xcc: {  	_ =	sdelay $0x2  }
0xcd: {  	[spmem:s2] =	stream.indirect.scatter.add.f32 [tilespmem:s9], [sflag:$0x8], $0x80, s3, s29, $0xb8;
	[tilespmem:$0x1E800] =	vst v63  }
0xce: {  	_ =	swait.ge [sflag:s21], $0x2000  }
0xcf: {  	[sflag:s21] =	ssyncset.done $0x0  }
0xd0: {  	[sflag:s21] =	ssyncadd.s32 $0xFFFFE000  }
0xd1: {  	_ =	swait.ge [sflag:s22], $0x2000  }
0xd2: {  	[sflag:s22] =	ssyncset.done $0x0  }
0xd3: {  	[sflag:s22] =	ssyncadd.s32 $0xFFFFE000  }
0xd4: {  	_ =	swait.ge [sflag:s23], $0x2000  }
0xd5: {  	[sflag:s23] =	ssyncset.done $0x0  }
0xd6: {  	[sflag:s23] =	ssyncadd.s32 $0xFFFFE000  }
0xd7: {  	_ =	swait.ge [sflag:s24], $0x2000  }
0xd8: {  	[sflag:s24] =	ssyncset.done $0x0  }
0xd9: {  	[sflag:s24] =	ssyncadd.s32 $0xFFFFE000  }
0xda: {  	s3 =	stileid.u32;
	[bflag:$0x0] =	sbarrier.arrive $0xFFFF  }
0xdb: {  	s3 =	sshll.u32 s3, $0x6;
	s19 =	rddreg [dreg:$0x4]  }
0xdc: {  	s3 =	sor.u32 $0x1C09, s3;
	s18 =	rddreg [dreg:$0xe];
	s7 =	sshrl.u32 s19, $0x3  }
0xdd: {  	[hbm:s18], [sflag:s3] =	dma.local [spmem:s7], $0x2800  }
0xde: {  	_ =	swait.ge [sflag:s26], $0x2800  }
0xdf: {  	s7 =	rddreg [dreg:$0x3]  }
0xe0: {  	s30 =	rddreg [dreg:$0xf];
	s18 =	sadd.s32 $0x1, s7  }
0xe1: {  	p0 =	sne.s32 s18, s30  }
.Ltmp3:
0xe2: {  	_ = 	snop;
	(pc) =	sbr.rel @p0 .LBB2_1-.Ltmp3, $3  }
0xe3: {  	_ =	sdelay $0x1  }
0xe4: {  	[sflag:s26] =	ssyncset.done $0x0  }
0xe5: {  	[sflag:s26] =	ssyncadd.s32 $0xFFFFD800  }
0xe6: {  	_ =	sfence.sel $0x180000  }
0xe7: {  	[bflag:$0x0] =	sbarrier.arrive $0xFFFF  }
0xe8: {  	_ =	strace $0x9000004A  }
0xe9: {  	s0 =	stileid.u32;
	[bflag:$0x2] =	sbarrier.arrive $0xFFFF  }
0xea: {  	p0 =	sne.s32 s0, $0x0;
	s0 =	rddreg [dreg:$0x2]  }
0xeb: {  	s0 =	sadd.s32 @!p0 $0x100000, s0  }
0xec: {  	[sflag:s0] =	ssyncadd.tile.s32 @!p0 $0x1;
	_ =	shalt  }
.Lfunc_end2:
_tile_overlayer_lowered:
.L_overlay_start_2:
0xed: {  	(tag) =	ssettag $0x2  }
0xee: {  	s0 =	rddreg [dreg:$0x0];
	s2 =	stileid.u32  }
0xef: {  	s1 =	rddreg [dreg:$0x1];
	p0 =	sne.s32 s2, $0x0  }
0xf0: {  	s3 =	rddreg [dreg:$0x2];
	[bflag:$0x3] =	sbarrier.arrive $0xFFFF;
	s2 =	simm.s32 @!p0 $0x1C09  }
0xf1: {  	[timem:s3], [sflag:s2] =	dma.local @!p0 [hbm:s0], s1  }
0xf2: {  	s0 =	simm.s32 @!p0 $0x9  }
0xf3: {  	_ =	swait.ge @!p0 [sflag:s0], s1  }
0xf4: {  	s1 =	ssub.s32 @!p0 $0x0, s1;
	[sflag:s0] =	ssyncset.done @!p0 $0x0  }
0xf5: {  	[sflag:s0] =	ssyncadd.s32 @!p0 s1  }
0xf6: {  	[bflag:$0x3] =	sbarrier.arrive $0xFFFF  }
0xf7: {  	_ =	shalt  }

// kernel: kernel.14.cloned.1.call-start
scs
__scs_entry_jumppad:
0x0: {  	(pc) =	sbr.rel $0x88, $3  }
0x1: {  	(tag) =	ssettag $0x0;
	lr =	simm.s32 $0x1  }
0x2: {  	[smem:$0x3F93] =	sst lr;
	_ =	strace $0xD0000000  }
0x3: {  	_ = 	snop  }
0x4: {  	_ = 	snop  }
0x5: {  	_ = 	snop  }
0x6: {  	_ = 	snop  }
0x7: {  	_ = 	snop  }
__scs_overlays_trampoline_lowered:
0x8: {  	[smem:$0x3FA2] =	sst s0  }
0x9: {  	[smem:$0x3FA3] =	sst s1  }
0xa: {  	[smem:$0x3FA4] =	sst s2  }
0xb: {  	[smem:$0x3FA5] =	sst s3  }
0xc: {  	[smem:$0x3FA6] =	sst s4  }
0xd: {  	[smem:$0x3FA7] =	sst s5  }
0xe: {  	[smem:$0x3FA8] =	sst s6  }
0xf: {  	[smem:$0x3FA9] =	sst s7  }
0x10: {  	[smem:$0x3FAA] =	sst s8  }
0x11: {  	[smem:$0x3FAB] =	sst s9;
	s0 =	simm.s32 @!p0 $0x0  }
0x12: {  	s1 =	sld [smem:$0x3F91];
	s0 =	simm.s32 @p0 $0x1  }
0x13: {  	[smem:$0x3FAC] =	sst s0;
	s0 =	simm.s32 @!p1 $0x0  }
0x14: {  	s2 =	sld [smem:$0x3F90];
	s0 =	simm.s32 @p1 $0x1  }
0x15: {  	[smem:$0x3FAD] =	sst s0;
	s0 =	simm.s32 @!p2 $0x0  }
0x16: {  	s3 =	sld [smem:$0x3FDB];
	s0 =	simm.s32 @p2 $0x1  }
0x17: {  	s4 =	simm.s32 $0x1BF5;
	[smem:$0x3FAF] =	sst s0  }
0x18: {  	s0 =	sld [smem:$0x3F92];
	_ =	swait.ge [sflag:s4], $0x0  }
0x19: {  	s7 =	sld [smem:$0x3F93]  }
0x1a: {  	s8 =	sadd.s32 $0xFFFFE003, lr  }
0x1b: {  	s9 =	sadd.s32 $0xFFFFFEF7, lr;
	s5 =	simm.s32 $0xFFFFFFFF;
	p2 =	slt.u32 s8, $0xFFFFF086  }
0x1c: {  	p1 =	slt.u32 s9, $0xF7A;
	s5 =	simm.s32 @!p2 $0x0  }
0x1d: {  	s5 =	simm.s32 @p1 $0x1;
	p0 =	seq.s32 s7, s2  }
0x1e: {  	s7 =	smul.u32 @!p0 $0xF7A, s2;
	p2 =	seq.s32 @!p0 s5, $0x0  }
0x1f: {  	s9 =	smul.u32 $0xF7A, s1;
	s8 =	simm.s32 @!p0 $0x1BF5;
	p2 =	por !p2, p0  }
0x20: {  	[sflag:s8] =	ssyncset.s32 @!p0 $0xFFFFF086;
	s6 =	sadd.s32 @!p0 s3, s7;
	s7 =	simm.s32 @!p0 $0x108  }
0x21: {  	s3 =	sadd.s32 s3, s9;
	s6 =	sadd.s32 @!p0 $0x88, s6;
	s7 =	simm.s32 @p2 $0x1082  }
0x22: {  	[simem:s7], [sflag:s8] =	dma.local @!p0 [hbm:s6], $0xF7A  }
0x23: {  	s9 =	sor.u32 $0xD0000000, s2;
	s6 =	simm.s32 $0x108;
	_ =	swait.ge @!p0 [sflag:s8], $0x0  }
0x24: {  	s3 =	sadd.s32 $0x88, s3;
	s6 =	simm.s32 @!p1 $0x1082;
	[sflag:s4] =	ssyncset.s32 $0xFFFFF086  }
0x25: {  	[simem:s6], [sflag:s4] =	dma.local [hbm:s3], $0xF7A  }
0x26: {  	[smem:$0x3F93] =	sst s1;
	(tag) =	ssettag s2;
	_ =	strace s9  }
0x27: {  	s1 =	sld [smem:$0x3FA3]  }
0x28: {  	s2 =	sld [smem:$0x3FA4]  }
0x29: {  	s4 =	sld [smem:$0x3FA6]  }
0x2a: {  	p0 =	seq.s32 s5, $0x0;
	s5 =	sld [smem:$0x3FA7]  }
0x2b: {  	s6 =	sld [smem:$0x3FA8]  }
0x2c: {  	s7 =	sld [smem:$0x3FA9]  }
0x2d: {  	s3 =	simm.s32 $0x108;
	s8 =	sld [smem:$0x3FAA]  }
0x2e: {  	s3 =	simm.s32 @!p0 $0x1082;
	s9 =	sld [smem:$0x3FAB]  }
0x2f: {  	lr =	sadd.s32 s0, s3;
	s0 =	sld [smem:$0x3FA2]  }
0x30: {  	s3 =	sld [smem:$0x3FA5]  }
0x31: {  	[smem:$0x3FAE] =	sst s10  }
0x32: {  	s10 =	sld [smem:$0x3FAC];
	_ =	sdelay $0x3  }
0x33: {  	p0 =	seq.s32 s10, $0x1;
	s10 =	sld [smem:$0x3FAE];
	_ =	sdelay $0x3  }
0x34: {  	[smem:$0x3FAE] =	sst s10  }
0x35: {  	s10 =	sld [smem:$0x3FAD];
	_ =	sdelay $0x3  }
0x36: {  	p1 =	seq.s32 s10, $0x1;
	s10 =	sld [smem:$0x3FAE];
	_ =	sdelay $0x3  }
0x37: {  	[smem:$0x3FAE] =	sst s10  }
0x38: {  	s10 =	sld [smem:$0x3FAF]  }
0x39: {  	_ = 	snop;
	(pc) =	sbr.ind lr, $3  }
0x3a: {  	_ = 	snop  }
0x3b: {  	_ = 	snop  }
0x3c: {  	p2 =	seq.s32 s10, $0x1;
	s10 =	sld [smem:$0x3FAE]  }
0x3d: {  	_ =	shalt  }
0x3e: {  	_ =	shalt  }
0x3f: {  	_ =	shalt  }
0x40: {  	_ =	shalt  }
0x41: {  	_ =	shalt  }
0x42: {  	_ =	shalt  }
0x43: {  	_ =	shalt  }
0x44: {  	_ =	shalt  }
0x45: {  	_ =	shalt  }
0x46: {  	_ =	shalt  }
0x47: {  	_ =	shalt  }
0x48: {  	_ =	shalt  }
0x49: {  	_ =	shalt  }
0x4a: {  	_ =	shalt  }
0x4b: {  	_ =	shalt  }
0x4c: {  	_ =	shalt  }
0x4d: {  	_ =	shalt  }
0x4e: {  	_ =	shalt  }
0x4f: {  	_ =	shalt  }
0x50: {  	_ =	shalt  }
0x51: {  	_ =	shalt  }
0x52: {  	_ =	shalt  }
0x53: {  	_ =	shalt  }
0x54: {  	_ =	shalt  }
0x55: {  	_ =	shalt  }
0x56: {  	_ =	shalt  }
0x57: {  	_ =	shalt  }
0x58: {  	_ =	shalt  }
0x59: {  	_ =	shalt  }
0x5a: {  	_ =	shalt  }
0x5b: {  	_ =	shalt  }
0x5c: {  	_ =	shalt  }
0x5d: {  	_ =	shalt  }
0x5e: {  	_ =	shalt  }
0x5f: {  	_ =	shalt  }
0x60: {  	_ =	shalt  }
0x61: {  	_ =	shalt  }
0x62: {  	_ =	shalt  }
0x63: {  	_ =	shalt  }
0x64: {  	_ =	shalt  }
0x65: {  	_ =	shalt  }
0x66: {  	_ =	shalt  }
0x67: {  	_ =	shalt  }
0x68: {  	_ =	shalt  }
0x69: {  	_ =	shalt  }
0x6a: {  	_ =	shalt  }
0x6b: {  	_ =	shalt  }
0x6c: {  	_ =	shalt  }
0x6d: {  	_ =	shalt  }
0x6e: {  	_ =	shalt  }
0x6f: {  	_ =	shalt  }
0x70: {  	_ =	shalt  }
0x71: {  	_ =	shalt  }
0x72: {  	_ =	shalt  }
0x73: {  	_ =	shalt  }
0x74: {  	_ =	shalt  }
0x75: {  	_ =	shalt  }
0x76: {  	_ =	shalt  }
0x77: {  	_ =	shalt  }
0x78: {  	_ =	shalt  }
0x79: {  	_ =	shalt  }
0x7a: {  	_ =	shalt  }
0x7b: {  	_ =	shalt  }
0x7c: {  	_ =	shalt  }
0x7d: {  	_ =	shalt  }
0x7e: {  	_ =	shalt  }
0x7f: {  	_ =	shalt  }
0x80: {  	_ =	shalt  }
0x81: {  	_ =	shalt  }
0x82: {  	_ =	shalt  }
0x83: {  	_ =	shalt  }
0x84: {  	_ =	shalt  }
0x85: {  	_ =	shalt  }
0x86: {  	_ =	shalt  }
0x87: {  	_ =	shalt  }
.Lfunc_end0:
.L_simem_size_0:
called_computation.2_lowered:
.L_overlay_start_0:
0x88: {  	s2 =	sld [smem:$0x3FD9]  }
0x89: {  	s3 =	sld [smem:$0x3FFE];
	_ =	sdelay $0x1  }
0x8a: {  	s1 =	srdreg.scid  }
0x8b: {  	s0 =	sand.u32 $0x1, s1  }
0x8c: {  	s16 =	sshll.u32 s0, $0xA;
	s2 =	sadd.s32 s3, s2  }
0x8d: {  	s2 =	sadd.s32 s2, s16  }
0x8e: {  	[smem:$0x3FBA] =	sst s2  }
0x8f: {  	_ = 	snop  }
0x90: {  	(tm) =	ssettm $0x1  }
0x91: {  	s17 =	sld [smem:$0x3FFB];
	_ =	sdelay $0x3  }
0x92: {  	_ =	strace s17  }
0x93: {  	s2 =	sld [smem:$0x3FFC];
	_ =	sdelay $0x3  }
0x94: {  	_ =	strace s2  }
0x95: {  	s2 =	sld [smem:$0x3FFD];
	_ =	sdelay $0x3  }
0x96: {  	_ =	strace s2  }
0x97: {  	_ =	strace $0x8FFFFFFF  }
0x98: {  	s18 =	sld [smem:$0x3FDB];
	_ =	sdelay $0x1  }
0x99: {  	s19 =	simm.s32 $_scs_section_size  }
0x9a: {  	s4 =	simm.s32 $_size__tile_overlayer_lowered;
	s5 =	simm.s32 $_tile_overlayer_lowered  }
0x9b: {  	s22 =	simm.s32 $0x1BFF;
	s21 =	sshll.u32 s5, $0x1;
	s2 =	sadd.s32 s19, s18  }
0x9c: {  	s6 =	simm.s32 $0x0;
	s20 =	sshll.u32 s4, $0x1;
	s4 =	sadd.s32 s21, s2  }
0x9d: {  	[timem:s6], [sflag:s22] =	dma.local [hbm:s4], s20  }
0x9e: {  	_ =	swait.ge [sflag:s22], s20  }
0x9f: {  	s3 =	ssub.s32 $0x0, s20;
	[sflag:s22] =	ssyncset.done $0x0  }
0xa0: {  	[sflag:s22] =	ssyncadd.s32 s3;
	_ =	sdelay $0x1  }
0xa1: {  	s23 =	simm.s32 $0x1B8B  }
0xa2: {  	_ =	swait.ge [sflag:s23], $0x1  }
0xa3: {  	[sflag:s23] =	ssyncset.done $0x0  }
0xa4: {  	s25 =	simm.s32 $0x1B8E;
	s24 =	sld [smem:$0x3FFE];
	[sflag:s23] =	ssyncadd.s32 $0xFFFFFFFF  }
0xa5: {  	s26 =	simm.s32 $execute0_lowered;
	[smem:$0x3FD2] =	sst s25  }
0xa6: {  	s4 =	sshll.u32 s26, $0x1;
	_ =	strace $0x8000004C;
	[dreg:$0x1] =	wrdreg $0xFFFFFFFF  }
0xa7: {  	s28 =	simm.s32 $_size_execute0_lowered;
	s2 =	sadd.s32 s2, s4;
	[dreg:$0x0] =	wrdreg $0x0  }
0xa8: {  	s4 =	sshll.u32 s28, $0x1;
	[dreg:$0x2] =	wrdreg s2  }
0xa9: {  	[dreg:$0x3] =	wrdreg s4  }
0xaa: {  	[dreg:$0x4] =	wrdreg $0xC0  }
0xab: {  	_ =	task [dreg:s6], $0x5FFFF  }
0xac: {  	[dreg:$0x1] =	wrdreg $0xFFFFFFFF  }
0xad: {  	[dreg:$0x0] =	wrdreg $0x60  }
0xae: {  	[dreg:$0x2] =	wrdreg s24  }
0xaf: {  	[dreg:$0x3] =	wrdreg $0x0  }
0xb0: {  	[dreg:$0x4] =	wrdreg $0x9  }
0xb1: {  	_ =	task.clear_ibuf [dreg:s6], $0x5FFFF;
	_ =	strace $0x9000004C  }
0xb2: {  	s29 =	simm.s32 $0x9;
	_ =	strace $0x8000004E  }
0xb3: {  	_ =	swait.ge [sflag:s29], $0x1  }
0xb4: {  	[sflag:s29] =	ssyncadd.s32 $0xFFFFFFFF  }
0xb5: {  	_ =	strace $0x9000004E  }
0xb6: {  	_ =	sfence  }
0xb7: {  	s30 =	sld [smem:$0x0];
	_ =	sdelay $0x2  }
0xb8: {  	s31 =	sshll.u32 s1, $0xD;
	s1 =	sshrl.u32 s1, $0x2  }
0xb9: {  	s3 =	sand.u32 $0x4000, s31;
	s1 =	sadd.s32 s1, s30  }
0xba: {  	s0 =	sor.u32 s3, s0;
	s1 =	sshll.u32 s1, $0x11  }
0xbb: {  	s0 =	sor.u32 s1, s0  }
0xbc: {  	s0 =	sadd.s32 $0x8F2B, s0  }
0xbd: {  	[sflag:s0] =	ssyncadd.remote.s32 $0x1  }
0xbe: {  	_ =	sfence.sel $0xFFFF  }
0xbf: {  	[dreg:$0x0] =	wrdreg $0xFFFFFFFF;
	(pc) =	sbr.abs _section_cstart, $3  }
0xc0: {  	[dreg:$0x1] =	wrdreg $0xFFFFFFFF  }
0xc1: {  	_ =	task.clear_ibuf [dreg:s6], $0x2FFFF;
	_ =	strace $0x9FFFFFFF  }
0xc2: {  	(tm) =	ssettm $0x7FFFFFFF  }
0xc3: {  	_ =	shalt  }
tec
execute0_lowered:
.L_overlay_start_1:
0x0: {  	(tag) =	ssettag $0x1  }
0x1: {  	s0 =	rddreg [dreg:$0x0]  }
0x2: {  	s2 =	rddreg [dreg:$0x1]  }
0x3: {  	s1 =	srdreg.scid;
	s9 =	stileid.u32;
	s18 =	simm.s32 $0x0  }
0x4: {  	s28 =	simm.s32 $0x15400;
	s29 =	simm.s32 $0x40;
	s31 =	simm.s32 $0x18800  }
0x5: {  	s10 =	simm.s32 $0x1;
	s11 =	simm.s32 $0x2;
	s12 =	simm.s32 $0x15480  }
0x6: {  	s13 =	simm.s32 $0x3;
	s1 =	sand.u32 $0x1, s1;
	s3 =	smul.u32 $0x2800, s9  }
0x7: {  	[smem:$0x7FF] =	sst s18;
	s4 =	sadd.s32 $0x3A00, s0;
	s8 =	smul.u32 $0x50000, s9  }
0x8: {  	s5 =	sadd.s32 $0x59A00, s0;
	s6 =	sadd.s32 $0x45A00, s0;
	s7 =	smul.u32 $0x28000, s1  }
0x9: {  	_ =	strace $0x8000004D;
	s14 =	ssub.s32 $0x2, s1;
	s15 =	sshrl.u32 s8, $0x2  }
0xa: {  	s1 =	sshll.u32 s1, $0x4;
	s16 =	sshrl.u32 s14, $0x1;
	s19 =	sadd.s32 s15, s2  }
0xb: {  	s3 =	sadd.s32 s3, s7;
	s7 =	sadd.s32 $0x2000, s19;
	[dreg:$0x4] =	wrdreg s19  }
0xc: {  	s1 =	sor.u32 s9, s1;
	s17 =	sadd.s32 $0x4000, s19;
	[dreg:$0x5] =	wrdreg s7  }
0xd: {  	s8 =	simm.s32 $0x14180;
	s20 =	sadd.s32 $0x6000, s19;
	[dreg:$0x6] =	wrdreg s17  }
0xe: {  	s9 =	simm.s32 $0x1C800;
	s21 =	sadd.s32 $0x8000, s19;
	[dreg:$0x7] =	wrdreg s20  }
0xf: {  	s15 =	simm.s32 $0x4;
	s22 =	sadd.s32 $0xA000, s19;
	[dreg:$0x8] =	wrdreg s21  }
0x10: {  	s0 =	sadd.s32 s3, s0;
	s23 =	sadd.s32 $0xC000, s19;
	[dreg:$0x9] =	wrdreg s22  }
0x11: {  	s3 =	ssub.s32 s14, s16;
	s24 =	sadd.s32 $0xE000, s19;
	[dreg:$0xa] =	wrdreg s23  }
0x12: {  	s25 =	sadd.s32 $0x10000, s19;
	s26 =	sadd.s32 $0x12000, s19;
	[dreg:$0xb] =	wrdreg s24  }
0x13: {  	s14 =	simm.s32 $0x15500;
	s16 =	simm.s32 $0x15580;
	[dreg:$0xc] =	wrdreg s25  }
0x14: {  	[dreg:$0xd] =	wrdreg s26;
	s17 =	smul.u32 $0x5000, s1;
	s0 =	sadd.s32 $0x6DA00, s0  }
0x15: {  	s30 =	smax.u32 s3, $0x1;
	s20 =	simm.s32 $0x16800;
	s21 =	simm.s32 $0x5  }
0x16: {  	s22 =	simm.s32 $0x6;
	s23 =	simm.s32 $0x7;
	s24 =	simm.s32 $0x8  }
0x17: {  	s25 =	simm.s32 $0x14000;
	s26 =	simm.s32 $0x9;
	[dreg:$0xe] =	wrdreg s0  }
0x18: {  	v0 =	vimm.f32 $0.0e+00;
	s1 =	simm.s32 $0x1A800;
	[dreg:$0xf] =	wrdreg s30;
	s0 =	simm.s32 $0x14100  }
.LBB2_1:
0x19: {  	[dreg:$0x3] =	wrdreg s18;
	s3 =	simm.s32 $0x0;
	s7 =	simm.s32 $0x200  }
.LBB2_2:
0x1a: {  	p0 =	sne.s32 s7, $0x7E00;
	[tilespmem:s3+$0x16870] =	vst v0  }
0x1b: {  	[tilespmem:s3+$0x16800] =	vst v0  }
0x1c: {  	[tilespmem:s3+$0x16810] =	vst v0  }
.Ltmp0:
0x1d: {  	[tilespmem:s3+$0x16820] =	vst v0;
	(pc) =	sbr.rel @p0 .LBB2_2-.Ltmp0, $4  }
0x1e: {  	[tilespmem:s3+$0x16830] =	vst v0  }
0x1f: {  	[tilespmem:s3+$0x16840] =	vst v0  }
0x20: {  	[tilespmem:s3+$0x16850] =	vst v0  }
0x21: {  	[tilespmem:s3+$0x16860] =	vst v0;
	s3 =	sshra.s32 s7, $0x2;
	s7 =	sadd.s32 $0x200, s7  }
0x22: {  	[tilespmem:s3+$0x16870] =	vst v0  }
0x23: {  	[tilespmem:s3+$0x16800] =	vst v0  }
0x24: {  	[tilespmem:s3+$0x16810] =	vst v0  }
0x25: {  	[tilespmem:s3+$0x16820] =	vst v0  }
0x26: {  	[tilespmem:s3+$0x16830] =	vst v0  }
0x27: {  	[tilespmem:s3+$0x16840] =	vst v0  }
0x28: {  	[tilespmem:s3+$0x16850] =	vst v0  }
0x29: {  	[tilespmem:s3+$0x16860] =	vst v0  }
0x2a: {  	[spmem:s19] =	stream.linear.scatter [tilespmem:s20], [sflag:$0x5], $0x2000, $0x38;
	[tilespmem:$0x1E800] =	vst v63  }
0x2b: {  	s30 =	rddreg [dreg:$0x5]  }
0x2c: {  	[spmem:s30] =	stream.linear.scatter [tilespmem:s20], [sflag:$0x6], $0x2000, $0x38;
	[tilespmem:$0x1E800] =	vst v63  }
0x2d: {  	s7 =	rddreg [dreg:$0x6]  }
0x2e: {  	[spmem:s7] =	stream.linear.scatter [tilespmem:s20], [sflag:$0x7], $0x2000, $0x38;
	[tilespmem:$0x1E800] =	vst v63  }
0x2f: {  	s18 =	rddreg [dreg:$0x7]  }
0x30: {  	[spmem:s18] =	stream.linear.scatter [tilespmem:s20], [sflag:$0x8], $0x2000, $0x38;
	[tilespmem:$0x1E800] =	vst v63  }
0x31: {  	s19 =	rddreg [dreg:$0x8]  }
0x32: {  	[spmem:s19] =	stream.linear.scatter [tilespmem:s20], [sflag:$0x5], $0x2000, $0x38;
	[tilespmem:$0x1E800] =	vst v63  }
0x33: {  	s30 =	rddreg [dreg:$0x9]  }
0x34: {  	[spmem:s30] =	stream.linear.scatter [tilespmem:s20], [sflag:$0x6], $0x2000, $0x38;
	[tilespmem:$0x1E800] =	vst v63  }
0x35: {  	s7 =	rddreg [dreg:$0xa]  }
0x36: {  	[spmem:s7] =	stream.linear.scatter [tilespmem:s20], [sflag:$0x7], $0x2000, $0x38;
	[tilespmem:$0x1E800] =	vst v63  }
0x37: {  	s18 =	rddreg [dreg:$0xb]  }
0x38: {  	[spmem:s18] =	stream.linear.scatter [tilespmem:s20], [sflag:$0x8], $0x2000, $0x38;
	[tilespmem:$0x1E800] =	vst v63  }
0x39: {  	s19 =	rddreg [dreg:$0xc]  }
0x3a: {  	[spmem:s19] =	stream.linear.scatter [tilespmem:s20], [sflag:$0x5], $0x2000, $0x38;
	[tilespmem:$0x1E800] =	vst v63  }
0x3b: {  	s30 =	rddreg [dreg:$0xd]  }
0x3c: {  	[spmem:s30] =	stream.linear.scatter [tilespmem:s20], [sflag:$0x6], $0x2000, $0x38;
	[tilespmem:$0x1E800] =	vst v63  }
0x3d: {  	_ =	swait.ge [sflag:s21], $0x2000  }
0x3e: {  	[sflag:s21] =	ssyncset.done $0x0  }
0x3f: {  	[sflag:s21] =	ssyncadd.s32 $0xFFFFE000  }
0x40: {  	_ =	swait.ge [sflag:s22], $0x2000  }
0x41: {  	[sflag:s22] =	ssyncset.done $0x0  }
0x42: {  	[sflag:s22] =	ssyncadd.s32 $0xFFFFE000  }
0x43: {  	_ =	swait.ge [sflag:s23], $0x2000  }
0x44: {  	[sflag:s23] =	ssyncset.done $0x0  }
0x45: {  	[sflag:s23] =	ssyncadd.s32 $0xFFFFE000  }
0x46: {  	_ =	swait.ge [sflag:s24], $0x2000  }
0x47: {  	[sflag:s24] =	ssyncset.done $0x0  }
0x48: {  	[sflag:s24] =	ssyncadd.s32 $0xFFFFE000  }
0x49: {  	_ =	swait.ge [sflag:s21], $0x2000  }
0x4a: {  	[sflag:s21] =	ssyncset.done $0x0  }
0x4b: {  	[sflag:s21] =	ssyncadd.s32 $0xFFFFE000  }
0x4c: {  	_ =	swait.ge [sflag:s22], $0x2000  }
0x4d: {  	[sflag:s22] =	ssyncset.done $0x0  }
0x4e: {  	[sflag:s22] =	ssyncadd.s32 $0xFFFFE000  }
0x4f: {  	_ =	swait.ge [sflag:s23], $0x2000  }
0x50: {  	[sflag:s23] =	ssyncset.done $0x0  }
0x51: {  	[sflag:s23] =	ssyncadd.s32 $0xFFFFE000  }
0x52: {  	_ =	swait.ge [sflag:s24], $0x2000  }
0x53: {  	[sflag:s24] =	ssyncset.done $0x0  }
0x54: {  	[sflag:s24] =	ssyncadd.s32 $0xFFFFE000  }
0x55: {  	_ =	swait.ge [sflag:s21], $0x2000  }
0x56: {  	[sflag:s21] =	ssyncset.done $0x0  }
0x57: {  	[sflag:s21] =	ssyncadd.s32 $0xFFFFE000  }
0x58: {  	_ =	swait.ge [sflag:s22], $0x2000  }
0x59: {  	[sflag:s22] =	ssyncset.done $0x0  }
0x5a: {  	[sflag:s22] =	ssyncadd.s32 $0xFFFFE000  }
0x5b: {  	s18 =	simm.s32 $0x0;
	s19 =	simm.s32 $0x0;
	[bflag:$0x0] =	sbarrier.arrive $0xFFFF  }
.LBB2_4:
0x5c: {  	p0 =	seq.s32 s19, $0x0  }
0x5d: {  	s3 =	simm.s32 @!p0 $0x5  }
0x5e: {  	_ =	swait.ge @!p0 [sflag:s3], $0x2000  }
0x5f: {  	[sflag:s3] =	ssyncset.done @!p0 $0x0  }
0x60: {  	[sflag:s3] =	ssyncadd.s32 @!p0 $0xFFFFE000;
	s3 =	simm.s32 @!p0 $0x6  }
0x61: {  	_ =	swait.ge @!p0 [sflag:s3], $0x2000  }
0x62: {  	[sflag:s3] =	ssyncset.done @!p0 $0x0  }
0x63: {  	[sflag:s3] =	ssyncadd.s32 @!p0 $0xFFFFE000;
	s3 =	simm.s32 @!p0 $0x7  }
0x64: {  	_ =	swait.ge @!p0 [sflag:s3], $0x2000  }
0x65: {  	s7 =	smul.u32 $0x1400, s19;
	[sflag:s3] =	ssyncset.done @!p0 $0x0  }
0x66: {  	[sflag:s3] =	ssyncadd.s32 @!p0 $0xFFFFE000;
	s3 =	simm.s32 @!p0 $0x8  }
0x67: {  	s7 =	sadd.s32 s17, s7;
	_ =	swait.ge @!p0 [sflag:s3], $0x2000  }
0x68: {  	s7 =	sshrl.u32 s7, $0x3;
	[sflag:s3] =	ssyncset.done @!p0 $0x0  }
0x69: {  	s30 =	sadd.s32 s5, s7;
	[sflag:s3] =	ssyncadd.s32 @!p0 $0xFFFFE000  }
0x6a: {  	[tilespmem:s25], [sflag:$0x9] =	stream.linear.gather [hbm4b:s30+s18], $0x1400, $0x38;
	[tilespmem:$0x1E800] =	vst v63  }
0x6b: {  	_ =	swait.ge [sflag:s26], $0x1400  }
0x6c: {  	[sflag:s26] =	ssyncset.done $0x0  }
0x6d: {  	s30 =	sadd.s32 s6, s7;
	[sflag:s26] =	ssyncadd.s32 $0xFFFFEC00  }
0x6e: {  	[tilespmem:s28], [sflag:$0x9] =	stream.linear.gather [hbm4b:s30+s18], $0x1400, $0x38;
	[tilespmem:$0x1E800] =	vst v63  }
0x6f: {  	_ =	swait.ge [sflag:s26], $0x1400  }
0x70: {  	[sflag:s26] =	ssyncset.done $0x0  }
0x71: {  	[sflag:s26] =	ssyncadd.s32 $0xFFFFEC00  }
0x72: {  	[tilespmem:s20], [sflag:$0x1] =	stream.indirect.gather [hbm4b:s4+s29], $0x80, s25, s29, $0xb8;
	[tilespmem:$0x1E800] =	vst v63  }
0x73: {  	s7 =	simm.s32 $0x14080  }
0x74: {  	[tilespmem:s31], [sflag:$0x2] =	stream.indirect.gather [hbm4b:s4+s29], $0x80, s7, s29, $0xb8;
	[tilespmem:$0x1E800] =	vst v63  }
0x75: {  	_ = 	snop  }
0x76: {  	[tilespmem:s1], [sflag:$0x3] =	stream.indirect.gather [hbm4b:s4+s29], $0x80, s0, s29, $0xb8;
	[tilespmem:$0x1E800] =	vst v63  }
0x77: {  	_ = 	snop  }
0x78: {  	[tilespmem:s9], [sflag:$0x4] =	stream.indirect.gather [hbm4b:s4+s29], $0x80, s8, s29, $0xb8;
	[tilespmem:$0x1E800] =	vst v63  }
0x79: {  	_ =	swait.ge [sflag:s10], $0x2000  }
0x7a: {  	[sflag:s10] =	ssyncset.done $0x0  }
0x7b: {  	[sflag:s10] =	ssyncadd.s32 $0xFFFFE000  }
0x7c: {  	[spmem:s2] =	stream.indirect.scatter.add.f32 [tilespmem:s20], [sflag:$0x5], $0x80, s28, s29, $0xb8;
	[tilespmem:$0x1E800] =	vst v63  }
0x7d: {  	_ =	swait.ge [sflag:s11], $0x2000  }
0x7e: {  	[sflag:s11] =	ssyncset.done $0x0  }
0x7f: {  	[sflag:s11] =	ssyncadd.s32 $0xFFFFE000  }
0x80: {  	[spmem:s2] =	stream.indirect.scatter.add.f32 [tilespmem:s31], [sflag:$0x6], $0x80, s12, s29, $0xb8;
	[tilespmem:$0x1E800] =	vst v63  }
0x81: {  	_ =	swait.ge [sflag:s13], $0x2000  }
0x82: {  	[sflag:s13] =	ssyncset.done $0x0  }
0x83: {  	[sflag:s13] =	ssyncadd.s32 $0xFFFFE000  }
0x84: {  	[spmem:s2] =	stream.indirect.scatter.add.f32 [tilespmem:s1], [sflag:$0x7], $0x80, s14, s29, $0xb8;
	[tilespmem:$0x1E800] =	vst v63  }
0x85: {  	_ =	swait.ge [sflag:s15], $0x2000  }
0x86: {  	[sflag:s15] =	ssyncset.done $0x0  }
0x87: {  	[sflag:s15] =	ssyncadd.s32 $0xFFFFE000  }
0x88: {  	[spmem:s2] =	stream.indirect.scatter.add.f32 [tilespmem:s9], [sflag:$0x8], $0x80, s16, s29, $0xb8;
	[tilespmem:$0x1E800] =	vst v63  }
0x89: {  	_ =	swait.ge [sflag:s21], $0x2000  }
0x8a: {  	[sflag:s21] =	ssyncset.done $0x0  }
0x8b: {  	s30 =	simm.s32 $0x14200;
	[sflag:s21] =	ssyncadd.s32 $0xFFFFE000  }
0x8c: {  	[tilespmem:s20], [sflag:$0x1] =	stream.indirect.gather [hbm4b:s4+s29], $0x80, s30, s29, $0xb8;
	[tilespmem:$0x1E800] =	vst v63  }
0x8d: {  	_ =	swait.ge [sflag:s22], $0x2000  }
0x8e: {  	[sflag:s22] =	ssyncset.done $0x0  }
0x8f: {  	s7 =	simm.s32 $0x14280;
	[sflag:s22] =	ssyncadd.s32 $0xFFFFE000  }
0x90: {  	[tilespmem:s31], [sflag:$0x2] =	stream.indirect.gather [hbm4b:s4+s29], $0x80, s7, s29, $0xb8;
	[tilespmem:$0x1E800] =	vst v63  }
0x91: {  	_ =	swait.ge [sflag:s23], $0x2000  }
0x92: {  	[sflag:s23] =	ssyncset.done $0x0  }
0x93: {  	s30 =	simm.s32 $0x14300;
	[sflag:s23] =	ssyncadd.s32 $0xFFFFE000  }
0x94: {  	[tilespmem:s1], [sflag:$0x3] =	stream.indirect.gather [hbm4b:s4+s29], $0x80, s30, s29, $0xb8;
	[tilespmem:$0x1E800] =	vst v63  }
0x95: {  	_ =	swait.ge [sflag:s24], $0x2000  }
0x96: {  	[sflag:s24] =	ssyncset.done $0x0  }
0x97: {  	s7 =	simm.s32 $0x14380;
	[sflag:s24] =	ssyncadd.s32 $0xFFFFE000  }
0x98: {  	[tilespmem:s9], [sflag:$0x4] =	stream.indirect.gather [hbm4b:s4+s29], $0x80, s7, s29, $0xb8;
	[tilespmem:$0x1E800] =	vst v63  }
0x99: {  	_ =	swait.ge [sflag:s10], $0x2000  }
0x9a: {  	[sflag:s10] =	ssyncset.done $0x0  }
0x9b: {  	s30 =	simm.s32 $0x15600;
	[sflag:s10] =	ssyncadd.s32 $0xFFFFE000  }
0x9c: {  	[spmem:s2] =	stream.indirect.scatter.add.f32 [tilespmem:s20], [sflag:$0x5], $0x80, s30, s29, $0xb8;
	[tilespmem:$0x1E800] =	vst v63  }
0x9d: {  	_ =	swait.ge [sflag:s11], $0x2000  }
0x9e: {  	[sflag:s11] =	ssyncset.done $0x0  }
0x9f: {  	s7 =	simm.s32 $0x15680;
	[sflag:s11] =	ssyncadd.s32 $0xFFFFE000  }
0xa0: {  	[spmem:s2] =	stream.indirect.scatter.add.f32 [tilespmem:s31], [sflag:$0x6], $0x80, s7, s29, $0xb8;
	[tilespmem:$0x1E800] =	vst v63  }
0xa1: {  	_ =	swait.ge [sflag:s13], $0x2000  }
0xa2: {  	[sflag:s13] =	ssyncset.done $0x0  }
0xa3: {  	s30 =	simm.s32 $0x15700;
	[sflag:s13] =	ssyncadd.s32 $0xFFFFE000  }
0xa4: {  	[spmem:s2] =	stream.indirect.scatter.add.f32 [tilespmem:s1], [sflag:$0x7], $0x80, s30, s29, $0xb8;
	[tilespmem:$0x1E800] =	vst v63  }
0xa5: {  	_ =	swait.ge [sflag:s15], $0x2000  }
0xa6: {  	[sflag:s15] =	ssyncset.done $0x0  }
0xa7: {  	s3 =	simm.s32 $0x15780;
	s7 =	simm.s32 $0x800;
	[sflag:s15] =	ssyncadd.s32 $0xFFFFE000  }
.LBB2_5:
0xa8: {  	[spmem:s2] =	stream.indirect.scatter.add.f32 [tilespmem:s9], [sflag:$0x8], $0x80, s3, s29, $0xb8;
	[tilespmem:$0x1E800] =	vst v63  }
0xa9: {  	s3 =	smov.u32 s7  }
0xaa: {  	p0 =	sne.s32 s7, $0x4000;
	s7 =	sadd.s32 $0x800, s7;
	_ =	swait.ge [sflag:s21], $0x2000  }
0xab: {  	s3 =	sshra.s32 s3, $0x2;
	[sflag:s21] =	ssyncset.done $0x0  }
0xac: {  	s30 =	sadd.s32 $0x14200, s3;
	[sflag:s21] =	ssyncadd.s32 $0xFFFFE000  }
0xad: {  	[tilespmem:s20], [sflag:$0x1] =	stream.indirect.gather [hbm4b:s4+s29], $0x80, s30, s29, $0xb8;
	[tilespmem:$0x1E800] =	vst v63  }
0xae: {  	_ =	swait.ge [sflag:s22], $0x2000  }
0xaf: {  	[sflag:s22] =	ssyncset.done $0x0  }
0xb0: {  	s30 =	sadd.s32 $0x14280, s3;
	[sflag:s22] =	ssyncadd.s32 $0xFFFFE000  }
0xb1: {  	[tilespmem:s31], [sflag:$0x2] =	stream.indirect.gather [hbm4b:s4+s29], $0x80, s30, s29, $0xb8;
	[tilespmem:$0x1E800] =	vst v63  }
0xb2: {  	_ =	swait.ge [sflag:s23], $0x2000  }
0xb3: {  	[sflag:s23] =	ssyncset.done $0x0  }
0xb4: {  	s30 =	sadd.s32 $0x14300, s3;
	[sflag:s23] =	ssyncadd.s32 $0xFFFFE000  }
0xb5: {  	[tilespmem:s1], [sflag:$0x3] =	stream.indirect.gather [hbm4b:s4+s29], $0x80, s30, s29, $0xb8;
	[tilespmem:$0x1E800] =	vst v63  }
0xb6: {  	_ =	swait.ge [sflag:s24], $0x2000  }
0xb7: {  	[sflag:s24] =	ssyncset.done $0x0  }
0xb8: {  	s30 =	sadd.s32 $0x14380, s3;
	[sflag:s24] =	ssyncadd.s32 $0xFFFFE000  }
0xb9: {  	[tilespmem:s9], [sflag:$0x4] =	stream.indirect.gather [hbm4b:s4+s29], $0x80, s30, s29, $0xb8;
	[tilespmem:$0x1E800] =	vst v63  }
0xba: {  	_ =	swait.ge [sflag:s10], $0x2000  }
0xbb: {  	[sflag:s10] =	ssyncset.done $0x0  }
0xbc: {  	s30 =	sadd.s32 $0x15600, s3;
	[sflag:s10] =	ssyncadd.s32 $0xFFFFE000  }
0xbd: {  	[spmem:s2] =	stream.indirect.scatter.add.f32 [tilespmem:s20], [sflag:$0x5], $0x80, s30, s29, $0xb8;
	[tilespmem:$0x1E800] =	vst v63  }
0xbe: {  	_ =	swait.ge [sflag:s11], $0x2000  }
0xbf: {  	[sflag:s11] =	ssyncset.done $0x0  }
0xc0: {  	s30 =	sadd.s32 $0x15680, s3;
	[sflag:s11] =	ssyncadd.s32 $0xFFFFE000  }
0xc1: {  	[spmem:s2] =	stream.indirect.scatter.add.f32 [tilespmem:s31], [sflag:$0x6], $0x80, s30, s29, $0xb8;
	[tilespmem:$0x1E800] =	vst v63  }
0xc2: {  	_ =	swait.ge [sflag:s13], $0x2000  }
0xc3: {  	[sflag:s13] =	ssyncset.done $0x0  }
.Ltmp1:
0xc4: {  	s30 =	sadd.s32 $0x15700, s3;
	[sflag:s13] =	ssyncadd.s32 $0xFFFFE000;
	(pc) =	sbr.rel @p0 .LBB2_5-.Ltmp1, $4  }
0xc5: {  	[spmem:s2] =	stream.indirect.scatter.add.f32 [tilespmem:s1], [sflag:$0x7], $0x80, s30, s29, $0xb8;
	[tilespmem:$0x1E800] =	vst v63  }
0xc6: {  	_ =	swait.ge [sflag:s15], $0x2000  }
0xc7: {  	[sflag:s15] =	ssyncset.done $0x0  }
0xc8: {  	s3 =	sadd.s32 $0x15780, s3;
	[sflag:s15] =	ssyncadd.s32 $0xFFFFE000  }
0xc9: {  	s19 =	sadd.s32 $0x1, s19  }
0xca: {  	p0 =	sne.s32 s19, $0x4  }
.Ltmp2:
0xcb: {  	_ = 	snop;
	(pc) =	sbr.rel @p0 .LBB2_4-.Ltmp2, $2  }
0xcc: {  	_ =	sdelay $0x2  }
0xcd: {  	[spmem:s2] =	stream.indirect.scatter.add.f32 [tilespmem:s9], [sflag:$0x8], $0x80, s3, s29, $0xb8;
	[tilespmem:$0x1E800] =	vst v63  }
0xce: {  	_ =	swait.ge [sflag:s21], $0x2000  }
0xcf: {  	[sflag:s21] =	ssyncset.done $0x0  }
0xd0: {  	[sflag:s21] =	ssyncadd.s32 $0xFFFFE000  }
0xd1: {  	_ =	swait.ge [sflag:s22], $0x2000  }
0xd2: {  	[sflag:s22] =	ssyncset.done $0x0  }
0xd3: {  	[sflag:s22] =	ssyncadd.s32 $0xFFFFE000  }
0xd4: {  	_ =	swait.ge [sflag:s23], $0x2000  }
0xd5: {  	[sflag:s23] =	ssyncset.done $0x0  }
0xd6: {  	[sflag:s23] =	ssyncadd.s32 $0xFFFFE000  }
0xd7: {  	_ =	swait.ge [sflag:s24], $0x2000  }
0xd8: {  	[sflag:s24] =	ssyncset.done $0x0  }
0xd9: {  	[sflag:s24] =	ssyncadd.s32 $0xFFFFE000  }
0xda: {  	s3 =	stileid.u32;
	[bflag:$0x0] =	sbarrier.arrive $0xFFFF  }
0xdb: {  	s3 =	sshll.u32 s3, $0x6;
	s19 =	rddreg [dreg:$0x4]  }
0xdc: {  	s3 =	sor.u32 $0x1C09, s3;
	s18 =	rddreg [dreg:$0xe];
	s7 =	sshrl.u32 s19, $0x3  }
0xdd: {  	[hbm:s18], [sflag:s3] =	dma.local [spmem:s7], $0x2800  }
0xde: {  	_ =	swait.ge [sflag:s26], $0x2800  }
0xdf: {  	s7 =	rddreg [dreg:$0x3]  }
0xe0: {  	s30 =	rddreg [dreg:$0xf];
	s18 =	sadd.s32 $0x1, s7  }
0xe1: {  	p0 =	sne.s32 s18, s30  }
.Ltmp3:
0xe2: {  	_ = 	snop;
	(pc) =	sbr.rel @p0 .LBB2_1-.Ltmp3, $3  }
0xe3: {  	_ =	sdelay $0x1  }
0xe4: {  	[sflag:s26] =	ssyncset.done $0x0  }
0xe5: {  	[sflag:s26] =	ssyncadd.s32 $0xFFFFD800  }
0xe6: {  	_ =	sfence.sel $0x180000  }
0xe7: {  	[bflag:$0x0] =	sbarrier.arrive $0xFFFF  }
0xe8: {  	_ =	strace $0x9000004D  }
0xe9: {  	s0 =	stileid.u32;
	[bflag:$0x2] =	sbarrier.arrive $0xFFFF  }
0xea: {  	p0 =	sne.s32 s0, $0x0;
	s0 =	rddreg [dreg:$0x2]  }
0xeb: {  	s0 =	sadd.s32 @!p0 $0x100000, s0  }
0xec: {  	[sflag:s0] =	ssyncadd.tile.s32 @!p0 $0x1;
	_ =	shalt  }
.Lfunc_end2:
_tile_overlayer_lowered:
.L_overlay_start_2:
0xed: {  	(tag) =	ssettag $0x2  }
0xee: {  	s0 =	rddreg [dreg:$0x0];
	s2 =	stileid.u32  }
0xef: {  	s1 =	rddreg [dreg:$0x1];
	p0 =	sne.s32 s2, $0x0  }
0xf0: {  	s3 =	rddreg [dreg:$0x2];
	[bflag:$0x3] =	sbarrier.arrive $0xFFFF;
	s2 =	simm.s32 @!p0 $0x1C09  }
0xf1: {  	[timem:s3], [sflag:s2] =	dma.local @!p0 [hbm:s0], s1  }
0xf2: {  	s0 =	simm.s32 @!p0 $0x9  }
0xf3: {  	_ =	swait.ge @!p0 [sflag:s0], s1  }
0xf4: {  	s1 =	ssub.s32 @!p0 $0x0, s1;
	[sflag:s0] =	ssyncset.done @!p0 $0x0  }
0xf5: {  	[sflag:s0] =	ssyncadd.s32 @!p0 s1  }
0xf6: {  	[bflag:$0x3] =	sbarrier.arrive $0xFFFF  }
0xf7: {  	_ =	shalt  }

// kernel: kernel.8.cloned.1.call-start
scs
__scs_entry_jumppad:
0x0: {  	(pc) =	sbr.rel $0x88, $3  }
0x1: {  	(tag) =	ssettag $0x0;
	lr =	simm.s32 $0x1  }
0x2: {  	[smem:$0x3F93] =	sst lr;
	_ =	strace $0xD0000000  }
0x3: {  	_ = 	snop  }
0x4: {  	_ = 	snop  }
0x5: {  	_ = 	snop  }
0x6: {  	_ = 	snop  }
0x7: {  	_ = 	snop  }
__scs_overlays_trampoline_lowered:
0x8: {  	[smem:$0x3FA2] =	sst s0  }
0x9: {  	[smem:$0x3FA3] =	sst s1  }
0xa: {  	[smem:$0x3FA4] =	sst s2  }
0xb: {  	[smem:$0x3FA5] =	sst s3  }
0xc: {  	[smem:$0x3FA6] =	sst s4  }
0xd: {  	[smem:$0x3FA7] =	sst s5  }
0xe: {  	[smem:$0x3FA8] =	sst s6  }
0xf: {  	[smem:$0x3FA9] =	sst s7  }
0x10: {  	[smem:$0x3FAA] =	sst s8  }
0x11: {  	[smem:$0x3FAB] =	sst s9;
	s0 =	simm.s32 @!p0 $0x0  }
0x12: {  	s1 =	sld [smem:$0x3F91];
	s0 =	simm.s32 @p0 $0x1  }
0x13: {  	[smem:$0x3FAC] =	sst s0;
	s0 =	simm.s32 @!p1 $0x0  }
0x14: {  	s2 =	sld [smem:$0x3F90];
	s0 =	simm.s32 @p1 $0x1  }
0x15: {  	[smem:$0x3FAD] =	sst s0;
	s0 =	simm.s32 @!p2 $0x0  }
0x16: {  	s3 =	sld [smem:$0x3FDB];
	s0 =	simm.s32 @p2 $0x1  }
0x17: {  	s4 =	simm.s32 $0x1BF5;
	[smem:$0x3FAF] =	sst s0  }
0x18: {  	s0 =	sld [smem:$0x3F92];
	_ =	swait.ge [sflag:s4], $0x0  }
0x19: {  	s7 =	sld [smem:$0x3F93]  }
0x1a: {  	s8 =	sadd.s32 $0xFFFFE003, lr  }
0x1b: {  	s9 =	sadd.s32 $0xFFFFFEF7, lr;
	s5 =	simm.s32 $0xFFFFFFFF;
	p2 =	slt.u32 s8, $0xFFFFF086  }
0x1c: {  	p1 =	slt.u32 s9, $0xF7A;
	s5 =	simm.s32 @!p2 $0x0  }
0x1d: {  	s5 =	simm.s32 @p1 $0x1;
	p0 =	seq.s32 s7, s2  }
0x1e: {  	s7 =	smul.u32 @!p0 $0xF7A, s2;
	p2 =	seq.s32 @!p0 s5, $0x0  }
0x1f: {  	s9 =	smul.u32 $0xF7A, s1;
	s8 =	simm.s32 @!p0 $0x1BF5;
	p2 =	por !p2, p0  }
0x20: {  	[sflag:s8] =	ssyncset.s32 @!p0 $0xFFFFF086;
	s6 =	sadd.s32 @!p0 s3, s7;
	s7 =	simm.s32 @!p0 $0x108  }
0x21: {  	s3 =	sadd.s32 s3, s9;
	s6 =	sadd.s32 @!p0 $0x88, s6;
	s7 =	simm.s32 @p2 $0x1082  }
0x22: {  	[simem:s7], [sflag:s8] =	dma.local @!p0 [hbm:s6], $0xF7A  }
0x23: {  	s9 =	sor.u32 $0xD0000000, s2;
	s6 =	simm.s32 $0x108;
	_ =	swait.ge @!p0 [sflag:s8], $0x0  }
0x24: {  	s3 =	sadd.s32 $0x88, s3;
	s6 =	simm.s32 @!p1 $0x1082;
	[sflag:s4] =	ssyncset.s32 $0xFFFFF086  }
0x25: {  	[simem:s6], [sflag:s4] =	dma.local [hbm:s3], $0xF7A  }
0x26: {  	[smem:$0x3F93] =	sst s1;
	(tag) =	ssettag s2;
	_ =	strace s9  }
0x27: {  	s1 =	sld [smem:$0x3FA3]  }
0x28: {  	s2 =	sld [smem:$0x3FA4]  }
0x29: {  	s4 =	sld [smem:$0x3FA6]  }
0x2a: {  	p0 =	seq.s32 s5, $0x0;
	s5 =	sld [smem:$0x3FA7]  }
0x2b: {  	s6 =	sld [smem:$0x3FA8]  }
0x2c: {  	s7 =	sld [smem:$0x3FA9]  }
0x2d: {  	s3 =	simm.s32 $0x108;
	s8 =	sld [smem:$0x3FAA]  }
0x2e: {  	s3 =	simm.s32 @!p0 $0x1082;
	s9 =	sld [smem:$0x3FAB]  }
0x2f: {  	lr =	sadd.s32 s0, s3;
	s0 =	sld [smem:$0x3FA2]  }
0x30: {  	s3 =	sld [smem:$0x3FA5]  }
0x31: {  	[smem:$0x3FAE] =	sst s10  }
0x32: {  	s10 =	sld [smem:$0x3FAC];
	_ =	sdelay $0x3  }
0x33: {  	p0 =	seq.s32 s10, $0x1;
	s10 =	sld [smem:$0x3FAE];
	_ =	sdelay $0x3  }
0x34: {  	[smem:$0x3FAE] =	sst s10  }
0x35: {  	s10 =	sld [smem:$0x3FAD];
	_ =	sdelay $0x3  }
0x36: {  	p1 =	seq.s32 s10, $0x1;
	s10 =	sld [smem:$0x3FAE];
	_ =	sdelay $0x3  }
0x37: {  	[smem:$0x3FAE] =	sst s10  }
0x38: {  	s10 =	sld [smem:$0x3FAF]  }
0x39: {  	_ = 	snop;
	(pc) =	sbr.ind lr, $3  }
0x3a: {  	_ = 	snop  }
0x3b: {  	_ = 	snop  }
0x3c: {  	p2 =	seq.s32 s10, $0x1;
	s10 =	sld [smem:$0x3FAE]  }
0x3d: {  	_ =	shalt  }
0x3e: {  	_ =	shalt  }
0x3f: {  	_ =	shalt  }
0x40: {  	_ =	shalt  }
0x41: {  	_ =	shalt  }
0x42: {  	_ =	shalt  }
0x43: {  	_ =	shalt  }
0x44: {  	_ =	shalt  }
0x45: {  	_ =	shalt  }
0x46: {  	_ =	shalt  }
0x47: {  	_ =	shalt  }
0x48: {  	_ =	shalt  }
0x49: {  	_ =	shalt  }
0x4a: {  	_ =	shalt  }
0x4b: {  	_ =	shalt  }
0x4c: {  	_ =	shalt  }
0x4d: {  	_ =	shalt  }
0x4e: {  	_ =	shalt  }
0x4f: {  	_ =	shalt  }
0x50: {  	_ =	shalt  }
0x51: {  	_ =	shalt  }
0x52: {  	_ =	shalt  }
0x53: {  	_ =	shalt  }
0x54: {  	_ =	shalt  }
0x55: {  	_ =	shalt  }
0x56: {  	_ =	shalt  }
0x57: {  	_ =	shalt  }
0x58: {  	_ =	shalt  }
0x59: {  	_ =	shalt  }
0x5a: {  	_ =	shalt  }
0x5b: {  	_ =	shalt  }
0x5c: {  	_ =	shalt  }
0x5d: {  	_ =	shalt  }
0x5e: {  	_ =	shalt  }
0x5f: {  	_ =	shalt  }
0x60: {  	_ =	shalt  }
0x61: {  	_ =	shalt  }
0x62: {  	_ =	shalt  }
0x63: {  	_ =	shalt  }
0x64: {  	_ =	shalt  }
0x65: {  	_ =	shalt  }
0x66: {  	_ =	shalt  }
0x67: {  	_ =	shalt  }
0x68: {  	_ =	shalt  }
0x69: {  	_ =	shalt  }
0x6a: {  	_ =	shalt  }
0x6b: {  	_ =	shalt  }
0x6c: {  	_ =	shalt  }
0x6d: {  	_ =	shalt  }
0x6e: {  	_ =	shalt  }
0x6f: {  	_ =	shalt  }
0x70: {  	_ =	shalt  }
0x71: {  	_ =	shalt  }
0x72: {  	_ =	shalt  }
0x73: {  	_ =	shalt  }
0x74: {  	_ =	shalt  }
0x75: {  	_ =	shalt  }
0x76: {  	_ =	shalt  }
0x77: {  	_ =	shalt  }
0x78: {  	_ =	shalt  }
0x79: {  	_ =	shalt  }
0x7a: {  	_ =	shalt  }
0x7b: {  	_ =	shalt  }
0x7c: {  	_ =	shalt  }
0x7d: {  	_ =	shalt  }
0x7e: {  	_ =	shalt  }
0x7f: {  	_ =	shalt  }
0x80: {  	_ =	shalt  }
0x81: {  	_ =	shalt  }
0x82: {  	_ =	shalt  }
0x83: {  	_ =	shalt  }
0x84: {  	_ =	shalt  }
0x85: {  	_ =	shalt  }
0x86: {  	_ =	shalt  }
0x87: {  	_ =	shalt  }
.Lfunc_end0:
.L_simem_size_0:
called_computation_lowered:
.L_overlay_start_0:
0x88: {  	s2 =	sld [smem:$0x3FD9]  }
0x89: {  	s3 =	sld [smem:$0x3FFE];
	_ =	sdelay $0x1  }
0x8a: {  	s1 =	srdreg.scid  }
0x8b: {  	s0 =	sand.u32 $0x1, s1  }
0x8c: {  	s17 =	sshll.u32 s0, $0xA;
	s2 =	sadd.s32 s3, s2  }
0x8d: {  	s2 =	sadd.s32 s2, s17  }
0x8e: {  	[smem:$0x3FBA] =	sst s2  }
0x8f: {  	_ = 	snop  }
0x90: {  	s2 =	sld [smem:$0x3FC6];
	(tm) =	ssettm $0x1  }
0x91: {  	s18 =	sld [smem:$0x3FFB];
	_ =	sdelay $0x3  }
0x92: {  	_ =	strace s18  }
0x93: {  	s3 =	sld [smem:$0x3FFC];
	_ =	sdelay $0x3  }
0x94: {  	_ =	strace s3  }
0x95: {  	s3 =	sld [smem:$0x3FFD];
	_ =	sdelay $0x3  }
0x96: {  	_ =	strace s3  }
0x97: {  	_ =	strace $0x8FFFFFFF  }
0x98: {  	s19 =	sld [smem:$0x3FDB];
	_ =	sdelay $0x1  }
0x99: {  	s4 =	simm.s32 $_scs_section_size  }
0x9a: {  	s5 =	simm.s32 $_size__tile_overlayer_lowered;
	s6 =	simm.s32 $_tile_overlayer_lowered  }
0x9b: {  	s22 =	simm.s32 $0x1BFF;
	s21 =	sshll.u32 s6, $0x1;
	s3 =	sadd.s32 s4, s19  }
0x9c: {  	s7 =	simm.s32 $0x0;
	s20 =	sshll.u32 s5, $0x1;
	s5 =	sadd.s32 s21, s3  }
0x9d: {  	[timem:s7], [sflag:s22] =	dma.local [hbm:s5], s20  }
0x9e: {  	_ =	swait.ge [sflag:s22], s20  }
0x9f: {  	s4 =	ssub.s32 $0x0, s20;
	[sflag:s22] =	ssyncset.done $0x0  }
0xa0: {  	[sflag:s22] =	ssyncadd.s32 s4;
	_ =	sdelay $0x1  }
0xa1: {  	s23 =	simm.s32 $0x1B8B  }
0xa2: {  	_ =	swait.ge [sflag:s23], $0x1  }
0xa3: {  	[sflag:s23] =	ssyncset.done $0x0  }
0xa4: {  	s25 =	simm.s32 $0x1B8E;
	s24 =	sld [smem:$0x3FFE];
	[sflag:s23] =	ssyncadd.s32 $0xFFFFFFFF  }
0xa5: {  	s26 =	simm.s32 $execute0_lowered;
	[smem:$0x3FD2] =	sst s25  }
0xa6: {  	s5 =	sshll.u32 s26, $0x1;
	_ =	strace $0x80000046;
	[dreg:$0x1] =	wrdreg $0xFFFFFFFF  }
0xa7: {  	s28 =	simm.s32 $_size_execute0_lowered;
	s3 =	sadd.s32 s3, s5;
	[dreg:$0x0] =	wrdreg $0x0  }
0xa8: {  	s5 =	sshll.u32 s28, $0x1;
	[dreg:$0x2] =	wrdreg s3  }
0xa9: {  	[dreg:$0x3] =	wrdreg s5  }
0xaa: {  	[dreg:$0x4] =	wrdreg $0xC0  }
0xab: {  	_ =	task [dreg:s7], $0x5FFFF  }
0xac: {  	[dreg:$0x1] =	wrdreg $0xFFFFFFFF  }
0xad: {  	[dreg:$0x0] =	wrdreg $0x60  }
0xae: {  	[dreg:$0x2] =	wrdreg s2  }
0xaf: {  	[dreg:$0x3] =	wrdreg s24  }
0xb0: {  	[dreg:$0x4] =	wrdreg $0x0  }
0xb1: {  	[dreg:$0x5] =	wrdreg $0x9  }
0xb2: {  	_ =	task.clear_ibuf [dreg:s7], $0x6FFFF;
	_ =	strace $0x90000046  }
0xb3: {  	s29 =	simm.s32 $0x9;
	_ =	strace $0x80000048  }
0xb4: {  	_ =	swait.ge [sflag:s29], $0x1  }
0xb5: {  	[sflag:s29] =	ssyncadd.s32 $0xFFFFFFFF  }
0xb6: {  	_ =	strace $0x90000048  }
0xb7: {  	_ =	sfence  }
0xb8: {  	s30 =	sld [smem:$0x0];
	_ =	sdelay $0x2  }
0xb9: {  	s31 =	sshll.u32 s1, $0xD;
	s1 =	sshrl.u32 s1, $0x2  }
0xba: {  	s3 =	sand.u32 $0x4000, s31;
	s1 =	sadd.s32 s1, s30  }
0xbb: {  	s0 =	sor.u32 s3, s0;
	s1 =	sshll.u32 s1, $0x11  }
0xbc: {  	s0 =	sor.u32 s1, s0  }
0xbd: {  	s0 =	sadd.s32 $0x8F2B, s0  }
0xbe: {  	[sflag:s0] =	ssyncadd.remote.s32 $0x1  }
0xbf: {  	_ =	sfence.sel $0xFFFF  }
0xc0: {  	[dreg:$0x0] =	wrdreg $0xFFFFFFFF;
	(pc) =	sbr.abs _section_cstart, $3  }
0xc1: {  	[dreg:$0x1] =	wrdreg $0xFFFFFFFF  }
0xc2: {  	_ =	task.clear_ibuf [dreg:s7], $0x2FFFF;
	_ =	strace $0x9FFFFFFF  }
0xc3: {  	(tm) =	ssettm $0x7FFFFFFF  }
tec
execute0_lowered:
.L_overlay_start_1:
0x0: {  	(tag) =	ssettag $0x1  }
0x1: {  	s1 =	rddreg [dreg:$0x0]  }
0x2: {  	s0 =	rddreg [dreg:$0x1]  }
0x3: {  	s3 =	rddreg [dreg:$0x2]  }
0x4: {  	s4 =	simm.s32 $0x0;
	s2 =	srdreg.scid;
	s15 =	stileid.u32  }
0x5: {  	s16 =	simm.s32 $0x9;
	s17 =	simm.s32 $0xAC00;
	s18 =	simm.s32 $0xB800  }
0x6: {  	s19 =	simm.s32 $0x6;
	s28 =	simm.s32 $0x17800;
	s29 =	simm.s32 $0x1  }
0x7: {  	s30 =	simm.s32 $0x2;
	s31 =	simm.s32 $0x1CC00;
	s2 =	sand.u32 $0x1, s2  }
0x8: {  	s5 =	smul.u32 $0x3, s15;
	s6 =	sshll.u32 s15, $0x1;
	p0 =	slt.u32 s15, $0x8  }
0x9: {  	[smem:$0x7FF] =	sst s4;
	s7 =	sshll.u32 s2, $0x4;
	s6 =	sadd.s32 $0x8, s6  }
0xa: {  	s20 =	smul.u32 $0x14000, s2;
	_ =	strace $0x80000047;
	s2 =	ssub.s32 $0x2, s2  }
0xb: {  	s7 =	sor.u32 s15, s7;
	s6 =	smov.u32 @p0 s5;
	s22 =	sshrl.u32 s2, $0x1  }
0xc: {  	p0 =	sgt.u32 s15, $0x7;
	s8 =	smul.u32 $0x180, s7;
	s9 =	sshll.u32 s6, $0xB  }
0xd: {  	s7 =	smul.u32 $0x2800, s7;
	s6 =	sshll.u32 s6, $0xE;
	s2 =	ssub.s32 s2, s22  }
0xe: {  	s22 =	simm.s32 $0x8;
	s5 =	sadd.s32 s20, s9;
	s14 =	smax.u32 s2, $0x1  }
0xf: {  	s9 =	simm.s32 $0xA000;
	s20 =	simm.s32 $0x5;
	s2 =	simm.s32 $0x1B800  }
0x10: {  	s8 =	sadd.s32 s8, s0;
	s13 =	sadd.s32 s5, s0;
	s21 =	sshrl.u32 s7, $0x3  }
0x11: {  	s5 =	sadd.s32 s6, s3;
	s6 =	simm.s32 $0x0;
	s23 =	sadd.s32 $0x3A00, s8  }
0x12: {  	s0 =	sadd.s32 s21, s0;
	s24 =	sadd.s32 $0x10A00, s8;
	[dreg:$0x4] =	wrdreg s23  }
0x13: {  	s25 =	sadd.s32 $0x4000, s5;
	s26 =	sadd.s32 $0x8000, s5;
	[dreg:$0x5] =	wrdreg s24  }
0x14: {  	s13 =	sadd.s32 $0x1DA00, s13;
	s21 =	simm.s32 $0x80;
	[dreg:$0x6] =	wrdreg s25  }
0x15: {  	[dreg:$0x7] =	wrdreg s26;
	s10 =	sadd.s32 $0x6A00, s0;
	s11 =	sadd.s32 $0x6C80, s0  }
0x16: {  	s12 =	sadd.s32 $0x13A00, s0;
	s23 =	simm.s32 $0xF800;
	s25 =	simm.s32 $0x13800  }
0x17: {  	v0 =	vimm.f32 $0.0e+00;
	v1 =	vimm.f32 $1.000000000e+00;
	s0 =	simm.s32 $0x3;
	s24 =	simm.s32 $0x4;
	s26 =	simm.s32 $0x7  }
.LBB2_1:
0x18: {  	s7 =	rddreg [dreg:$0x4]  }
0x19: {  	[tilespmem:s9], [sflag:$0x9] =	stream.linear.gather [hbm4b:s7+s4], $0xB80, $0x38;
	[tilespmem:$0x1F400] =	vst v63  }
0x1a: {  	_ =	swait.ge [sflag:s16], $0xB80  }
0x1b: {  	[sflag:s16] =	ssyncset.done $0x0  }
0x1c: {  	s15 =	rddreg [dreg:$0x5];
	[sflag:s16] =	ssyncadd.s32 $0xFFFFF480  }
0x1d: {  	[tilespmem:s17], [sflag:$0x9] =	stream.linear.gather [hbm4b:s15+s4], $0xB80, $0x38;
	[tilespmem:$0x1F400] =	vst v63  }
0x1e: {  	_ =	swait.ge [sflag:s16], $0xB80  }
0x1f: {  	[sflag:s16] =	ssyncset.done $0x0  }
0x20: {  	s8 =	simm.s32 $0x200;
	s7 =	simm.s32 $0x0;
	[sflag:s16] =	ssyncadd.s32 $0xFFFFF480  }
.LBB2_2:
0x21: {  	p1 =	sne.s32 s8, $0xFE00;
	[tilespmem:s7+$0xB870] =	vst v0  }
0x22: {  	[tilespmem:s7+$0xB800] =	vst v0  }
0x23: {  	[tilespmem:s7+$0xB810] =	vst v0  }
.Ltmp0:
0x24: {  	[tilespmem:s7+$0xB820] =	vst v0;
	(pc) =	sbr.rel @p1 .LBB2_2-.Ltmp0, $4  }
0x25: {  	[tilespmem:s7+$0xB830] =	vst v0  }
0x26: {  	[tilespmem:s7+$0xB840] =	vst v0  }
0x27: {  	[tilespmem:s7+$0xB850] =	vst v0  }
0x28: {  	[tilespmem:s7+$0xB860] =	vst v0;
	s7 =	sshra.s32 s8, $0x2;
	s8 =	sadd.s32 $0x200, s8  }
0x29: {  	[tilespmem:s7+$0xB870] =	vst v0  }
0x2a: {  	[tilespmem:s7+$0xB800] =	vst v0  }
0x2b: {  	[tilespmem:s7+$0xB810] =	vst v0  }
0x2c: {  	[tilespmem:s7+$0xB820] =	vst v0  }
0x2d: {  	[tilespmem:s7+$0xB830] =	vst v0  }
0x2e: {  	[tilespmem:s7+$0xB840] =	vst v0  }
0x2f: {  	[tilespmem:s7+$0xB850] =	vst v0  }
0x30: {  	[tilespmem:s7+$0xB860] =	vst v0  }
0x31: {  	[spmem:s5] =	stream.linear.scatter [tilespmem:s18], [sflag:$0x5], $0x4000, $0x38;
	[tilespmem:$0x1F400] =	vst v63  }
0x32: {  	s8 =	rddreg [dreg:$0x6]  }
0x33: {  	[spmem:s8] =	stream.linear.scatter [tilespmem:s18], [sflag:$0x6], $0x4000, $0x38;
	[tilespmem:$0x1F400] =	vst v63  }
0x34: {  	s7 =	simm.s32 @!p0 $0xB800;
	s8 =	rddreg [dreg:$0x7]  }
0x35: {  	[spmem:s8] =	stream.linear.scatter @!p0 [tilespmem:s7], [sflag:$0x7], $0x4000, $0x38;
	[tilespmem:$0x1F400] =	vst v63  }
0x36: {  	s8 =	simm.s32 @!p0 $0x5  }
0x37: {  	_ =	swait.ge @!p0 [sflag:s8], $0x4000  }
0x38: {  	s15 =	simm.s32 @!p0 $0x6;
	[sflag:s8] =	ssyncset.done @!p0 $0x0  }
0x39: {  	s15 =	simm.s32 @p0 $0x5;
	[sflag:s8] =	ssyncadd.s32 @!p0 $0xFFFFC000  }
0x3a: {  	_ =	swait.ge [sflag:s15], $0x4000  }
0x3b: {  	s8 =	simm.s32 @!p0 $0x7;
	[sflag:s15] =	ssyncset.done $0x0  }
0x3c: {  	s8 =	simm.s32 @p0 $0x6;
	[sflag:s15] =	ssyncadd.s32 $0xFFFFC000  }
0x3d: {  	_ =	swait.ge [sflag:s8], $0x4000  }
0x3e: {  	[sflag:s8] =	ssyncset.done $0x0  }
0x3f: {  	[sflag:s8] =	ssyncadd.s32 $0xFFFFC000  }
0x40: {  	[bflag:$0x0] =	sbarrier.arrive $0xFFFF  }
0x41: {  	[tilespmem:s18], [sflag:$0x1] =	stream.indirect.gather [hbm4b:s1+s21], $0x80, s9, s21, $0xb8;
	[tilespmem:$0x1F400] =	vst v63  }
0x42: {  	s9 =	simm.s32 $0xA080  }
0x43: {  	[tilespmem:s23], [sflag:$0x2] =	stream.indirect.gather [hbm4b:s1+s21], $0x80, s9, s21, $0xb8;
	[tilespmem:$0x1F400] =	vst v63  }
0x44: {  	s15 =	simm.s32 $0xA100  }
0x45: {  	[tilespmem:s25], [sflag:$0x3] =	stream.indirect.gather [hbm4b:s1+s21], $0x80, s15, s21, $0xb8;
	[tilespmem:$0x1F400] =	vst v63  }
0x46: {  	s9 =	simm.s32 $0xA180  }
0x47: {  	[tilespmem:s28], [sflag:$0x4] =	stream.indirect.gather [hbm4b:s1+s21], $0x80, s9, s21, $0xb8;
	[tilespmem:$0x1F400] =	vst v63  }
0x48: {  	_ =	swait.ge [sflag:s29], $0x4000  }
0x49: {  	[sflag:s29] =	ssyncset.done $0x0  }
0x4a: {  	[sflag:s29] =	ssyncadd.s32 $0xFFFFC000  }
0x4b: {  	[spmem:s3] =	stream.indirect.scatter.add.f32 [tilespmem:s18], [sflag:$0x5], $0x80, s17, s21, $0xb8;
	[tilespmem:$0x1F400] =	vst v63  }
0x4c: {  	_ =	swait.ge [sflag:s30], $0x4000  }
0x4d: {  	[sflag:s30] =	ssyncset.done $0x0  }
0x4e: {  	s15 =	simm.s32 $0xAC80;
	[sflag:s30] =	ssyncadd.s32 $0xFFFFC000  }
0x4f: {  	[spmem:s3] =	stream.indirect.scatter.add.f32 [tilespmem:s23], [sflag:$0x6], $0x80, s15, s21, $0xb8;
	[tilespmem:$0x1F400] =	vst v63  }
0x50: {  	_ =	swait.ge [sflag:s0], $0x4000  }
0x51: {  	[sflag:s0] =	ssyncset.done $0x0  }
0x52: {  	s9 =	simm.s32 $0xAD00;
	[sflag:s0] =	ssyncadd.s32 $0xFFFFC000  }
0x53: {  	[spmem:s3] =	stream.indirect.scatter.add.f32 [tilespmem:s25], [sflag:$0x7], $0x80, s9, s21, $0xb8;
	[tilespmem:$0x1F400] =	vst v63  }
0x54: {  	_ =	swait.ge [sflag:s24], $0x4000  }
0x55: {  	[sflag:s24] =	ssyncset.done $0x0  }
0x56: {  	s15 =	simm.s32 $0xAD80;
	[sflag:s24] =	ssyncadd.s32 $0xFFFFC000  }
0x57: {  	[spmem:s3] =	stream.indirect.scatter.add.f32 [tilespmem:s28], [sflag:$0x8], $0x80, s15, s21, $0xb8;
	[tilespmem:$0x1F400] =	vst v63  }
0x58: {  	_ =	swait.ge [sflag:s20], $0x4000  }
0x59: {  	[sflag:s20] =	ssyncset.done $0x0  }
0x5a: {  	s9 =	simm.s32 $0xA200;
	[sflag:s20] =	ssyncadd.s32 $0xFFFFC000  }
0x5b: {  	[tilespmem:s18], [sflag:$0x1] =	stream.indirect.gather [hbm4b:s1+s21], $0x80, s9, s21, $0xb8;
	[tilespmem:$0x1F400] =	vst v63  }
0x5c: {  	_ =	swait.ge [sflag:s19], $0x4000  }
0x5d: {  	[sflag:s19] =	ssyncset.done $0x0  }
0x5e: {  	s15 =	simm.s32 $0xA280;
	[sflag:s19] =	ssyncadd.s32 $0xFFFFC000  }
0x5f: {  	[tilespmem:s23], [sflag:$0x2] =	stream.indirect.gather [hbm4b:s1+s21], $0x80, s15, s21, $0xb8;
	[tilespmem:$0x1F400] =	vst v63  }
0x60: {  	_ =	swait.ge [sflag:s26], $0x4000  }
0x61: {  	[sflag:s26] =	ssyncset.done $0x0  }
0x62: {  	s9 =	simm.s32 $0xA300;
	[sflag:s26] =	ssyncadd.s32 $0xFFFFC000  }
0x63: {  	[tilespmem:s25], [sflag:$0x3] =	stream.indirect.gather [hbm4b:s1+s21], $0x80, s9, s21, $0xb8;
	[tilespmem:$0x1F400] =	vst v63  }
0x64: {  	_ =	swait.ge [sflag:s22], $0x4000  }
0x65: {  	[sflag:s22] =	ssyncset.done $0x0  }
0x66: {  	s15 =	simm.s32 $0xA380;
	[sflag:s22] =	ssyncadd.s32 $0xFFFFC000  }
0x67: {  	[tilespmem:s28], [sflag:$0x4] =	stream.indirect.gather [hbm4b:s1+s21], $0x80, s15, s21, $0xb8;
	[tilespmem:$0x1F400] =	vst v63  }
0x68: {  	_ =	swait.ge [sflag:s29], $0x4000  }
0x69: {  	[sflag:s29] =	ssyncset.done $0x0  }
0x6a: {  	s9 =	simm.s32 $0xAE00;
	[sflag:s29] =	ssyncadd.s32 $0xFFFFC000  }
0x6b: {  	[spmem:s3] =	stream.indirect.scatter.add.f32 [tilespmem:s18], [sflag:$0x5], $0x80, s9, s21, $0xb8;
	[tilespmem:$0x1F400] =	vst v63  }
0x6c: {  	_ =	swait.ge [sflag:s30], $0x4000  }
0x6d: {  	[sflag:s30] =	ssyncset.done $0x0  }
0x6e: {  	s15 =	simm.s32 $0xAE80;
	[sflag:s30] =	ssyncadd.s32 $0xFFFFC000  }
0x6f: {  	[spmem:s3] =	stream.indirect.scatter.add.f32 [tilespmem:s23], [sflag:$0x6], $0x80, s15, s21, $0xb8;
	[tilespmem:$0x1F400] =	vst v63  }
0x70: {  	_ =	swait.ge [sflag:s0], $0x4000  }
0x71: {  	[sflag:s0] =	ssyncset.done $0x0  }
0x72: {  	s9 =	simm.s32 $0xAF00;
	[sflag:s0] =	ssyncadd.s32 $0xFFFFC000  }
0x73: {  	[spmem:s3] =	stream.indirect.scatter.add.f32 [tilespmem:s25], [sflag:$0x7], $0x80, s9, s21, $0xb8;
	[tilespmem:$0x1F400] =	vst v63  }
0x74: {  	_ =	swait.ge [sflag:s24], $0x4000  }
0x75: {  	[sflag:s24] =	ssyncset.done $0x0  }
0x76: {  	s15 =	simm.s32 $0xAF80;
	[sflag:s24] =	ssyncadd.s32 $0xFFFFC000  }
0x77: {  	[spmem:s3] =	stream.indirect.scatter.add.f32 [tilespmem:s28], [sflag:$0x8], $0x80, s15, s21, $0xb8;
	[tilespmem:$0x1F400] =	vst v63  }
0x78: {  	_ =	swait.ge [sflag:s20], $0x4000  }
0x79: {  	[sflag:s20] =	ssyncset.done $0x0  }
0x7a: {  	s9 =	simm.s32 $0xA400;
	[sflag:s20] =	ssyncadd.s32 $0xFFFFC000  }
0x7b: {  	[tilespmem:s18], [sflag:$0x1] =	stream.indirect.gather [hbm4b:s1+s21], $0x80, s9, s21, $0xb8;
	[tilespmem:$0x1F400] =	vst v63  }
0x7c: {  	_ =	swait.ge [sflag:s19], $0x4000  }
0x7d: {  	[sflag:s19] =	ssyncset.done $0x0  }
0x7e: {  	s15 =	simm.s32 $0xA480;
	[sflag:s19] =	ssyncadd.s32 $0xFFFFC000  }
0x7f: {  	[tilespmem:s23], [sflag:$0x2] =	stream.indirect.gather [hbm4b:s1+s21], $0x80, s15, s21, $0xb8;
	[tilespmem:$0x1F400] =	vst v63  }
0x80: {  	_ =	swait.ge [sflag:s26], $0x4000  }
0x81: {  	[sflag:s26] =	ssyncset.done $0x0  }
0x82: {  	s9 =	simm.s32 $0xA500;
	[sflag:s26] =	ssyncadd.s32 $0xFFFFC000  }
0x83: {  	[tilespmem:s25], [sflag:$0x3] =	stream.indirect.gather [hbm4b:s1+s21], $0x80, s9, s21, $0xb8;
	[tilespmem:$0x1F400] =	vst v63  }
0x84: {  	_ =	swait.ge [sflag:s22], $0x4000  }
0x85: {  	[sflag:s22] =	ssyncset.done $0x0  }
0x86: {  	s15 =	simm.s32 $0xA580;
	[sflag:s22] =	ssyncadd.s32 $0xFFFFC000  }
0x87: {  	[tilespmem:s28], [sflag:$0x4] =	stream.indirect.gather [hbm4b:s1+s21], $0x80, s15, s21, $0xb8;
	[tilespmem:$0x1F400] =	vst v63  }
0x88: {  	_ =	swait.ge [sflag:s29], $0x4000  }
0x89: {  	[sflag:s29] =	ssyncset.done $0x0  }
0x8a: {  	s9 =	simm.s32 $0xB000;
	[sflag:s29] =	ssyncadd.s32 $0xFFFFC000  }
0x8b: {  	[spmem:s3] =	stream.indirect.scatter.add.f32 [tilespmem:s18], [sflag:$0x5], $0x80, s9, s21, $0xb8;
	[tilespmem:$0x1F400] =	vst v63  }
0x8c: {  	_ =	swait.ge [sflag:s30], $0x4000  }
0x8d: {  	[sflag:s30] =	ssyncset.done $0x0  }
0x8e: {  	s15 =	simm.s32 $0xB080;
	[sflag:s30] =	ssyncadd.s32 $0xFFFFC000  }
0x8f: {  	[spmem:s3] =	stream.indirect.scatter.add.f32 [tilespmem:s23], [sflag:$0x6], $0x80, s15, s21, $0xb8;
	[tilespmem:$0x1F400] =	vst v63  }
0x90: {  	_ =	swait.ge [sflag:s0], $0x4000  }
0x91: {  	[sflag:s0] =	ssyncset.done $0x0  }
0x92: {  	s9 =	simm.s32 $0xB100;
	[sflag:s0] =	ssyncadd.s32 $0xFFFFC000  }
0x93: {  	[spmem:s3] =	stream.indirect.scatter.add.f32 [tilespmem:s25], [sflag:$0x7], $0x80, s9, s21, $0xb8;
	[tilespmem:$0x1F400] =	vst v63  }
0x94: {  	_ =	swait.ge [sflag:s24], $0x4000  }
0x95: {  	[sflag:s24] =	ssyncset.done $0x0  }
0x96: {  	s15 =	simm.s32 $0xB180;
	[sflag:s24] =	ssyncadd.s32 $0xFFFFC000  }
0x97: {  	[spmem:s3] =	stream.indirect.scatter.add.f32 [tilespmem:s28], [sflag:$0x8], $0x80, s15, s21, $0xb8;
	[tilespmem:$0x1F400] =	vst v63  }
0x98: {  	_ =	swait.ge [sflag:s20], $0x4000  }
0x99: {  	[sflag:s20] =	ssyncset.done $0x0  }
0x9a: {  	s9 =	simm.s32 $0xA600;
	[sflag:s20] =	ssyncadd.s32 $0xFFFFC000  }
0x9b: {  	[tilespmem:s18], [sflag:$0x1] =	stream.indirect.gather [hbm4b:s1+s21], $0x80, s9, s21, $0xb8;
	[tilespmem:$0x1F400] =	vst v63  }
0x9c: {  	_ =	swait.ge [sflag:s19], $0x4000  }
0x9d: {  	[sflag:s19] =	ssyncset.done $0x0  }
0x9e: {  	s15 =	simm.s32 $0xA680;
	[sflag:s19] =	ssyncadd.s32 $0xFFFFC000  }
0x9f: {  	[tilespmem:s23], [sflag:$0x2] =	stream.indirect.gather [hbm4b:s1+s21], $0x80, s15, s21, $0xb8;
	[tilespmem:$0x1F400] =	vst v63  }
0xa0: {  	_ =	swait.ge [sflag:s26], $0x4000  }
0xa1: {  	[sflag:s26] =	ssyncset.done $0x0  }
0xa2: {  	s9 =	simm.s32 $0xA700;
	[sflag:s26] =	ssyncadd.s32 $0xFFFFC000  }
0xa3: {  	[tilespmem:s25], [sflag:$0x3] =	stream.indirect.gather [hbm4b:s1+s21], $0x80, s9, s21, $0xb8;
	[tilespmem:$0x1F400] =	vst v63  }
0xa4: {  	_ =	swait.ge [sflag:s22], $0x4000  }
0xa5: {  	[sflag:s22] =	ssyncset.done $0x0  }
0xa6: {  	s15 =	simm.s32 $0xA780;
	[sflag:s22] =	ssyncadd.s32 $0xFFFFC000  }
0xa7: {  	[tilespmem:s28], [sflag:$0x4] =	stream.indirect.gather [hbm4b:s1+s21], $0x80, s15, s21, $0xb8;
	[tilespmem:$0x1F400] =	vst v63  }
0xa8: {  	_ =	swait.ge [sflag:s29], $0x4000  }
0xa9: {  	[sflag:s29] =	ssyncset.done $0x0  }
0xaa: {  	s9 =	simm.s32 $0xB200;
	[sflag:s29] =	ssyncadd.s32 $0xFFFFC000  }
0xab: {  	[spmem:s3] =	stream.indirect.scatter.add.f32 [tilespmem:s18], [sflag:$0x5], $0x80, s9, s21, $0xb8;
	[tilespmem:$0x1F400] =	vst v63  }
0xac: {  	_ =	swait.ge [sflag:s30], $0x4000  }
0xad: {  	[sflag:s30] =	ssyncset.done $0x0  }
0xae: {  	s15 =	simm.s32 $0xB280;
	[sflag:s30] =	ssyncadd.s32 $0xFFFFC000  }
0xaf: {  	[spmem:s3] =	stream.indirect.scatter.add.f32 [tilespmem:s23], [sflag:$0x6], $0x80, s15, s21, $0xb8;
	[tilespmem:$0x1F400] =	vst v63  }
0xb0: {  	_ =	swait.ge [sflag:s0], $0x4000  }
0xb1: {  	[sflag:s0] =	ssyncset.done $0x0  }
0xb2: {  	s9 =	simm.s32 $0xB300;
	[sflag:s0] =	ssyncadd.s32 $0xFFFFC000  }
0xb3: {  	[spmem:s3] =	stream.indirect.scatter.add.f32 [tilespmem:s25], [sflag:$0x7], $0x80, s9, s21, $0xb8;
	[tilespmem:$0x1F400] =	vst v63  }
0xb4: {  	_ =	swait.ge [sflag:s24], $0x4000  }
0xb5: {  	[sflag:s24] =	ssyncset.done $0x0  }
0xb6: {  	s15 =	simm.s32 $0xB380;
	[sflag:s24] =	ssyncadd.s32 $0xFFFFC000  }
0xb7: {  	[spmem:s3] =	stream.indirect.scatter.add.f32 [tilespmem:s28], [sflag:$0x8], $0x80, s15, s21, $0xb8;
	[tilespmem:$0x1F400] =	vst v63  }
0xb8: {  	_ =	swait.ge [sflag:s20], $0x4000  }
0xb9: {  	[sflag:s20] =	ssyncset.done $0x0  }
0xba: {  	s9 =	simm.s32 $0xA800;
	[sflag:s20] =	ssyncadd.s32 $0xFFFFC000  }
0xbb: {  	[tilespmem:s18], [sflag:$0x1] =	stream.indirect.gather [hbm4b:s1+s21], $0x80, s9, s21, $0xb8;
	[tilespmem:$0x1F400] =	vst v63  }
0xbc: {  	_ =	swait.ge [sflag:s19], $0x4000  }
0xbd: {  	[sflag:s19] =	ssyncset.done $0x0  }
0xbe: {  	s15 =	simm.s32 $0xA880;
	[sflag:s19] =	ssyncadd.s32 $0xFFFFC000  }
0xbf: {  	[tilespmem:s23], [sflag:$0x2] =	stream.indirect.gather [hbm4b:s1+s21], $0x80, s15, s21, $0xb8;
	[tilespmem:$0x1F400] =	vst v63  }
0xc0: {  	_ =	swait.ge [sflag:s26], $0x4000  }
0xc1: {  	[sflag:s26] =	ssyncset.done $0x0  }
0xc2: {  	s9 =	simm.s32 $0xA900;
	[sflag:s26] =	ssyncadd.s32 $0xFFFFC000  }
0xc3: {  	[tilespmem:s25], [sflag:$0x3] =	stream.indirect.gather [hbm4b:s1+s21], $0x80, s9, s21, $0xb8;
	[tilespmem:$0x1F400] =	vst v63  }
0xc4: {  	_ =	swait.ge [sflag:s22], $0x4000  }
0xc5: {  	[sflag:s22] =	ssyncset.done $0x0  }
0xc6: {  	s15 =	simm.s32 $0xA980;
	[sflag:s22] =	ssyncadd.s32 $0xFFFFC000  }
0xc7: {  	[tilespmem:s28], [sflag:$0x4] =	stream.indirect.gather [hbm4b:s1+s21], $0x80, s15, s21, $0xb8;
	[tilespmem:$0x1F400] =	vst v63  }
0xc8: {  	_ =	swait.ge [sflag:s29], $0x4000  }
0xc9: {  	[sflag:s29] =	ssyncset.done $0x0  }
0xca: {  	s9 =	simm.s32 $0xB400;
	[sflag:s29] =	ssyncadd.s32 $0xFFFFC000  }
0xcb: {  	[spmem:s3] =	stream.indirect.scatter.add.f32 [tilespmem:s18], [sflag:$0x5], $0x80, s9, s21, $0xb8;
	[tilespmem:$0x1F400] =	vst v63  }
0xcc: {  	_ =	swait.ge [sflag:s30], $0x4000  }
0xcd: {  	[sflag:s30] =	ssyncset.done $0x0  }
0xce: {  	s15 =	simm.s32 $0xB480;
	[sflag:s30] =	ssyncadd.s32 $0xFFFFC000  }
0xcf: {  	[spmem:s3] =	stream.indirect.scatter.add.f32 [tilespmem:s23], [sflag:$0x6], $0x80, s15, s21, $0xb8;
	[tilespmem:$0x1F400] =	vst v63  }
0xd0: {  	_ =	swait.ge [sflag:s0], $0x4000  }
0xd1: {  	[sflag:s0] =	ssyncset.done $0x0  }
0xd2: {  	s9 =	simm.s32 $0xB500;
	[sflag:s0] =	ssyncadd.s32 $0xFFFFC000  }
0xd3: {  	[spmem:s3] =	stream.indirect.scatter.add.f32 [tilespmem:s25], [sflag:$0x7], $0x80, s9, s21, $0xb8;
	[tilespmem:$0x1F400] =	vst v63  }
0xd4: {  	_ =	swait.ge [sflag:s24], $0x4000  }
0xd5: {  	[sflag:s24] =	ssyncset.done $0x0  }
0xd6: {  	s15 =	simm.s32 $0xB580;
	[sflag:s24] =	ssyncadd.s32 $0xFFFFC000  }
0xd7: {  	[spmem:s3] =	stream.indirect.scatter.add.f32 [tilespmem:s28], [sflag:$0x8], $0x80, s15, s21, $0xb8;
	[tilespmem:$0x1F400] =	vst v63  }
0xd8: {  	_ =	swait.ge [sflag:s20], $0x4000  }
0xd9: {  	[sflag:s20] =	ssyncset.done $0x0  }
0xda: {  	s9 =	simm.s32 $0xAA00;
	[sflag:s20] =	ssyncadd.s32 $0xFFFFC000  }
0xdb: {  	[tilespmem:s18], [sflag:$0x1] =	stream.indirect.gather [hbm4b:s1+s21], $0x80, s9, s21, $0xb8;
	[tilespmem:$0x1F400] =	vst v63  }
0xdc: {  	_ =	swait.ge [sflag:s19], $0x4000  }
0xdd: {  	[sflag:s19] =	ssyncset.done $0x0  }
0xde: {  	s8 =	simm.s32 @p0 $0x1;
	s15 =	simm.s32 $0xAA80;
	[sflag:s19] =	ssyncadd.s32 $0xFFFFC000  }
0xdf: {  	[tilespmem:s23], [sflag:$0x2] =	stream.indirect.gather [hbm4b:s1+s21], $0x80, s15, s21, $0xb8;
	[tilespmem:$0x1F400] =	vst v63  }
0xe0: {  	_ =	swait.ge @p0 [sflag:s8], $0x4000  }
0xe1: {  	s9 =	simm.s32 @p0 $0xB800;
	[sflag:s8] =	ssyncset.done @p0 $0x0  }
0xe2: {  	s15 =	simm.s32 @p0 $0xB600;
	[sflag:s8] =	ssyncadd.s32 @p0 $0xFFFFC000;
	s8 =	simm.s32 @p0 $0x80  }
0xe3: {  	[spmem:s3] =	stream.indirect.scatter.add.f32 @p0 [tilespmem:s9], [sflag:$0x5], $0x80, s15, s8, $0xb8;
	[tilespmem:$0x1F400] =	vst v63  }
0xe4: {  	s9 =	simm.s32 @p0 $0x2  }
0xe5: {  	_ =	swait.ge @p0 [sflag:s9], $0x4000  }
0xe6: {  	[sflag:s9] =	ssyncset.done @p0 $0x0  }
0xe7: {  	s15 =	simm.s32 @p0 $0xF800;
	[sflag:s9] =	ssyncadd.s32 @p0 $0xFFFFC000;
	s9 =	simm.s32 @p0 $0xB680  }
0xe8: {  	[spmem:s3] =	stream.indirect.scatter.add.f32 @p0 [tilespmem:s15], [sflag:$0x6], $0x80, s9, s8, $0xb8;
	[tilespmem:$0x1F400] =	vst v63  }
0xe9: {  	s8 =	simm.s32 @!p0 $0x7  }
0xea: {  	_ =	swait.ge @!p0 [sflag:s8], $0x4000  }
0xeb: {  	s9 =	simm.s32 @!p0 $0xAB00;
	[sflag:s8] =	ssyncset.done @!p0 $0x0  }
0xec: {  	s15 =	simm.s32 @!p0 $0x13800;
	[sflag:s8] =	ssyncadd.s32 @!p0 $0xFFFFC000;
	s8 =	simm.s32 @!p0 $0x80  }
0xed: {  	[tilespmem:s15], [sflag:$0x3] =	stream.indirect.gather @!p0 [hbm4b:s1+s8], $0x80, s9, s8, $0xb8;
	[tilespmem:$0x1F400] =	vst v63  }
0xee: {  	s9 =	simm.s32 @!p0 $0x1  }
0xef: {  	_ =	swait.ge @!p0 [sflag:s9], $0x4000  }
0xf0: {  	[sflag:s9] =	ssyncset.done @!p0 $0x0  }
0xf1: {  	[sflag:s9] =	ssyncadd.s32 @!p0 $0xFFFFC000;
	s9 =	simm.s32 @!p0 $0xB600  }
0xf2: {  	[spmem:s3] =	stream.indirect.scatter.add.f32 @!p0 [tilespmem:s7], [sflag:$0x5], $0x80, s9, s8, $0xb8;
	[tilespmem:$0x1F400] =	vst v63  }
0xf3: {  	s7 =	simm.s32 @!p0 $0x2  }
0xf4: {  	_ =	swait.ge @!p0 [sflag:s7], $0x4000  }
0xf5: {  	[sflag:s7] =	ssyncset.done @!p0 $0x0  }
0xf6: {  	s9 =	simm.s32 @!p0 $0xF800;
	[sflag:s7] =	ssyncadd.s32 @!p0 $0xFFFFC000;
	s7 =	simm.s32 @!p0 $0xB680  }
0xf7: {  	[spmem:s3] =	stream.indirect.scatter.add.f32 @!p0 [tilespmem:s9], [sflag:$0x6], $0x80, s7, s8, $0xb8;
	[tilespmem:$0x1F400] =	vst v63  }
0xf8: {  	s7 =	simm.s32 @!p0 $0x3  }
0xf9: {  	_ =	swait.ge @!p0 [sflag:s7], $0x4000  }
0xfa: {  	[sflag:s7] =	ssyncset.done @!p0 $0x0  }
0xfb: {  	[sflag:s7] =	ssyncadd.s32 @!p0 $0xFFFFC000;
	s7 =	simm.s32 @!p0 $0xB700  }
0xfc: {  	[spmem:s3] =	stream.indirect.scatter.add.f32 @!p0 [tilespmem:s15], [sflag:$0x7], $0x80, s7, s8, $0xb8;
	[tilespmem:$0x1F400] =	vst v63  }
0xfd: {  	s7 =	simm.s32 $0x40;
	s8 =	simm.s32 $0x0  }
.LBB2_4:
0xfe: {  	p1 =	sne.s32 s7, $0x9FC0;
	[tilespmem:s8+$0x1CC00] =	vst v0;
	s8 =	smov.u32 s7;
	s7 =	sadd.s32 $0x40, s7  }
.Ltmp1:
0xff: {  	(pc) =	sbr.rel @p1 .LBB2_4-.Ltmp1, $2  }
0x100: {  	_ =	sdelay $0x2  }
0x101: {  	s8 =	sshra.s32 s8, $0x2  }
0x102: {  	[tilespmem:s8+$0x1CC00] =	vst v0;
	s7 =	simm.s32 $0x0  }
0x103: {  	[tilespmem:s2], [sflag:$0x9] =	stream.linear.gather [hbm4b:s10+s7], $0x1400, $0x38;
	[tilespmem:$0x1F400] =	vst v63  }
0x104: {  	_ =	swait.ge [sflag:s16], $0x1400  }
0x105: {  	[sflag:s16] =	ssyncset.done $0x0  }
0x106: {  	s8 =	simm.s32 $0x0;
	s7 =	simm.s32 $0x40;
	[sflag:s16] =	ssyncadd.s32 $0xFFFFEC00  }
.LBB2_6:
0x107: {  	p1 =	sne.s32 s7, $0x4FC0;
	v2 =	vld [tilespmem:s8+$0x1B800];
	_ =	sdelay $0x3  }
.Ltmp2:
0x108: {  	(pc) =	sbr.rel @p1 .LBB2_6-.Ltmp2, $2  }
0x109: {  	_ =	sdelay $0x2  }
0x10a: {  	s8 =	sshra.s32 s7, $0x2;
	s7 =	sadd.s32 $0x40, s7;
	[tilespmem:v2+s31+$0x0] =	vst.idx.add.f32.msk $0xffff, v1  }
0x10b: {  	v2 =	vld [tilespmem:s8+$0x1B800];
	_ =	sdelay $0x7  }
0x10c: {  	s7 =	simm.s32 $0x0;
	[tilespmem:v2+s31+$0x0] =	vst.idx.add.f32.msk $0xffff, v1  }
0x10d: {  	[tilespmem:s2], [sflag:$0x9] =	stream.linear.gather [hbm4b:s11+s7], $0x1400, $0x38;
	[tilespmem:$0x1F400] =	vst v63  }
0x10e: {  	_ =	swait.ge [sflag:s16], $0x1400  }
0x10f: {  	s8 =	simm.s32 $0x0;
	[sflag:s16] =	ssyncset.done $0x0  }
0x110: {  	s9 =	simm.s32 $0xA000;
	s7 =	simm.s32 $0x40;
	[sflag:s16] =	ssyncadd.s32 $0xFFFFEC00  }
.LBB2_8:
0x111: {  	p1 =	sne.s32 s7, $0x4FC0;
	v2 =	vld [tilespmem:s8+$0x1B800];
	_ =	sdelay $0x3  }
.Ltmp3:
0x112: {  	(pc) =	sbr.rel @p1 .LBB2_8-.Ltmp3, $2  }
0x113: {  	_ =	sdelay $0x2  }
0x114: {  	s8 =	sshra.s32 s7, $0x2;
	s7 =	sadd.s32 $0x40, s7;
	[tilespmem:v2+s31+$0x0] =	vst.idx.add.f32.msk $0xffff, v1  }
0x115: {  	v2 =	vld [tilespmem:s8+$0x1B800];
	_ =	sdelay $0x7  }
0x116: {  	[tilespmem:v2+s31+$0x0] =	vst.idx.add.f32.msk $0xffff, v1  }
0x117: {  	[hbm4b:s12+s4] =	stream.linear.scatter [tilespmem:s31], [sflag:$0x9], $0x2800, $0x38;
	[tilespmem:$0x1F400] =	vst v63  }
0x118: {  	_ =	swait.ge [sflag:s16], $0x2800  }
0x119: {  	[sflag:s16] =	ssyncset.done $0x0  }
0x11a: {  	[sflag:s16] =	ssyncadd.s32 $0xFFFFD800  }
0x11b: {  	_ =	swait.ge [sflag:s20], $0x4000  }
0x11c: {  	[sflag:s20] =	ssyncset.done $0x0  }
0x11d: {  	[sflag:s20] =	ssyncadd.s32 $0xFFFFC000  }
0x11e: {  	_ =	swait.ge [sflag:s19], $0x4000  }
0x11f: {  	[sflag:s19] =	ssyncset.done $0x0  }
0x120: {  	[sflag:s19] =	ssyncadd.s32 $0xFFFFC000  }
0x121: {  	_ =	swait.ge [sflag:s26], $0x4000  }
0x122: {  	[sflag:s26] =	ssyncset.done $0x0  }
0x123: {  	[sflag:s26] =	ssyncadd.s32 $0xFFFFC000  }
0x124: {  	_ =	swait.ge [sflag:s22], $0x4000  }
0x125: {  	s7 =	stileid.u32;
	[sflag:s22] =	ssyncset.done $0x0  }
0x126: {  	s7 =	sshll.u32 s7, $0x6;
	[sflag:s22] =	ssyncadd.s32 $0xFFFFC000  }
0x127: {  	s8 =	sshrl.u32 @p0 s5, $0x3;
	s7 =	sor.u32 $0x1C09, s7;
	[bflag:$0x0] =	sbarrier.arrive $0xFFFF  }
0x128: {  	[hbm:s13], [sflag:s7] =	dma.local @p0 [spmem:s8], $0x1000  }
0x129: {  	s8 =	simm.s32 @p0 $0x9  }
0x12a: {  	_ =	swait.ge @p0 [sflag:s8], $0x1000  }
0x12b: {  	s6 =	sadd.s32 $0x1, s6;
	[sflag:s8] =	ssyncset.done @p0 $0x0  }
0x12c: {  	p1 =	sne.s32 s6, s14;
	[sflag:s8] =	ssyncadd.s32 @p0 $0xFFFFF000;
	s8 =	sshrl.u32 @!p0 s5, $0x3  }
0x12d: {  	[hbm:s13], [sflag:s7] =	dma.local @!p0 [spmem:s8], $0x1800  }
.Ltmp4:
0x12e: {  	_ = 	snop;
	(pc) =	sbr.rel @p1 .LBB2_1-.Ltmp4, $4  }
0x12f: {  	s7 =	simm.s32 @!p0 $0x9  }
0x130: {  	_ =	swait.ge @!p0 [sflag:s7], $0x1800  }
0x131: {  	[sflag:s7] =	ssyncset.done @!p0 $0x0  }
0x132: {  	[sflag:s7] =	ssyncadd.s32 @!p0 $0xFFFFE800  }
0x133: {  	_ =	sfence.sel $0x180000  }
0x134: {  	[bflag:$0x0] =	sbarrier.arrive $0xFFFF  }
0x135: {  	_ =	strace $0x90000047  }
0x136: {  	s0 =	stileid.u32;
	[bflag:$0x2] =	sbarrier.arrive $0xFFFF  }
0x137: {  	p0 =	sne.s32 s0, $0x0;
	s0 =	rddreg [dreg:$0x3]  }
0x138: {  	s0 =	sadd.s32 @!p0 $0x100000, s0  }
0x139: {  	[sflag:s0] =	ssyncadd.tile.s32 @!p0 $0x1;
	_ =	shalt  }
.Lfunc_end2:
_tile_overlayer_lowered:
.L_overlay_start_2:
0x13a: {  	(tag) =	ssettag $0x2  }
0x13b: {  	s0 =	rddreg [dreg:$0x0];
	s2 =	stileid.u32  }
0x13c: {  	s1 =	rddreg [dreg:$0x1];
	p0 =	sne.s32 s2, $0x0  }
0x13d: {  	s3 =	rddreg [dreg:$0x2];
	[bflag:$0x3] =	sbarrier.arrive $0xFFFF;
	s2 =	simm.s32 @!p0 $0x1C09  }
0x13e: {  	[timem:s3], [sflag:s2] =	dma.local @!p0 [hbm:s0], s1  }
0x13f: {  	s0 =	simm.s32 @!p0 $0x9  }
0x140: {  	_ =	swait.ge @!p0 [sflag:s0], s1  }
0x141: {  	s1 =	ssub.s32 @!p0 $0x0, s1;
	[sflag:s0] =	ssyncset.done @!p0 $0x0  }
0x142: {  	[sflag:s0] =	ssyncadd.s32 @!p0 s1  }
0x143: {  	[bflag:$0x3] =	sbarrier.arrive $0xFFFF  }
0x144: {  	_ =	shalt  }

</sc_bundles>
